<compile_context>
chip_gen: v7x
topology: tpu7x:2x2x1
jax: 0.10.2.dev20260603
libtpu: 0.0.44.dev20260713+nightly
codegen_flags: <defaults>
</compile_context>

<pallas_src>
import functools

import jax
import jax.numpy as jnp
import numpy as np
from jax import lax
from jax.experimental import pallas as pl
from jax.experimental.pallas import tpu as pltpu
from jax.experimental.pallas import tpu_sc as plsc

B = 16
LQ = 128
L = 1024
E = B * L
N = 10000
H = 128
NH = 8
DH = H // NH
EPS = 1e-12

NW = 32
SCH = 128
FCH = 32
CHG = 64
EPW = E // NW


@functools.cache
def _make_sc_gather():
    mesh = plsc.VectorSubcoreMesh(core_axis_name="c", subcore_axis_name="s")

    @functools.partial(
        pl.kernel,
        mesh=mesh,
        out_type=(
            jax.ShapeDtypeStruct((E, H), jnp.float32),
            jax.ShapeDtypeStruct((E, H), jnp.float32),
        ),
        scratch_types=[
            pltpu.VMEM((CHG,), jnp.int32),
            pltpu.VMEM((CHG,), jnp.int32),
            pltpu.VMEM((CHG, H), jnp.float32),
            pltpu.VMEM((CHG, H), jnp.float32),
            pltpu.SemaphoreType.DMA,
            pltpu.SemaphoreType.DMA,
            pltpu.SemaphoreType.DMA,
            pltpu.SemaphoreType.DMA,
        ],
    )
    def _sc_gather(graph_hbm, src_hbm, dst_hbm, srcf_out, valf_out,
                   idx_a, idx_b, rows_a, rows_b, sem_a, sem_b,
                   sem_wa, sem_wb):
        wid = lax.axis_index("s") * 2 + lax.axis_index("c")
        base = wid * EPW
        nch = EPW // CHG

        def step(j, _):
            off = pl.multiple_of(base + j * CHG, CHG)
            pltpu.sync_copy(src_hbm.at[pl.ds(off, CHG)], idx_a)
            pltpu.sync_copy(dst_hbm.at[pl.ds(off, CHG)], idx_b)
            ga = pltpu.async_copy(graph_hbm.at[idx_a], rows_a, sem_a)
            gb = pltpu.async_copy(graph_hbm.at[idx_b], rows_b, sem_b)
            ga.wait()
            wa = pltpu.async_copy(rows_a, srcf_out.at[pl.ds(off, CHG)],
                                  sem_wa)
            gb.wait()
            wb = pltpu.async_copy(rows_b, valf_out.at[pl.ds(off, CHG)],
                                  sem_wb)
            wa.wait()
            wb.wait()
            return 0

        lax.fori_loop(0, nch, step, 0)

    return _sc_gather


def _dense_body(mask_ref, xq_ref, srcf_ref, rel_ref, val_ref,
                Wq_ref, bq_ref, Wk1_ref, Wk2_ref, bk_ref, Wv_ref, bv_ref,
                Wo_ref, bo_ref, ln1g_ref, ln1b_ref,
                W1_ref, b1_ref, W2_ref, b2_ref, ln2g_ref, ln2b_ref,
                qn_out, vn_out):
    f32 = jnp.float32
    bf16 = jnp.bfloat16

    def dot(a, b):
        return lax.dot_general(a.astype(bf16), b.astype(bf16),
                               (((1,), (0,)), ((), ())),
                               preferred_element_type=f32)

    def lnorm(x, g, b):
        mu = jnp.mean(x, axis=-1, keepdims=True)
        var = jnp.mean((x - mu) ** 2, axis=-1, keepdims=True)
        return (x - mu) / jnp.sqrt(var + EPS) * g + b

    xq = xq_ref[0]
    srcf = srcf_ref[0]
    rel = rel_ref[0]
    val = val_ref[0]
    mask = mask_ref[0, 0]

    q = dot(xq, Wq_ref[...]) + bq_ref[...]
    k = dot(srcf, Wk1_ref[...]) + dot(rel, Wk2_ref[...]) + bk_ref[...]
    v = dot(val, Wv_ref[...]) + bv_ref[...]

    scale = f32(1.0 / np.sqrt(DH))
    qctx_parts = []
    vctx_parts = []
    for h in range(NH):
        qh = q[:, h * DH:(h + 1) * DH]
        kh = k[:, h * DH:(h + 1) * DH]
        vh = v[:, h * DH:(h + 1) * DH]
        s = lax.dot_general(qh.astype(bf16), kh.astype(bf16),
                            (((1,), (1,)), ((), ())),
                            preferred_element_type=f32) * scale
        e = jnp.exp(s - jnp.max(s, axis=1, keepdims=True))
        p = e / jnp.sum(e, axis=1, keepdims=True)
        qctx_parts.append(dot(p, vh))
        s2 = s + mask[:, None]
        e2 = jnp.exp(s2 - jnp.max(s2, axis=0, keepdims=True))
        p2 = e2 / jnp.sum(e2, axis=0, keepdims=True)
        vctx_parts.append(
            lax.dot_general(p2.astype(bf16), qh.astype(bf16),
                            (((0,), (0,)), ((), ())),
                            preferred_element_type=f32))

    qctx = jnp.concatenate(qctx_parts, axis=1)
    vctx = jnp.concatenate(vctx_parts, axis=1)

    hidden = dot(qctx, Wo_ref[...]) + bo_ref[...] + xq
    qn_out[0] = lnorm(hidden, ln1g_ref[...], ln1b_ref[...])

    theta = jax.nn.sigmoid(dot(vctx, W1_ref[...]) + b1_ref[...]
                           + dot(val, W2_ref[...]) + b2_ref[...])
    vn = theta * vctx + (1.0 - theta) * val
    vn_out[0] = lnorm(vn, ln2g_ref[...], ln2b_ref[...])


def _run_dense(mask, query, srcf, rel, val,
               Wq, bq, Wk1, Wk2, bk, Wv, bv, Wo, bo, ln1g, ln1b,
               W1, b1, W2, b2, ln2g, ln2b):
    def whole(shape):
        return pl.BlockSpec(shape, lambda b: (0,) * len(shape))

    def batched(shape):
        return pl.BlockSpec(shape, lambda b: (b,) + (0,) * (len(shape) - 1))

    in_specs = [
        batched((1, 1, LQ)),
        batched((1, LQ, H)),
        batched((1, L, H)),
        batched((1, L, H)),
        batched((1, L, H)),
        whole((H, H)), whole((1, H)),
        whole((H, H)), whole((H, H)), whole((1, H)),
        whole((H, H)), whole((1, H)),
        whole((H, H)), whole((1, H)),
        whole((1, H)), whole((1, H)),
        whole((H, H)), whole((1, H)),
        whole((H, H)), whole((1, H)),
        whole((1, H)), whole((1, H)),
    ]
    out_specs = (batched((1, LQ, H)), batched((1, L, H)))
    out_shape = (jax.ShapeDtypeStruct((B, LQ, H), jnp.float32),
                 jax.ShapeDtypeStruct((B, L, H), jnp.float32))
    return pl.pallas_call(
        _dense_body,
        grid=(B,),
        in_specs=in_specs,
        out_specs=out_specs,
        out_shape=out_shape,
    )(mask, query, srcf, rel, val, Wq, bq, Wk1, Wk2, bk, Wv, bv,
      Wo, bo, ln1g, ln1b, W1, b1, W2, b2, ln2g, ln2b)


@functools.cache
def _make_sc_scatter():
    mesh = plsc.VectorSubcoreMesh(core_axis_name="c", subcore_axis_name="s",
                                  num_cores=1)

    @functools.partial(
        pl.kernel,
        mesh=mesh,
        out_type=(jax.ShapeDtypeStruct((N, H), jnp.float32),
                  jax.ShapeDtypeStruct((N, H), jnp.float32)),
        scratch_types=[
            pltpu.VMEM_SHARED((N, H), jnp.float32),
            pltpu.VMEM((SCH,), jnp.int32),
            pltpu.VMEM((SCH,), jnp.int32),
            pltpu.VMEM((SCH, H), jnp.float32),
            pltpu.VMEM((SCH, H), jnp.float32),
            pltpu.VMEM((FCH, H), jnp.float32),
            pltpu.SemaphoreType.DMA,
            pltpu.SemaphoreType.DMA,
        ],
    )
    def _sc_scatter(vflat_hbm, dst_hbm, graph_hbm, out_hbm, sums_hbm,
                    acc_sh, idx_v, idx_b, rows_v, rows_b, zeros_v,
                    sem_sa, sem_sb):
        sid = lax.axis_index("s")

        def init_zeros(i, _):
            for j in range(H // 16):
                zeros_v[i, pl.ds(j * 16, 16)] = jnp.zeros((16,), jnp.float32)
            return 0

        def fill_rows_ones(i, _):
            for j in range(H // 16):
                rows_v[i, pl.ds(j * 16, 16)] = jnp.ones((16,), jnp.float32)
            return 0

        lax.fori_loop(0, FCH, init_zeros, 0)

        NZ = N // FCH
        NTAIL = N - NZ * FCH

        def zero_acc(t, _):
            c = t * 16 + sid

            @pl.when(c < NZ)
            def _():
                zb = pl.multiple_of(c * FCH, FCH)
                pltpu.sync_copy(zeros_v, acc_sh.at[pl.ds(zb, FCH)])

            @pl.when(c == NZ)
            def _():
                pltpu.sync_copy(zeros_v.at[pl.ds(0, NTAIL)],
                                acc_sh.at[pl.ds(NZ * FCH, NTAIL)])
            return 0

        ebase = sid * (E // 16)

        def scat_vals(t, _):
            off_a = pl.multiple_of(ebase + (2 * t) * SCH, SCH)
            off_b = pl.multiple_of(ebase + (2 * t + 1) * SCH, SCH)
            pltpu.sync_copy(dst_hbm.at[pl.ds(off_a, SCH)], idx_v)
            pltpu.sync_copy(vflat_hbm.at[pl.ds(off_a, SCH)], rows_v)
            sa = pltpu.async_copy(rows_v, acc_sh.at[idx_v], sem_sa, add=True)
            pltpu.sync_copy(dst_hbm.at[pl.ds(off_b, SCH)], idx_b)
            pltpu.sync_copy(vflat_hbm.at[pl.ds(off_b, SCH)], rows_b)
            sb = pltpu.async_copy(rows_b, acc_sh.at[idx_b], sem_sb, add=True)
            sa.wait()
            sb.wait()
            return 0

        def scat_ones(t, _):
            off_a = pl.multiple_of(ebase + (2 * t) * SCH, SCH)
            off_b = pl.multiple_of(ebase + (2 * t + 1) * SCH, SCH)
            pltpu.sync_copy(dst_hbm.at[pl.ds(off_a, SCH)], idx_v)
            sa = pltpu.async_copy(rows_v, acc_sh.at[idx_v], sem_sa, add=True)
            pltpu.sync_copy(dst_hbm.at[pl.ds(off_b, SCH)], idx_b)
            sb = pltpu.async_copy(rows_v, acc_sh.at[idx_b], sem_sb, add=True)
            sa.wait()
            sb.wait()
            return 0

        def drain_sums(t, _):
            c = t * 16 + sid

            @pl.when(c < NZ)
            def _():
                rb = pl.multiple_of(c * FCH, FCH)
                pltpu.sync_copy(acc_sh.at[pl.ds(rb, FCH)],
                                rows_v.at[pl.ds(0, FCH)])
                pltpu.sync_copy(rows_v.at[pl.ds(0, FCH)],
                                sums_hbm.at[pl.ds(rb, FCH)])

            @pl.when(c == NZ)
            def _():
                pltpu.sync_copy(acc_sh.at[pl.ds(NZ * FCH, NTAIL)],
                                rows_v.at[pl.ds(0, NTAIL)])
                pltpu.sync_copy(rows_v.at[pl.ds(0, NTAIL)],
                                sums_hbm.at[pl.ds(NZ * FCH, NTAIL)])
            return 0

        lax.fori_loop(0, (NZ + 16) // 16, zero_acc, 0)
        plsc.subcore_barrier()
        lax.fori_loop(0, E // 16 // SCH // 2, scat_vals, 0)
        plsc.subcore_barrier()
        lax.fori_loop(0, (NZ + 16) // 16, drain_sums, 0)
        plsc.subcore_barrier()

        lax.fori_loop(0, SCH, fill_rows_ones, 0)
        lax.fori_loop(0, E // 16 // SCH // 2, scat_ones, 0)
        plsc.subcore_barrier()

        def fin_chunk(rb, clen):
            pltpu.sync_copy(sums_hbm.at[pl.ds(rb, clen)],
                            rows_v.at[pl.ds(0, clen)])
            pltpu.sync_copy(graph_hbm.at[pl.ds(rb, clen)],
                            rows_v.at[pl.ds(FCH, clen)])
            pltpu.sync_copy(acc_sh.at[pl.ds(rb, clen)],
                            rows_v.at[pl.ds(2 * FCH, clen)])

            def fin_row(i, _):
                diff = (rows_v[i + 2 * FCH, pl.ds(0, 16)]
                        - rows_v[i, pl.ds(0, 16)])
                c = (diff + 0.5).astype(jnp.int32).astype(jnp.float32)
                recip = 1.0 / jnp.maximum(c, 1.0)
                pos = c > 0.0
                for j in range(H // 16):
                    csl = pl.ds(j * 16, 16)
                    mean = rows_v[i, csl] * recip
                    rows_v[i, csl] = jnp.where(pos, mean, rows_v[i + FCH, csl])
                return 0

            lax.fori_loop(0, clen, fin_row, 0)
            pltpu.sync_copy(rows_v.at[pl.ds(0, clen)],
                            out_hbm.at[pl.ds(rb, clen)])

        def fin_step(t, _):
            c = t * 16 + sid

            @pl.when(c < NZ)
            def _():
                fin_chunk(pl.multiple_of(c * FCH, FCH), FCH)

            @pl.when(c == NZ)
            def _():
                fin_chunk(NZ * FCH, NTAIL)
            return 0

        lax.fori_loop(0, (NZ + 16) // 16, fin_step, 0)

    return _sc_scatter


def kernel(extended_attention_mask, query, rel_embedding_output, graph_output,
           src, dst, Wq, bq, Wk, bk, Wv, bv, Wo, bo, ln1_g, ln1_b,
           W1, b1, W2, b2, ln2_g, ln2_b):
    src_feat, val_in = _make_sc_gather()(graph_output, src, dst)

    mask = extended_attention_mask.reshape(B, 1, LQ)
    rel = rel_embedding_output.reshape(B, L, H)
    srcf = src_feat.reshape(B, L, H)
    val = val_in.reshape(B, L, H)
    row = lambda x: x.reshape(1, H)

    query_new, value_new = _run_dense(
        mask, query, srcf, rel, val,
        Wq, row(bq), Wk[:H], Wk[H:], row(bk), Wv, row(bv),
        Wo, row(bo), row(ln1_g), row(ln1_b),
        W1, row(b1), W2, row(b2), row(ln2_g), row(ln2_b))

    graph_new, _sums = _make_sc_scatter()(value_new.reshape(E, H), dst,
                                          graph_output)
    return (graph_new, query_new)

# --- scband reference (transcript-rebuilt; emitter-appended) ---
"""Pipeline reference for scband-rel-aware-memory-51788715655449 (READ-ONLY COPY).

The authoritative reference and input builder live on the scoring server;
editing this copy changes nothing except your own understanding.
"""

import jax, jax.numpy as jnp
import numpy as np

B = 16      # number of batched graphs
LQ = 128    # query sequence length per graph
L = 1024    # edges per graph (batch_num_edges, uniform)
E = B * L   # total edges = 16384
N = 10000   # total nodes
H = 128     # hidden_size
NH = 8      # num_attention_heads
DH = H // NH
EPS = 1e-12


def _ln(x, g, b):
    mu = jnp.mean(x, axis=-1, keepdims=True)
    var = jnp.mean((x - mu) ** 2, axis=-1, keepdims=True)
    return (x - mu) / jnp.sqrt(var + EPS) * g + b


def setup_inputs(seed: int = 0) -> dict:
    key = jax.random.key(seed)
    ks = jax.random.split(key, 20)
    s = 0.02
    inp = {
        "extended_attention_mask": jnp.zeros((B, 1, 1, LQ), jnp.float32),
        "query": jax.random.normal(ks[0], (B, LQ, H), jnp.float32),
        "rel_embedding_output": jax.random.normal(ks[1], (E, H), jnp.float32),
        "graph_output": jax.random.normal(ks[2], (N, H), jnp.float32),
        "src": jax.random.randint(ks[3], (E,), 0, N, dtype=jnp.int32),
        "dst": jax.random.randint(ks[4], (E,), 0, N, dtype=jnp.int32),
        "Wq": jax.random.normal(ks[5], (H, H), jnp.float32) * s,
        "bq": jnp.zeros((H,), jnp.float32),
        "Wk": jax.random.normal(ks[6], (2 * H, H), jnp.float32) * s,
        "bk": jnp.zeros((H,), jnp.float32),
        "Wv": jax.random.normal(ks[7], (H, H), jnp.float32) * s,
        "bv": jnp.zeros((H,), jnp.float32),
        "Wo": jax.random.normal(ks[8], (H, H), jnp.float32) * s,
        "bo": jnp.zeros((H,), jnp.float32),
        "ln1_g": jnp.ones((H,), jnp.float32),
        "ln1_b": jnp.zeros((H,), jnp.float32),
        "W1": jax.random.normal(ks[9], (H, H), jnp.float32) * s,
        "b1": jnp.zeros((H,), jnp.float32),
        "W2": jax.random.normal(ks[10], (H, H), jnp.float32) * s,
        "b2": jnp.zeros((H,), jnp.float32),
        "ln2_g": jnp.ones((H,), jnp.float32),
        "ln2_b": jnp.zeros((H,), jnp.float32),
    }
    return inp


def reference(extended_attention_mask, query, rel_embedding_output, graph_output, src, dst,
              Wq, bq, Wk, bk, Wv, bv, Wo, bo, ln1_g, ln1_b, W1, b1, W2, b2, ln2_g, ln2_b):
    # ---- memory_transform: gather src/dst node features over edges ----
    src_feat = jnp.take(graph_output, src, axis=0)                    # [E, H]
    key_in = jnp.concatenate([src_feat, rel_embedding_output], axis=1)  # [E, 2H]
    val_in = jnp.take(graph_output, dst, axis=0)                      # [E, H]
    key_in = key_in.reshape(B, L, 2 * H)
    val_in = val_in.reshape(B, L, H)
    # uniform rel_len == max_rel_len -> mask all ones -> extended mask all zeros
    cross_mask = jnp.zeros((B, 1, 1, L), query.dtype)

    # ---- BidiAttention ----
    def heads(x):
        return x.reshape(x.shape[0], x.shape[1], NH, DH).transpose(0, 2, 1, 3)

    q = heads(query @ Wq + bq)      # [B, NH, LQ, DH]
    k = heads(key_in @ Wk + bk)     # [B, NH, L,  DH]
    v = heads(val_in @ Wv + bv)     # [B, NH, L,  DH]
    scores = (q @ k.transpose(0, 1, 3, 2)) / np.sqrt(DH)  # [B, NH, LQ, L]

    def att(sc, val, mask):
        p = jax.nn.softmax(sc + mask, axis=-1)
        ctx = p @ val                       # [B, NH, len, DH]
        ctx = ctx.transpose(0, 2, 1, 3)
        return ctx.reshape(ctx.shape[0], ctx.shape[1], H)

    query_ctx = att(scores, v, cross_mask)                                  # [B, LQ, H]
    value_ctx = att(scores.transpose(0, 1, 3, 2), q, extended_attention_mask)  # [B, L, H]

    # ---- BertSelfOutput on query path ----
    hidden = query_ctx @ Wo + bo
    query_new = _ln(hidden + query, ln1_g, ln1_b)

    # ---- gated update on value path ----
    theta = jax.nn.sigmoid(value_ctx @ W1 + b1 + val_in @ W2 + b2)
    value_new = theta * value_ctx + (1.0 - theta) * val_in
    value_new = _ln(value_new, ln2_g, ln2_b)

    # ---- memory_update: per-dst-node mean, overwrite touched rows ----
    vflat = value_new.reshape(E, H)
    seg_sum = jax.ops.segment_sum(vflat, dst, num_segments=N)
    counts = jnp.bincount(dst, length=N).astype(vflat.dtype)
    means = seg_sum / jnp.maximum(counts, 1.0)[:, None]
    graph_new = jnp.where((counts > 0.0)[:, None], means, graph_output)
    return (graph_new, query_new)

if __name__ == "__main__":
    import jax
    _d = setup_inputs()
    print(jax.jit(kernel)(*tuple(_d.values())))

</pallas_src>

<mosaic_0001>
#map = affine_map<(d0, d1) -> (0, 0)>
#map1 = affine_map<(d0, d1) -> (0)>
module attributes {stable_mosaic.version = 14 : i64} {
  func.func @_sc_scatter(%arg0: i32, %arg1: i32, %arg2: memref<16384x128xf32, #tpu.memory_space<hbm>>, %arg3: memref<16384xi32, #tpu.memory_space<hbm>>, %arg4: memref<10000x128xf32, #tpu.memory_space<hbm>>, %arg5: memref<10000x128xf32, #tpu.memory_space<hbm>>, %arg6: memref<10000x128xf32, #tpu.memory_space<hbm>>, %arg7: memref<10000x128xf32, #tpu.memory_space<vmem_shared>>, %arg8: memref<128xi32, #tpu.memory_space<vmem>>, %arg9: memref<128xi32, #tpu.memory_space<vmem>>, %arg10: memref<128x128xf32, #tpu.memory_space<vmem>>, %arg11: memref<128x128xf32, #tpu.memory_space<vmem>>, %arg12: memref<32x128xf32, #tpu.memory_space<vmem>>, %arg13: memref<!tpu.dma_semaphore, #tpu.memory_space<semaphore_mem>>, %arg14: memref<!tpu.dma_semaphore, #tpu.memory_space<semaphore_mem>>) attributes {dimension_semantics = [#tpu.dimension_semantics<core_parallel>, #tpu.dimension_semantics<subcore_parallel>], iteration_bounds = array<i64: 1, 16>, scalar_prefetch = 0 : i64, scratch_operands = 8 : i64, tpu.core_type = #tpu.core_type<sc_vector_subcore>, window_params = [{transform_indices = #map}, {transform_indices = #map1}, {transform_indices = #map}, {transform_indices = #map}, {transform_indices = #map}]} {
    %scan3A = arith.constant 0 : i32
    %scan3A_0 = arith.constant 0 : i32
    %scan3A_1 = arith.constant 32 : i32
    %scan3A_2 = arith.addi %scan3A_0, %scan3A_1 : i32
    %scan3A_3 = arith.constant 1 : i32
    %scan3A_4 = scf.for %scan3A_52 = %scan3A_0 to %scan3A_2 step %scan3A_3 iter_args(%scan3A_53 = %scan3A) -> (i32)  : i32 {
      %broadcast_in_dim3A = arith.constant 0.000000e+00 : f32
      %broadcast_in_dim3A_54 = vector.broadcast %broadcast_in_dim3A : f32 to vector<16xf32>
      %swap3A = arith.index_cast %scan3A_52 : i32 to index
      %swap3A_55 = arith.constant 0 : index
      %swap3A_56 = tpu.vector_load %arg12[%swap3A, %swap3A_55] {strides = array<i32>} : memref<32x128xf32, #tpu.memory_space<vmem>>, vector<1x16xf32>,
      %swap3A_57 = vector.shape_cast %swap3A_56 : vector<1x16xf32> to vector<16xf32>
      %swap3A_58 = vector.shape_cast %broadcast_in_dim3A_54 : vector<16xf32> to vector<1x16xf32>
      tpu.vector_store %arg12[%swap3A, %swap3A_55], %swap3A_58 {strides = array<i32>} : memref<32x128xf32, #tpu.memory_space<vmem>>, vector<1x16xf32>,
      %broadcast_in_dim3A_59 = arith.constant 0.000000e+00 : f32
      %broadcast_in_dim3A_60 = vector.broadcast %broadcast_in_dim3A_59 : f32 to vector<16xf32>
      %swap3A_61 = arith.index_cast %scan3A_52 : i32 to index
      %swap3A_62 = arith.constant 16 : index
      %swap3A_63 = tpu.vector_load %arg12[%swap3A_61, %swap3A_62] {strides = array<i32>} : memref<32x128xf32, #tpu.memory_space<vmem>>, vector<1x16xf32>,
      %swap3A_64 = vector.shape_cast %swap3A_63 : vector<1x16xf32> to vector<16xf32>
      %swap3A_65 = vector.shape_cast %broadcast_in_dim3A_60 : vector<16xf32> to vector<1x16xf32>
      tpu.vector_store %arg12[%swap3A_61, %swap3A_62], %swap3A_65 {strides = array<i32>} : memref<32x128xf32, #tpu.memory_space<vmem>>, vector<1x16xf32>,
      %broadcast_in_dim3A_66 = arith.constant 0.000000e+00 : f32
      %broadcast_in_dim3A_67 = vector.broadcast %broadcast_in_dim3A_66 : f32 to vector<16xf32>
      %swap3A_68 = arith.index_cast %scan3A_52 : i32 to index
      %swap3A_69 = arith.constant 32 : index
      %swap3A_70 = tpu.vector_load %arg12[%swap3A_68, %swap3A_69] {strides = array<i32>} : memref<32x128xf32, #tpu.memory_space<vmem>>, vector<1x16xf32>,
      %swap3A_71 = vector.shape_cast %swap3A_70 : vector<1x16xf32> to vector<16xf32>
      %swap3A_72 = vector.shape_cast %broadcast_in_dim3A_67 : vector<16xf32> to vector<1x16xf32>
      tpu.vector_store %arg12[%swap3A_68, %swap3A_69], %swap3A_72 {strides = array<i32>} : memref<32x128xf32, #tpu.memory_space<vmem>>, vector<1x16xf32>,
      %broadcast_in_dim3A_73 = arith.constant 0.000000e+00 : f32
      %broadcast_in_dim3A_74 = vector.broadcast %broadcast_in_dim3A_73 : f32 to vector<16xf32>
      %swap3A_75 = arith.index_cast %scan3A_52 : i32 to index
      %swap3A_76 = arith.constant 48 : index
      %swap3A_77 = tpu.vector_load %arg12[%swap3A_75, %swap3A_76] {strides = array<i32>} : memref<32x128xf32, #tpu.memory_space<vmem>>, vector<1x16xf32>,
      %swap3A_78 = vector.shape_cast %swap3A_77 : vector<1x16xf32> to vector<16xf32>
      %swap3A_79 = vector.shape_cast %broadcast_in_dim3A_74 : vector<16xf32> to vector<1x16xf32>
      tpu.vector_store %arg12[%swap3A_75, %swap3A_76], %swap3A_79 {strides = array<i32>} : memref<32x128xf32, #tpu.memory_space<vmem>>, vector<1x16xf32>,
      %broadcast_in_dim3A_80 = arith.constant 0.000000e+00 : f32
      %broadcast_in_dim3A_81 = vector.broadcast %broadcast_in_dim3A_80 : f32 to vector<16xf32>
      %swap3A_82 = arith.index_cast %scan3A_52 : i32 to index
      %swap3A_83 = arith.constant 64 : index
      %swap3A_84 = tpu.vector_load %arg12[%swap3A_82, %swap3A_83] {strides = array<i32>} : memref<32x128xf32, #tpu.memory_space<vmem>>, vector<1x16xf32>,
      %swap3A_85 = vector.shape_cast %swap3A_84 : vector<1x16xf32> to vector<16xf32>
      %swap3A_86 = vector.shape_cast %broadcast_in_dim3A_81 : vector<16xf32> to vector<1x16xf32>
      tpu.vector_store %arg12[%swap3A_82, %swap3A_83], %swap3A_86 {strides = array<i32>} : memref<32x128xf32, #tpu.memory_space<vmem>>, vector<1x16xf32>,
      %broadcast_in_dim3A_87 = arith.constant 0.000000e+00 : f32
      %broadcast_in_dim3A_88 = vector.broadcast %broadcast_in_dim3A_87 : f32 to vector<16xf32>
      %swap3A_89 = arith.index_cast %scan3A_52 : i32 to index
      %swap3A_90 = arith.constant 80 : index
      %swap3A_91 = tpu.vector_load %arg12[%swap3A_89, %swap3A_90] {strides = array<i32>} : memref<32x128xf32, #tpu.memory_space<vmem>>, vector<1x16xf32>,
      %swap3A_92 = vector.shape_cast %swap3A_91 : vector<1x16xf32> to vector<16xf32>
      %swap3A_93 = vector.shape_cast %broadcast_in_dim3A_88 : vector<16xf32> to vector<1x16xf32>
      tpu.vector_store %arg12[%swap3A_89, %swap3A_90], %swap3A_93 {strides = array<i32>} : memref<32x128xf32, #tpu.memory_space<vmem>>, vector<1x16xf32>,
      %broadcast_in_dim3A_94 = arith.constant 0.000000e+00 : f32
      %broadcast_in_dim3A_95 = vector.broadcast %broadcast_in_dim3A_94 : f32 to vector<16xf32>
      %swap3A_96 = arith.index_cast %scan3A_52 : i32 to index
      %swap3A_97 = arith.constant 96 : index
      %swap3A_98 = tpu.vector_load %arg12[%swap3A_96, %swap3A_97] {strides = array<i32>} : memref<32x128xf32, #tpu.memory_space<vmem>>, vector<1x16xf32>,
      %swap3A_99 = vector.shape_cast %swap3A_98 : vector<1x16xf32> to vector<16xf32>
      %swap3A_100 = vector.shape_cast %broadcast_in_dim3A_95 : vector<16xf32> to vector<1x16xf32>
      tpu.vector_store %arg12[%swap3A_96, %swap3A_97], %swap3A_100 {strides = array<i32>} : memref<32x128xf32, #tpu.memory_space<vmem>>, vector<1x16xf32>,
      %broadcast_in_dim3A_101 = arith.constant 0.000000e+00 : f32
      %broadcast_in_dim3A_102 = vector.broadcast %broadcast_in_dim3A_101 : f32 to vector<16xf32>
      %swap3A_103 = arith.index_cast %scan3A_52 : i32 to index
      %swap3A_104 = arith.constant 112 : index
      %swap3A_105 = tpu.vector_load %arg12[%swap3A_103, %swap3A_104] {strides = array<i32>} : memref<32x128xf32, #tpu.memory_space<vmem>>, vector<1x16xf32>,
      %swap3A_106 = vector.shape_cast %swap3A_105 : vector<1x16xf32> to vector<16xf32>
      %swap3A_107 = vector.shape_cast %broadcast_in_dim3A_102 : vector<16xf32> to vector<1x16xf32>
      tpu.vector_store %arg12[%swap3A_103, %swap3A_104], %swap3A_107 {strides = array<i32>} : memref<32x128xf32, #tpu.memory_space<vmem>>, vector<1x16xf32>,
      %scan3A_108 = arith.constant 0 : i32
      scf.yield %scan3A_108 : i32
    }
    %scan3A_5 = arith.constant 32 : i32
    %mul3A = arith.constant 1024 : i32
    %mul3A_6 = arith.muli %arg1, %mul3A : i32
    %scan3A_7 = arith.constant 0 : i32
    %scan3A_8 = arith.constant 0 : i32
    %scan3A_9 = arith.constant 20 : i32
    %scan3A_10 = arith.addi %scan3A_8, %scan3A_9 : i32
    %scan3A_11 = arith.constant 1 : i32
    %scan3A_12 = scf.for %scan3A_52 = %scan3A_8 to %scan3A_10 step %scan3A_11 iter_args(%scan3A_53 = %scan3A_7) -> (i32)  : i32 {
      %mul3A_54 = arith.constant 16 : i32
      %mul3A_55 = arith.muli %scan3A_52, %mul3A_54 : i32
      %add3A = arith.addi %mul3A_55, %arg1 : i32
      %lt3A = arith.constant 312 : i32
      %lt3A_56 = arith.cmpi slt, %add3A, %lt3A : i32
      %convert_element_type3A = arith.extui %lt3A_56 : i1 to i32
      %cond3A = arith.constant 0 : i32
      %cond3A_57 = arith.cmpi ne, %convert_element_type3A, %cond3A : i32
      scf.if %cond3A_57 {
        %mul3A_63 = arith.constant 32 : i32
        %mul3A_64 = arith.muli %add3A, %mul3A_63 : i32
        %multiple_of3A = tpu.assume_multiple %mul3A_64, 32 : i32
        "tpu.region"() ({
          %run_scoped3A = tpu.sem_alloc : memref<!tpu.dma_semaphore, #tpu.memory_space<semaphore_mem>>
          %dma_start3A = arith.constant 0 : i32
          %dma_start3A_65 = tpu.memref_slice %arg7[%multiple_of3A, %dma_start3A] : memref<10000x128xf32, #tpu.memory_space<vmem_shared>> -> memref<32x128xf32, #tpu.memory_space<vmem_shared>>
          %dma_start3A_66 = arith.constant 0 : i32
          %dma_start3A_67 = tpu.memref_slice %arg7[%multiple_of3A, %dma_start3A_66] : memref<10000x128xf32, #tpu.memory_space<vmem_shared>> -> memref<32x128xf32, #tpu.memory_space<vmem_shared>>
          tpu.enqueue_dma source(%arg12 : memref<32x128xf32, #tpu.memory_space<vmem>>) target(%dma_start3A_67 : memref<32x128xf32, #tpu.memory_space<vmem_shared>>) target_semaphore(%run_scoped3A : memref<!tpu.dma_semaphore, #tpu.memory_space<semaphore_mem>>)
          %dma_wait3A = arith.constant 0 : i32
          %dma_wait3A_68 = tpu.memref_slice %arg7[%multiple_of3A, %dma_wait3A] : memref<10000x128xf32, #tpu.memory_space<vmem_shared>> -> memref<32x128xf32, #tpu.memory_space<vmem_shared>>
          %dma_wait3A_69 = arith.constant 0 : i32
          %dma_wait3A_70 = tpu.memref_slice %arg7[%multiple_of3A, %dma_wait3A_69] : memref<10000x128xf32, #tpu.memory_space<vmem_shared>> -> memref<32x128xf32, #tpu.memory_space<vmem_shared>>
          tpu.wait_dma2 semaphore(%run_scoped3A : memref<!tpu.dma_semaphore, #tpu.memory_space<semaphore_mem>>) src(%arg12 : memref<32x128xf32, #tpu.memory_space<vmem>>) dst(%dma_wait3A_70 : memref<32x128xf32, #tpu.memory_space<vmem_shared>>)
          tpu.yield
        }) : () -> ()
      } else {
      }
      %eq3A = arith.constant 312 : i32
      %eq3A_58 = arith.cmpi eq, %add3A, %eq3A : i32
      %convert_element_type3A_59 = arith.extui %eq3A_58 : i1 to i32
      %cond3A_60 = arith.constant 0 : i32
      %cond3A_61 = arith.cmpi ne, %convert_element_type3A_59, %cond3A_60 : i32
      scf.if %cond3A_61 {
        "tpu.region"() ({
          %run_scoped3A = tpu.sem_alloc : memref<!tpu.dma_semaphore, #tpu.memory_space<semaphore_mem>>
          %dma_start3A = arith.constant 0 : i32
          %dma_start3A_63 = arith.constant 0 : i32
          %dma_start3A_64 = tpu.memref_slice %arg12[%dma_start3A, %dma_start3A_63] : memref<32x128xf32, #tpu.memory_space<vmem>> -> memref<16x128xf32, #tpu.memory_space<vmem>>
          %dma_start3A_65 = arith.constant 9984 : i32
          %dma_start3A_66 = arith.constant 0 : i32
          %dma_start3A_67 = tpu.memref_slice %arg7[%dma_start3A_65, %dma_start3A_66] : memref<10000x128xf32, #tpu.memory_space<vmem_shared>> -> memref<16x128xf32, #tpu.memory_space<vmem_shared>>
          %dma_start3A_68 = arith.constant 9984 : i32
          %dma_start3A_69 = arith.constant 0 : i32
          %dma_start3A_70 = tpu.memref_slice %arg7[%dma_start3A_68, %dma_start3A_69] : memref<10000x128xf32, #tpu.memory_space<vmem_shared>> -> memref<16x128xf32, #tpu.memory_space<vmem_shared>>
          %dma_start3A_71 = arith.constant 0 : i32
          %dma_start3A_72 = arith.constant 0 : i32
          %dma_start3A_73 = tpu.memref_slice %arg12[%dma_start3A_71, %dma_start3A_72] : memref<32x128xf32, #tpu.memory_space<vmem>> -> memref<16x128xf32, #tpu.memory_space<vmem>>
          tpu.enqueue_dma source(%dma_start3A_73 : memref<16x128xf32, #tpu.memory_space<vmem>>) target(%dma_start3A_70 : memref<16x128xf32, #tpu.memory_space<vmem_shared>>) target_semaphore(%run_scoped3A : memref<!tpu.dma_semaphore, #tpu.memory_space<semaphore_mem>>)
          %dma_wait3A = arith.constant 0 : i32
          %dma_wait3A_74 = arith.constant 0 : i32
          %dma_wait3A_75 = tpu.memref_slice %arg12[%dma_wait3A, %dma_wait3A_74] : memref<32x128xf32, #tpu.memory_space<vmem>> -> memref<16x128xf32, #tpu.memory_space<vmem>>
          %dma_wait3A_76 = arith.constant 9984 : i32
          %dma_wait3A_77 = arith.constant 0 : i32
          %dma_wait3A_78 = tpu.memref_slice %arg7[%dma_wait3A_76, %dma_wait3A_77] : memref<10000x128xf32, #tpu.memory_space<vmem_shared>> -> memref<16x128xf32, #tpu.memory_space<vmem_shared>>
          %dma_wait3A_79 = arith.constant 9984 : i32
          %dma_wait3A_80 = arith.constant 0 : i32
          %dma_wait3A_81 = tpu.memref_slice %arg7[%dma_wait3A_79, %dma_wait3A_80] : memref<10000x128xf32, #tpu.memory_space<vmem_shared>> -> memref<16x128xf32, #tpu.memory_space<vmem_shared>>
          %dma_wait3A_82 = arith.constant 0 : i32
          %dma_wait3A_83 = arith.constant 0 : i32
          %dma_wait3A_84 = tpu.memref_slice %arg12[%dma_wait3A_82, %dma_wait3A_83] : memref<32x128xf32, #tpu.memory_space<vmem>> -> memref<16x128xf32, #tpu.memory_space<vmem>>
          tpu.wait_dma2 semaphore(%run_scoped3A : memref<!tpu.dma_semaphore, #tpu.memory_space<semaphore_mem>>) src(%dma_wait3A_84 : memref<16x128xf32, #tpu.memory_space<vmem>>) dst(%dma_wait3A_81 : memref<16x128xf32, #tpu.memory_space<vmem_shared>>)
          tpu.yield
        }) : () -> ()
      } else {
      }
      %scan3A_62 = arith.constant 0 : i32
      scf.yield %scan3A_62 : i32
    }
    %scan3A_13 = arith.constant 20 : i32
    %barrier3A = arith.constant 0 : index
    tpu.barrier barrier_id(%barrier3A)
    %scan3A_14 = arith.constant 0 : i32
    %scan3A_15 = arith.constant 0 : i32
    %scan3A_16 = arith.constant 4 : i32
    %scan3A_17 = arith.addi %scan3A_15, %scan3A_16 : i32
    %scan3A_18 = arith.constant 1 : i32
    %scan3A_19 = scf.for %scan3A_52 = %scan3A_15 to %scan3A_17 step %scan3A_18 iter_args(%scan3A_53 = %scan3A_14) -> (i32)  : i32 {
      %mul3A_54 = arith.constant 2 : i32
      %mul3A_55 = arith.muli %mul3A_54, %scan3A_52 : i32
      %mul3A_56 = arith.constant 128 : i32
      %mul3A_57 = arith.muli %mul3A_55, %mul3A_56 : i32
      %add3A = arith.addi %mul3A_6, %mul3A_57 : i32
      %multiple_of3A = tpu.assume_multiple %add3A, 128 : i32
      %mul3A_58 = arith.constant 2 : i32
      %mul3A_59 = arith.muli %mul3A_58, %scan3A_52 : i32
      %add3A_60 = arith.constant 1 : i32
      %add3A_61 = arith.addi %mul3A_59, %add3A_60 : i32
      %mul3A_62 = arith.constant 128 : i32
      %mul3A_63 = arith.muli %add3A_61, %mul3A_62 : i32
      %add3A_64 = arith.addi %mul3A_6, %mul3A_63 : i32
      %multiple_of3A_65 = tpu.assume_multiple %add3A_64, 128 : i32
      "tpu.region"() ({
        %run_scoped3A = tpu.sem_alloc : memref<!tpu.dma_semaphore, #tpu.memory_space<semaphore_mem>>
        %dma_start3A_77 = tpu.memref_slice %arg3[%multiple_of3A] : memref<16384xi32, #tpu.memory_space<hbm>> -> memref<128xi32, #tpu.memory_space<hbm>>
        %dma_start3A_78 = tpu.memref_slice %arg3[%multiple_of3A] : memref<16384xi32, #tpu.memory_space<hbm>> -> memref<128xi32, #tpu.memory_space<hbm>>
        tpu.enqueue_dma source(%dma_start3A_78 : memref<128xi32, #tpu.memory_space<hbm>>) target(%arg8 : memref<128xi32, #tpu.memory_space<vmem>>) target_semaphore(%run_scoped3A : memref<!tpu.dma_semaphore, #tpu.memory_space<semaphore_mem>>)
        %dma_wait3A_79 = tpu.memref_slice %arg3[%multiple_of3A] : memref<16384xi32, #tpu.memory_space<hbm>> -> memref<128xi32, #tpu.memory_space<hbm>>
        %dma_wait3A_80 = tpu.memref_slice %arg3[%multiple_of3A] : memref<16384xi32, #tpu.memory_space<hbm>> -> memref<128xi32, #tpu.memory_space<hbm>>
        tpu.wait_dma2 semaphore(%run_scoped3A : memref<!tpu.dma_semaphore, #tpu.memory_space<semaphore_mem>>) src(%dma_wait3A_80 : memref<128xi32, #tpu.memory_space<hbm>>) dst(%arg8 : memref<128xi32, #tpu.memory_space<vmem>>)
        tpu.yield
      }) : () -> ()
      "tpu.region"() ({
        %run_scoped3A = tpu.sem_alloc : memref<!tpu.dma_semaphore, #tpu.memory_space<semaphore_mem>>
        %dma_start3A_77 = arith.constant 0 : i32
        %dma_start3A_78 = tpu.memref_slice %arg2[%multiple_of3A, %dma_start3A_77] : memref<16384x128xf32, #tpu.memory_space<hbm>> -> memref<128x128xf32, #tpu.memory_space<hbm>>
        %dma_start3A_79 = arith.constant 0 : i32
        %dma_start3A_80 = tpu.memref_slice %arg2[%multiple_of3A, %dma_start3A_79] : memref<16384x128xf32, #tpu.memory_space<hbm>> -> memref<128x128xf32, #tpu.memory_space<hbm>>
        tpu.enqueue_dma source(%dma_start3A_80 : memref<128x128xf32, #tpu.memory_space<hbm>>) target(%arg10 : memref<128x128xf32, #tpu.memory_space<vmem>>) target_semaphore(%run_scoped3A : memref<!tpu.dma_semaphore, #tpu.memory_space<semaphore_mem>>)
        %dma_wait3A_81 = arith.constant 0 : i32
        %dma_wait3A_82 = tpu.memref_slice %arg2[%multiple_of3A, %dma_wait3A_81] : memref<16384x128xf32, #tpu.memory_space<hbm>> -> memref<128x128xf32, #tpu.memory_space<hbm>>
        %dma_wait3A_83 = arith.constant 0 : i32
        %dma_wait3A_84 = tpu.memref_slice %arg2[%multiple_of3A, %dma_wait3A_83] : memref<16384x128xf32, #tpu.memory_space<hbm>> -> memref<128x128xf32, #tpu.memory_space<hbm>>
        tpu.wait_dma2 semaphore(%run_scoped3A : memref<!tpu.dma_semaphore, #tpu.memory_space<semaphore_mem>>) src(%dma_wait3A_84 : memref<128x128xf32, #tpu.memory_space<hbm>>) dst(%arg10 : memref<128x128xf32, #tpu.memory_space<vmem>>)
        tpu.yield
      }) : () -> ()
      %dma_start3A = arith.constant 0 : i32
      %dma_start3A_66 = arith.constant 0 : i32
      %dma_start3A_67 = tpu.memref_slice %arg7[%dma_start3A, %dma_start3A_66] : memref<10000x128xf32, #tpu.memory_space<vmem_shared>> -> memref<10000x128xf32, #tpu.memory_space<vmem_shared>>
      tpu.enqueue_indirect_dma source(%arg10 : memref<128x128xf32, #tpu.memory_space<vmem>>) target(%dma_start3A_67 : memref<10000x128xf32, #tpu.memory_space<vmem_shared>>) offsets(%arg8 : memref<128xi32, #tpu.memory_space<vmem>>) semaphore(%arg13 : memref<!tpu.dma_semaphore, #tpu.memory_space<semaphore_mem>>) {add = true}
      "tpu.region"() ({
        %run_scoped3A = tpu.sem_alloc : memref<!tpu.dma_semaphore, #tpu.memory_space<semaphore_mem>>
        %dma_start3A_77 = tpu.memref_slice %arg3[%multiple_of3A_65] : memref<16384xi32, #tpu.memory_space<hbm>> -> memref<128xi32, #tpu.memory_space<hbm>>
        %dma_start3A_78 = tpu.memref_slice %arg3[%multiple_of3A_65] : memref<16384xi32, #tpu.memory_space<hbm>> -> memref<128xi32, #tpu.memory_space<hbm>>
        tpu.enqueue_dma source(%dma_start3A_78 : memref<128xi32, #tpu.memory_space<hbm>>) target(%arg9 : memref<128xi32, #tpu.memory_space<vmem>>) target_semaphore(%run_scoped3A : memref<!tpu.dma_semaphore, #tpu.memory_space<semaphore_mem>>)
        %dma_wait3A_79 = tpu.memref_slice %arg3[%multiple_of3A_65] : memref<16384xi32, #tpu.memory_space<hbm>> -> memref<128xi32, #tpu.memory_space<hbm>>
        %dma_wait3A_80 = tpu.memref_slice %arg3[%multiple_of3A_65] : memref<16384xi32, #tpu.memory_space<hbm>> -> memref<128xi32, #tpu.memory_space<hbm>>
        tpu.wait_dma2 semaphore(%run_scoped3A : memref<!tpu.dma_semaphore, #tpu.memory_space<semaphore_mem>>) src(%dma_wait3A_80 : memref<128xi32, #tpu.memory_space<hbm>>) dst(%arg9 : memref<128xi32, #tpu.memory_space<vmem>>)
        tpu.yield
      }) : () -> ()
      "tpu.region"() ({
        %run_scoped3A = tpu.sem_alloc : memref<!tpu.dma_semaphore, #tpu.memory_space<semaphore_mem>>
        %dma_start3A_77 = arith.constant 0 : i32
        %dma_start3A_78 = tpu.memref_slice %arg2[%multiple_of3A_65, %dma_start3A_77] : memref<16384x128xf32, #tpu.memory_space<hbm>> -> memref<128x128xf32, #tpu.memory_space<hbm>>
        %dma_start3A_79 = arith.constant 0 : i32
        %dma_start3A_80 = tpu.memref_slice %arg2[%multiple_of3A_65, %dma_start3A_79] : memref<16384x128xf32, #tpu.memory_space<hbm>> -> memref<128x128xf32, #tpu.memory_space<hbm>>
        tpu.enqueue_dma source(%dma_start3A_80 : memref<128x128xf32, #tpu.memory_space<hbm>>) target(%arg11 : memref<128x128xf32, #tpu.memory_space<vmem>>) target_semaphore(%run_scoped3A : memref<!tpu.dma_semaphore, #tpu.memory_space<semaphore_mem>>)
        %dma_wait3A_81 = arith.constant 0 : i32
        %dma_wait3A_82 = tpu.memref_slice %arg2[%multiple_of3A_65, %dma_wait3A_81] : memref<16384x128xf32, #tpu.memory_space<hbm>> -> memref<128x128xf32, #tpu.memory_space<hbm>>
        %dma_wait3A_83 = arith.constant 0 : i32
        %dma_wait3A_84 = tpu.memref_slice %arg2[%multiple_of3A_65, %dma_wait3A_83] : memref<16384x128xf32, #tpu.memory_space<hbm>> -> memref<128x128xf32, #tpu.memory_space<hbm>>
        tpu.wait_dma2 semaphore(%run_scoped3A : memref<!tpu.dma_semaphore, #tpu.memory_space<semaphore_mem>>) src(%dma_wait3A_84 : memref<128x128xf32, #tpu.memory_space<hbm>>) dst(%arg11 : memref<128x128xf32, #tpu.memory_space<vmem>>)
        tpu.yield
      }) : () -> ()
      %dma_start3A_68 = arith.constant 0 : i32
      %dma_start3A_69 = arith.constant 0 : i32
      %dma_start3A_70 = tpu.memref_slice %arg7[%dma_start3A_68, %dma_start3A_69] : memref<10000x128xf32, #tpu.memory_space<vmem_shared>> -> memref<10000x128xf32, #tpu.memory_space<vmem_shared>>
      tpu.enqueue_indirect_dma source(%arg11 : memref<128x128xf32, #tpu.memory_space<vmem>>) target(%dma_start3A_70 : memref<10000x128xf32, #tpu.memory_space<vmem_shared>>) offsets(%arg9 : memref<128xi32, #tpu.memory_space<vmem>>) semaphore(%arg14 : memref<!tpu.dma_semaphore, #tpu.memory_space<semaphore_mem>>) {add = true}
      %dma_wait3A = arith.constant 0 : i32
      %dma_wait3A_71 = arith.constant 0 : i32
      %dma_wait3A_72 = tpu.memref_slice %arg7[%dma_wait3A, %dma_wait3A_71] : memref<10000x128xf32, #tpu.memory_space<vmem_shared>> -> memref<10000x128xf32, #tpu.memory_space<vmem_shared>>
      tpu.wait_indirect_dma semaphore(%arg13 : memref<!tpu.dma_semaphore, #tpu.memory_space<semaphore_mem>>) src(%arg10 : memref<128x128xf32, #tpu.memory_space<vmem>>) dst(%dma_wait3A_72 : memref<10000x128xf32, #tpu.memory_space<vmem_shared>>)
      %dma_wait3A_73 = arith.constant 0 : i32
      %dma_wait3A_74 = arith.constant 0 : i32
      %dma_wait3A_75 = tpu.memref_slice %arg7[%dma_wait3A_73, %dma_wait3A_74] : memref<10000x128xf32, #tpu.memory_space<vmem_shared>> -> memref<10000x128xf32, #tpu.memory_space<vmem_shared>>
      tpu.wait_indirect_dma semaphore(%arg14 : memref<!tpu.dma_semaphore, #tpu.memory_space<semaphore_mem>>) src(%arg11 : memref<128x128xf32, #tpu.memory_space<vmem>>) dst(%dma_wait3A_75 : memref<10000x128xf32, #tpu.memory_space<vmem_shared>>)
      %scan3A_76 = arith.constant 0 : i32
      scf.yield %scan3A_76 : i32
    }
    %scan3A_20 = arith.constant 4 : i32
    %barrier3A_21 = arith.constant 0 : index
    tpu.barrier barrier_id(%barrier3A_21)
    %scan3A_22 = arith.constant 0 : i32
    %scan3A_23 = arith.constant 0 : i32
    %scan3A_24 = arith.constant 20 : i32
    %scan3A_25 = arith.addi %scan3A_23, %scan3A_24 : i32
    %scan3A_26 = arith.constant 1 : i32
    %scan3A_27 = scf.for %scan3A_52 = %scan3A_23 to %scan3A_25 step %scan3A_26 iter_args(%scan3A_53 = %scan3A_22) -> (i32)  : i32 {
      %mul3A_54 = arith.constant 16 : i32
      %mul3A_55 = arith.muli %scan3A_52, %mul3A_54 : i32
      %add3A = arith.addi %mul3A_55, %arg1 : i32
      %lt3A = arith.constant 312 : i32
      %lt3A_56 = arith.cmpi slt, %add3A, %lt3A : i32
      %convert_element_type3A = arith.extui %lt3A_56 : i1 to i32
      %cond3A = arith.constant 0 : i32
      %cond3A_57 = arith.cmpi ne, %convert_element_type3A, %cond3A : i32
      scf.if %cond3A_57 {
        %mul3A_63 = arith.constant 32 : i32
        %mul3A_64 = arith.muli %add3A, %mul3A_63 : i32
        %multiple_of3A = tpu.assume_multiple %mul3A_64, 32 : i32
        "tpu.region"() ({
          %run_scoped3A = tpu.sem_alloc : memref<!tpu.dma_semaphore, #tpu.memory_space<semaphore_mem>>
          %dma_start3A = arith.constant 0 : i32
          %dma_start3A_65 = arith.constant 0 : i32
          %dma_start3A_66 = tpu.memref_slice %arg10[%dma_start3A, %dma_start3A_65] : memref<128x128xf32, #tpu.memory_space<vmem>> -> memref<32x128xf32, #tpu.memory_space<vmem>>
          %dma_start3A_67 = arith.constant 0 : i32
          %dma_start3A_68 = tpu.memref_slice %arg7[%multiple_of3A, %dma_start3A_67] : memref<10000x128xf32, #tpu.memory_space<vmem_shared>> -> memref<32x128xf32, #tpu.memory_space<vmem_shared>>
          %dma_start3A_69 = arith.constant 0 : i32
          %dma_start3A_70 = arith.constant 0 : i32
          %dma_start3A_71 = tpu.memref_slice %arg10[%dma_start3A_69, %dma_start3A_70] : memref<128x128xf32, #tpu.memory_space<vmem>> -> memref<32x128xf32, #tpu.memory_space<vmem>>
          %dma_start3A_72 = arith.constant 0 : i32
          %dma_start3A_73 = tpu.memref_slice %arg7[%multiple_of3A, %dma_start3A_72] : memref<10000x128xf32, #tpu.memory_space<vmem_shared>> -> memref<32x128xf32, #tpu.memory_space<vmem_shared>>
          tpu.enqueue_dma source(%dma_start3A_73 : memref<32x128xf32, #tpu.memory_space<vmem_shared>>) target(%dma_start3A_71 : memref<32x128xf32, #tpu.memory_space<vmem>>) target_semaphore(%run_scoped3A : memref<!tpu.dma_semaphore, #tpu.memory_space<semaphore_mem>>)
          %dma_wait3A = arith.constant 0 : i32
          %dma_wait3A_74 = arith.constant 0 : i32
          %dma_wait3A_75 = tpu.memref_slice %arg10[%dma_wait3A, %dma_wait3A_74] : memref<128x128xf32, #tpu.memory_space<vmem>> -> memref<32x128xf32, #tpu.memory_space<vmem>>
          %dma_wait3A_76 = arith.constant 0 : i32
          %dma_wait3A_77 = tpu.memref_slice %arg7[%multiple_of3A, %dma_wait3A_76] : memref<10000x128xf32, #tpu.memory_space<vmem_shared>> -> memref<32x128xf32, #tpu.memory_space<vmem_shared>>
          %dma_wait3A_78 = arith.constant 0 : i32
          %dma_wait3A_79 = arith.constant 0 : i32
          %dma_wait3A_80 = tpu.memref_slice %arg10[%dma_wait3A_78, %dma_wait3A_79] : memref<128x128xf32, #tpu.memory_space<vmem>> -> memref<32x128xf32, #tpu.memory_space<vmem>>
          %dma_wait3A_81 = arith.constant 0 : i32
          %dma_wait3A_82 = tpu.memref_slice %arg7[%multiple_of3A, %dma_wait3A_81] : memref<10000x128xf32, #tpu.memory_space<vmem_shared>> -> memref<32x128xf32, #tpu.memory_space<vmem_shared>>
          tpu.wait_dma2 semaphore(%run_scoped3A : memref<!tpu.dma_semaphore, #tpu.memory_space<semaphore_mem>>) src(%dma_wait3A_82 : memref<32x128xf32, #tpu.memory_space<vmem_shared>>) dst(%dma_wait3A_80 : memref<32x128xf32, #tpu.memory_space<vmem>>)
          tpu.yield
        }) : () -> ()
        "tpu.region"() ({
          %run_scoped3A = tpu.sem_alloc : memref<!tpu.dma_semaphore, #tpu.memory_space<semaphore_mem>>
          %dma_start3A = arith.constant 0 : i32
          %dma_start3A_65 = arith.constant 0 : i32
          %dma_start3A_66 = tpu.memref_slice %arg10[%dma_start3A, %dma_start3A_65] : memref<128x128xf32, #tpu.memory_space<vmem>> -> memref<32x128xf32, #tpu.memory_space<vmem>>
          %dma_start3A_67 = arith.constant 0 : i32
          %dma_start3A_68 = tpu.memref_slice %arg6[%multiple_of3A, %dma_start3A_67] : memref<10000x128xf32, #tpu.memory_space<hbm>> -> memref<32x128xf32, #tpu.memory_space<hbm>>
          %dma_start3A_69 = arith.constant 0 : i32
          %dma_start3A_70 = tpu.memref_slice %arg6[%multiple_of3A, %dma_start3A_69] : memref<10000x128xf32, #tpu.memory_space<hbm>> -> memref<32x128xf32, #tpu.memory_space<hbm>>
          %dma_start3A_71 = arith.constant 0 : i32
          %dma_start3A_72 = arith.constant 0 : i32
          %dma_start3A_73 = tpu.memref_slice %arg10[%dma_start3A_71, %dma_start3A_72] : memref<128x128xf32, #tpu.memory_space<vmem>> -> memref<32x128xf32, #tpu.memory_space<vmem>>
          tpu.enqueue_dma source(%dma_start3A_73 : memref<32x128xf32, #tpu.memory_space<vmem>>) target(%dma_start3A_70 : memref<32x128xf32, #tpu.memory_space<hbm>>) target_semaphore(%run_scoped3A : memref<!tpu.dma_semaphore, #tpu.memory_space<semaphore_mem>>)
          %dma_wait3A = arith.constant 0 : i32
          %dma_wait3A_74 = arith.constant 0 : i32
          %dma_wait3A_75 = tpu.memref_slice %arg10[%dma_wait3A, %dma_wait3A_74] : memref<128x128xf32, #tpu.memory_space<vmem>> -> memref<32x128xf32, #tpu.memory_space<vmem>>
          %dma_wait3A_76 = arith.constant 0 : i32
          %dma_wait3A_77 = tpu.memref_slice %arg6[%multiple_of3A, %dma_wait3A_76] : memref<10000x128xf32, #tpu.memory_space<hbm>> -> memref<32x128xf32, #tpu.memory_space<hbm>>
          %dma_wait3A_78 = arith.constant 0 : i32
          %dma_wait3A_79 = tpu.memref_slice %arg6[%multiple_of3A, %dma_wait3A_78] : memref<10000x128xf32, #tpu.memory_space<hbm>> -> memref<32x128xf32, #tpu.memory_space<hbm>>
          %dma_wait3A_80 = arith.constant 0 : i32
          %dma_wait3A_81 = arith.constant 0 : i32
          %dma_wait3A_82 = tpu.memref_slice %arg10[%dma_wait3A_80, %dma_wait3A_81] : memref<128x128xf32, #tpu.memory_space<vmem>> -> memref<32x128xf32, #tpu.memory_space<vmem>>
          tpu.wait_dma2 semaphore(%run_scoped3A : memref<!tpu.dma_semaphore, #tpu.memory_space<semaphore_mem>>) src(%dma_wait3A_82 : memref<32x128xf32, #tpu.memory_space<vmem>>) dst(%dma_wait3A_79 : memref<32x128xf32, #tpu.memory_space<hbm>>)
          tpu.yield
        }) : () -> ()
      } else {
      }
      %eq3A = arith.constant 312 : i32
      %eq3A_58 = arith.cmpi eq, %add3A, %eq3A : i32
      %convert_element_type3A_59 = arith.extui %eq3A_58 : i1 to i32
      %cond3A_60 = arith.constant 0 : i32
      %cond3A_61 = arith.cmpi ne, %convert_element_type3A_59, %cond3A_60 : i32
      scf.if %cond3A_61 {
        "tpu.region"() ({
          %run_scoped3A = tpu.sem_alloc : memref<!tpu.dma_semaphore, #tpu.memory_space<semaphore_mem>>
          %dma_start3A = arith.constant 0 : i32
          %dma_start3A_63 = arith.constant 0 : i32
          %dma_start3A_64 = tpu.memref_slice %arg10[%dma_start3A, %dma_start3A_63] : memref<128x128xf32, #tpu.memory_space<vmem>> -> memref<16x128xf32, #tpu.memory_space<vmem>>
          %dma_start3A_65 = arith.constant 9984 : i32
          %dma_start3A_66 = arith.constant 0 : i32
          %dma_start3A_67 = tpu.memref_slice %arg7[%dma_start3A_65, %dma_start3A_66] : memref<10000x128xf32, #tpu.memory_space<vmem_shared>> -> memref<16x128xf32, #tpu.memory_space<vmem_shared>>
          %dma_start3A_68 = arith.constant 0 : i32
          %dma_start3A_69 = arith.constant 0 : i32
          %dma_start3A_70 = tpu.memref_slice %arg10[%dma_start3A_68, %dma_start3A_69] : memref<128x128xf32, #tpu.memory_space<vmem>> -> memref<16x128xf32, #tpu.memory_space<vmem>>
          %dma_start3A_71 = arith.constant 9984 : i32
          %dma_start3A_72 = arith.constant 0 : i32
          %dma_start3A_73 = tpu.memref_slice %arg7[%dma_start3A_71, %dma_start3A_72] : memref<10000x128xf32, #tpu.memory_space<vmem_shared>> -> memref<16x128xf32, #tpu.memory_space<vmem_shared>>
          tpu.enqueue_dma source(%dma_start3A_73 : memref<16x128xf32, #tpu.memory_space<vmem_shared>>) target(%dma_start3A_70 : memref<16x128xf32, #tpu.memory_space<vmem>>) target_semaphore(%run_scoped3A : memref<!tpu.dma_semaphore, #tpu.memory_space<semaphore_mem>>)
          %dma_wait3A = arith.constant 0 : i32
          %dma_wait3A_74 = arith.constant 0 : i32
          %dma_wait3A_75 = tpu.memref_slice %arg10[%dma_wait3A, %dma_wait3A_74] : memref<128x128xf32, #tpu.memory_space<vmem>> -> memref<16x128xf32, #tpu.memory_space<vmem>>
          %dma_wait3A_76 = arith.constant 9984 : i32
          %dma_wait3A_77 = arith.constant 0 : i32
          %dma_wait3A_78 = tpu.memref_slice %arg7[%dma_wait3A_76, %dma_wait3A_77] : memref<10000x128xf32, #tpu.memory_space<vmem_shared>> -> memref<16x128xf32, #tpu.memory_space<vmem_shared>>
          %dma_wait3A_79 = arith.constant 0 : i32
          %dma_wait3A_80 = arith.constant 0 : i32
          %dma_wait3A_81 = tpu.memref_slice %arg10[%dma_wait3A_79, %dma_wait3A_80] : memref<128x128xf32, #tpu.memory_space<vmem>> -> memref<16x128xf32, #tpu.memory_space<vmem>>
          %dma_wait3A_82 = arith.constant 9984 : i32
          %dma_wait3A_83 = arith.constant 0 : i32
          %dma_wait3A_84 = tpu.memref_slice %arg7[%dma_wait3A_82, %dma_wait3A_83] : memref<10000x128xf32, #tpu.memory_space<vmem_shared>> -> memref<16x128xf32, #tpu.memory_space<vmem_shared>>
          tpu.wait_dma2 semaphore(%run_scoped3A : memref<!tpu.dma_semaphore, #tpu.memory_space<semaphore_mem>>) src(%dma_wait3A_84 : memref<16x128xf32, #tpu.memory_space<vmem_shared>>) dst(%dma_wait3A_81 : memref<16x128xf32, #tpu.memory_space<vmem>>)
          tpu.yield
        }) : () -> ()
        "tpu.region"() ({
          %run_scoped3A = tpu.sem_alloc : memref<!tpu.dma_semaphore, #tpu.memory_space<semaphore_mem>>
          %dma_start3A = arith.constant 0 : i32
          %dma_start3A_63 = arith.constant 0 : i32
          %dma_start3A_64 = tpu.memref_slice %arg10[%dma_start3A, %dma_start3A_63] : memref<128x128xf32, #tpu.memory_space<vmem>> -> memref<16x128xf32, #tpu.memory_space<vmem>>
          %dma_start3A_65 = arith.constant 9984 : i32
          %dma_start3A_66 = arith.constant 0 : i32
          %dma_start3A_67 = tpu.memref_slice %arg6[%dma_start3A_65, %dma_start3A_66] : memref<10000x128xf32, #tpu.memory_space<hbm>> -> memref<16x128xf32, #tpu.memory_space<hbm>>
          %dma_start3A_68 = arith.constant 9984 : i32
          %dma_start3A_69 = arith.constant 0 : i32
          %dma_start3A_70 = tpu.memref_slice %arg6[%dma_start3A_68, %dma_start3A_69] : memref<10000x128xf32, #tpu.memory_space<hbm>> -> memref<16x128xf32, #tpu.memory_space<hbm>>
          %dma_start3A_71 = arith.constant 0 : i32
          %dma_start3A_72 = arith.constant 0 : i32
          %dma_start3A_73 = tpu.memref_slice %arg10[%dma_start3A_71, %dma_start3A_72] : memref<128x128xf32, #tpu.memory_space<vmem>> -> memref<16x128xf32, #tpu.memory_space<vmem>>
          tpu.enqueue_dma source(%dma_start3A_73 : memref<16x128xf32, #tpu.memory_space<vmem>>) target(%dma_start3A_70 : memref<16x128xf32, #tpu.memory_space<hbm>>) target_semaphore(%run_scoped3A : memref<!tpu.dma_semaphore, #tpu.memory_space<semaphore_mem>>)
          %dma_wait3A = arith.constant 0 : i32
          %dma_wait3A_74 = arith.constant 0 : i32
          %dma_wait3A_75 = tpu.memref_slice %arg10[%dma_wait3A, %dma_wait3A_74] : memref<128x128xf32, #tpu.memory_space<vmem>> -> memref<16x128xf32, #tpu.memory_space<vmem>>
          %dma_wait3A_76 = arith.constant 9984 : i32
          %dma_wait3A_77 = arith.constant 0 : i32
          %dma_wait3A_78 = tpu.memref_slice %arg6[%dma_wait3A_76, %dma_wait3A_77] : memref<10000x128xf32, #tpu.memory_space<hbm>> -> memref<16x128xf32, #tpu.memory_space<hbm>>
          %dma_wait3A_79 = arith.constant 9984 : i32
          %dma_wait3A_80 = arith.constant 0 : i32
          %dma_wait3A_81 = tpu.memref_slice %arg6[%dma_wait3A_79, %dma_wait3A_80] : memref<10000x128xf32, #tpu.memory_space<hbm>> -> memref<16x128xf32, #tpu.memory_space<hbm>>
          %dma_wait3A_82 = arith.constant 0 : i32
          %dma_wait3A_83 = arith.constant 0 : i32
          %dma_wait3A_84 = tpu.memref_slice %arg10[%dma_wait3A_82, %dma_wait3A_83] : memref<128x128xf32, #tpu.memory_space<vmem>> -> memref<16x128xf32, #tpu.memory_space<vmem>>
          tpu.wait_dma2 semaphore(%run_scoped3A : memref<!tpu.dma_semaphore, #tpu.memory_space<semaphore_mem>>) src(%dma_wait3A_84 : memref<16x128xf32, #tpu.memory_space<vmem>>) dst(%dma_wait3A_81 : memref<16x128xf32, #tpu.memory_space<hbm>>)
          tpu.yield
        }) : () -> ()
      } else {
      }
      %scan3A_62 = arith.constant 0 : i32
      scf.yield %scan3A_62 : i32
    }
    %scan3A_28 = arith.constant 20 : i32
    %barrier3A_29 = arith.constant 0 : index
    tpu.barrier barrier_id(%barrier3A_29)
    %scan3A_30 = arith.constant 0 : i32
    %scan3A_31 = arith.constant 0 : i32
    %scan3A_32 = arith.constant 128 : i32
    %scan3A_33 = arith.addi %scan3A_31, %scan3A_32 : i32
    %scan3A_34 = arith.constant 1 : i32
    %scan3A_35 = scf.for %scan3A_52 = %scan3A_31 to %scan3A_33 step %scan3A_34 iter_args(%scan3A_53 = %scan3A_30) -> (i32)  : i32 {
      %broadcast_in_dim3A = arith.constant 1.000000e+00 : f32
      %broadcast_in_dim3A_54 = vector.broadcast %broadcast_in_dim3A : f32 to vector<16xf32>
      %swap3A = arith.index_cast %scan3A_52 : i32 to index
      %swap3A_55 = arith.constant 0 : index
      %swap3A_56 = tpu.vector_load %arg10[%swap3A, %swap3A_55] {strides = array<i32>} : memref<128x128xf32, #tpu.memory_space<vmem>>, vector<1x16xf32>,
      %swap3A_57 = vector.shape_cast %swap3A_56 : vector<1x16xf32> to vector<16xf32>
      %swap3A_58 = vector.shape_cast %broadcast_in_dim3A_54 : vector<16xf32> to vector<1x16xf32>
      tpu.vector_store %arg10[%swap3A, %swap3A_55], %swap3A_58 {strides = array<i32>} : memref<128x128xf32, #tpu.memory_space<vmem>>, vector<1x16xf32>,
      %broadcast_in_dim3A_59 = arith.constant 1.000000e+00 : f32
      %broadcast_in_dim3A_60 = vector.broadcast %broadcast_in_dim3A_59 : f32 to vector<16xf32>
      %swap3A_61 = arith.index_cast %scan3A_52 : i32 to index
      %swap3A_62 = arith.constant 16 : index
      %swap3A_63 = tpu.vector_load %arg10[%swap3A_61, %swap3A_62] {strides = array<i32>} : memref<128x128xf32, #tpu.memory_space<vmem>>, vector<1x16xf32>,
      %swap3A_64 = vector.shape_cast %swap3A_63 : vector<1x16xf32> to vector<16xf32>
      %swap3A_65 = vector.shape_cast %broadcast_in_dim3A_60 : vector<16xf32> to vector<1x16xf32>
      tpu.vector_store %arg10[%swap3A_61, %swap3A_62], %swap3A_65 {strides = array<i32>} : memref<128x128xf32, #tpu.memory_space<vmem>>, vector<1x16xf32>,
      %broadcast_in_dim3A_66 = arith.constant 1.000000e+00 : f32
      %broadcast_in_dim3A_67 = vector.broadcast %broadcast_in_dim3A_66 : f32 to vector<16xf32>
      %swap3A_68 = arith.index_cast %scan3A_52 : i32 to index
      %swap3A_69 = arith.constant 32 : index
      %swap3A_70 = tpu.vector_load %arg10[%swap3A_68, %swap3A_69] {strides = array<i32>} : memref<128x128xf32, #tpu.memory_space<vmem>>, vector<1x16xf32>,
      %swap3A_71 = vector.shape_cast %swap3A_70 : vector<1x16xf32> to vector<16xf32>
      %swap3A_72 = vector.shape_cast %broadcast_in_dim3A_67 : vector<16xf32> to vector<1x16xf32>
      tpu.vector_store %arg10[%swap3A_68, %swap3A_69], %swap3A_72 {strides = array<i32>} : memref<128x128xf32, #tpu.memory_space<vmem>>, vector<1x16xf32>,
      %broadcast_in_dim3A_73 = arith.constant 1.000000e+00 : f32
      %broadcast_in_dim3A_74 = vector.broadcast %broadcast_in_dim3A_73 : f32 to vector<16xf32>
      %swap3A_75 = arith.index_cast %scan3A_52 : i32 to index
      %swap3A_76 = arith.constant 48 : index
      %swap3A_77 = tpu.vector_load %arg10[%swap3A_75, %swap3A_76] {strides = array<i32>} : memref<128x128xf32, #tpu.memory_space<vmem>>, vector<1x16xf32>,
      %swap3A_78 = vector.shape_cast %swap3A_77 : vector<1x16xf32> to vector<16xf32>
      %swap3A_79 = vector.shape_cast %broadcast_in_dim3A_74 : vector<16xf32> to vector<1x16xf32>
      tpu.vector_store %arg10[%swap3A_75, %swap3A_76], %swap3A_79 {strides = array<i32>} : memref<128x128xf32, #tpu.memory_space<vmem>>, vector<1x16xf32>,
      %broadcast_in_dim3A_80 = arith.constant 1.000000e+00 : f32
      %broadcast_in_dim3A_81 = vector.broadcast %broadcast_in_dim3A_80 : f32 to vector<16xf32>
      %swap3A_82 = arith.index_cast %scan3A_52 : i32 to index
      %swap3A_83 = arith.constant 64 : index
      %swap3A_84 = tpu.vector_load %arg10[%swap3A_82, %swap3A_83] {strides = array<i32>} : memref<128x128xf32, #tpu.memory_space<vmem>>, vector<1x16xf32>,
      %swap3A_85 = vector.shape_cast %swap3A_84 : vector<1x16xf32> to vector<16xf32>
      %swap3A_86 = vector.shape_cast %broadcast_in_dim3A_81 : vector<16xf32> to vector<1x16xf32>
      tpu.vector_store %arg10[%swap3A_82, %swap3A_83], %swap3A_86 {strides = array<i32>} : memref<128x128xf32, #tpu.memory_space<vmem>>, vector<1x16xf32>,
      %broadcast_in_dim3A_87 = arith.constant 1.000000e+00 : f32
      %broadcast_in_dim3A_88 = vector.broadcast %broadcast_in_dim3A_87 : f32 to vector<16xf32>
      %swap3A_89 = arith.index_cast %scan3A_52 : i32 to index
      %swap3A_90 = arith.constant 80 : index
      %swap3A_91 = tpu.vector_load %arg10[%swap3A_89, %swap3A_90] {strides = array<i32>} : memref<128x128xf32, #tpu.memory_space<vmem>>, vector<1x16xf32>,
      %swap3A_92 = vector.shape_cast %swap3A_91 : vector<1x16xf32> to vector<16xf32>
      %swap3A_93 = vector.shape_cast %broadcast_in_dim3A_88 : vector<16xf32> to vector<1x16xf32>
      tpu.vector_store %arg10[%swap3A_89, %swap3A_90], %swap3A_93 {strides = array<i32>} : memref<128x128xf32, #tpu.memory_space<vmem>>, vector<1x16xf32>,
      %broadcast_in_dim3A_94 = arith.constant 1.000000e+00 : f32
      %broadcast_in_dim3A_95 = vector.broadcast %broadcast_in_dim3A_94 : f32 to vector<16xf32>
      %swap3A_96 = arith.index_cast %scan3A_52 : i32 to index
      %swap3A_97 = arith.constant 96 : index
      %swap3A_98 = tpu.vector_load %arg10[%swap3A_96, %swap3A_97] {strides = array<i32>} : memref<128x128xf32, #tpu.memory_space<vmem>>, vector<1x16xf32>,
      %swap3A_99 = vector.shape_cast %swap3A_98 : vector<1x16xf32> to vector<16xf32>
      %swap3A_100 = vector.shape_cast %broadcast_in_dim3A_95 : vector<16xf32> to vector<1x16xf32>
      tpu.vector_store %arg10[%swap3A_96, %swap3A_97], %swap3A_100 {strides = array<i32>} : memref<128x128xf32, #tpu.memory_space<vmem>>, vector<1x16xf32>,
      %broadcast_in_dim3A_101 = arith.constant 1.000000e+00 : f32
      %broadcast_in_dim3A_102 = vector.broadcast %broadcast_in_dim3A_101 : f32 to vector<16xf32>
      %swap3A_103 = arith.index_cast %scan3A_52 : i32 to index
      %swap3A_104 = arith.constant 112 : index
      %swap3A_105 = tpu.vector_load %arg10[%swap3A_103, %swap3A_104] {strides = array<i32>} : memref<128x128xf32, #tpu.memory_space<vmem>>, vector<1x16xf32>,
      %swap3A_106 = vector.shape_cast %swap3A_105 : vector<1x16xf32> to vector<16xf32>
      %swap3A_107 = vector.shape_cast %broadcast_in_dim3A_102 : vector<16xf32> to vector<1x16xf32>
      tpu.vector_store %arg10[%swap3A_103, %swap3A_104], %swap3A_107 {strides = array<i32>} : memref<128x128xf32, #tpu.memory_space<vmem>>, vector<1x16xf32>,
      %scan3A_108 = arith.constant 0 : i32
      scf.yield %scan3A_108 : i32
    }
    %scan3A_36 = arith.constant 128 : i32
    %scan3A_37 = arith.constant 0 : i32
    %scan3A_38 = arith.constant 0 : i32
    %scan3A_39 = arith.constant 4 : i32
    %scan3A_40 = arith.addi %scan3A_38, %scan3A_39 : i32
    %scan3A_41 = arith.constant 1 : i32
    %scan3A_42 = scf.for %scan3A_52 = %scan3A_38 to %scan3A_40 step %scan3A_41 iter_args(%scan3A_53 = %scan3A_37) -> (i32)  : i32 {
      %mul3A_54 = arith.constant 2 : i32
      %mul3A_55 = arith.muli %mul3A_54, %scan3A_52 : i32
      %mul3A_56 = arith.constant 128 : i32
      %mul3A_57 = arith.muli %mul3A_55, %mul3A_56 : i32
      %add3A = arith.addi %mul3A_6, %mul3A_57 : i32
      %multiple_of3A = tpu.assume_multiple %add3A, 128 : i32
      %mul3A_58 = arith.constant 2 : i32
      %mul3A_59 = arith.muli %mul3A_58, %scan3A_52 : i32
      %add3A_60 = arith.constant 1 : i32
      %add3A_61 = arith.addi %mul3A_59, %add3A_60 : i32
      %mul3A_62 = arith.constant 128 : i32
      %mul3A_63 = arith.muli %add3A_61, %mul3A_62 : i32
      %add3A_64 = arith.addi %mul3A_6, %mul3A_63 : i32
      %multiple_of3A_65 = tpu.assume_multiple %add3A_64, 128 : i32
      "tpu.region"() ({
        %run_scoped3A = tpu.sem_alloc : memref<!tpu.dma_semaphore, #tpu.memory_space<semaphore_mem>>
        %dma_start3A_77 = tpu.memref_slice %arg3[%multiple_of3A] : memref<16384xi32, #tpu.memory_space<hbm>> -> memref<128xi32, #tpu.memory_space<hbm>>
        %dma_start3A_78 = tpu.memref_slice %arg3[%multiple_of3A] : memref<16384xi32, #tpu.memory_space<hbm>> -> memref<128xi32, #tpu.memory_space<hbm>>
        tpu.enqueue_dma source(%dma_start3A_78 : memref<128xi32, #tpu.memory_space<hbm>>) target(%arg8 : memref<128xi32, #tpu.memory_space<vmem>>) target_semaphore(%run_scoped3A : memref<!tpu.dma_semaphore, #tpu.memory_space<semaphore_mem>>)
        %dma_wait3A_79 = tpu.memref_slice %arg3[%multiple_of3A] : memref<16384xi32, #tpu.memory_space<hbm>> -> memref<128xi32, #tpu.memory_space<hbm>>
        %dma_wait3A_80 = tpu.memref_slice %arg3[%multiple_of3A] : memref<16384xi32, #tpu.memory_space<hbm>> -> memref<128xi32, #tpu.memory_space<hbm>>
        tpu.wait_dma2 semaphore(%run_scoped3A : memref<!tpu.dma_semaphore, #tpu.memory_space<semaphore_mem>>) src(%dma_wait3A_80 : memref<128xi32, #tpu.memory_space<hbm>>) dst(%arg8 : memref<128xi32, #tpu.memory_space<vmem>>)
        tpu.yield
      }) : () -> ()
      %dma_start3A = arith.constant 0 : i32
      %dma_start3A_66 = arith.constant 0 : i32
      %dma_start3A_67 = tpu.memref_slice %arg7[%dma_start3A, %dma_start3A_66] : memref<10000x128xf32, #tpu.memory_space<vmem_shared>> -> memref<10000x128xf32, #tpu.memory_space<vmem_shared>>
      tpu.enqueue_indirect_dma source(%arg10 : memref<128x128xf32, #tpu.memory_space<vmem>>) target(%dma_start3A_67 : memref<10000x128xf32, #tpu.memory_space<vmem_shared>>) offsets(%arg8 : memref<128xi32, #tpu.memory_space<vmem>>) semaphore(%arg13 : memref<!tpu.dma_semaphore, #tpu.memory_space<semaphore_mem>>) {add = true}
      "tpu.region"() ({
        %run_scoped3A = tpu.sem_alloc : memref<!tpu.dma_semaphore, #tpu.memory_space<semaphore_mem>>
        %dma_start3A_77 = tpu.memref_slice %arg3[%multiple_of3A_65] : memref<16384xi32, #tpu.memory_space<hbm>> -> memref<128xi32, #tpu.memory_space<hbm>>
        %dma_start3A_78 = tpu.memref_slice %arg3[%multiple_of3A_65] : memref<16384xi32, #tpu.memory_space<hbm>> -> memref<128xi32, #tpu.memory_space<hbm>>
        tpu.enqueue_dma source(%dma_start3A_78 : memref<128xi32, #tpu.memory_space<hbm>>) target(%arg9 : memref<128xi32, #tpu.memory_space<vmem>>) target_semaphore(%run_scoped3A : memref<!tpu.dma_semaphore, #tpu.memory_space<semaphore_mem>>)
        %dma_wait3A_79 = tpu.memref_slice %arg3[%multiple_of3A_65] : memref<16384xi32, #tpu.memory_space<hbm>> -> memref<128xi32, #tpu.memory_space<hbm>>
        %dma_wait3A_80 = tpu.memref_slice %arg3[%multiple_of3A_65] : memref<16384xi32, #tpu.memory_space<hbm>> -> memref<128xi32, #tpu.memory_space<hbm>>
        tpu.wait_dma2 semaphore(%run_scoped3A : memref<!tpu.dma_semaphore, #tpu.memory_space<semaphore_mem>>) src(%dma_wait3A_80 : memref<128xi32, #tpu.memory_space<hbm>>) dst(%arg9 : memref<128xi32, #tpu.memory_space<vmem>>)
        tpu.yield
      }) : () -> ()
      %dma_start3A_68 = arith.constant 0 : i32
      %dma_start3A_69 = arith.constant 0 : i32
      %dma_start3A_70 = tpu.memref_slice %arg7[%dma_start3A_68, %dma_start3A_69] : memref<10000x128xf32, #tpu.memory_space<vmem_shared>> -> memref<10000x128xf32, #tpu.memory_space<vmem_shared>>
      tpu.enqueue_indirect_dma source(%arg10 : memref<128x128xf32, #tpu.memory_space<vmem>>) target(%dma_start3A_70 : memref<10000x128xf32, #tpu.memory_space<vmem_shared>>) offsets(%arg9 : memref<128xi32, #tpu.memory_space<vmem>>) semaphore(%arg14 : memref<!tpu.dma_semaphore, #tpu.memory_space<semaphore_mem>>) {add = true}
      %dma_wait3A = arith.constant 0 : i32
      %dma_wait3A_71 = arith.constant 0 : i32
      %dma_wait3A_72 = tpu.memref_slice %arg7[%dma_wait3A, %dma_wait3A_71] : memref<10000x128xf32, #tpu.memory_space<vmem_shared>> -> memref<10000x128xf32, #tpu.memory_space<vmem_shared>>
      tpu.wait_indirect_dma semaphore(%arg13 : memref<!tpu.dma_semaphore, #tpu.memory_space<semaphore_mem>>) src(%arg10 : memref<128x128xf32, #tpu.memory_space<vmem>>) dst(%dma_wait3A_72 : memref<10000x128xf32, #tpu.memory_space<vmem_shared>>)
      %dma_wait3A_73 = arith.constant 0 : i32
      %dma_wait3A_74 = arith.constant 0 : i32
      %dma_wait3A_75 = tpu.memref_slice %arg7[%dma_wait3A_73, %dma_wait3A_74] : memref<10000x128xf32, #tpu.memory_space<vmem_shared>> -> memref<10000x128xf32, #tpu.memory_space<vmem_shared>>
      tpu.wait_indirect_dma semaphore(%arg14 : memref<!tpu.dma_semaphore, #tpu.memory_space<semaphore_mem>>) src(%arg10 : memref<128x128xf32, #tpu.memory_space<vmem>>) dst(%dma_wait3A_75 : memref<10000x128xf32, #tpu.memory_space<vmem_shared>>)
      %scan3A_76 = arith.constant 0 : i32
      scf.yield %scan3A_76 : i32
    }
    %scan3A_43 = arith.constant 4 : i32
    %barrier3A_44 = arith.constant 0 : index
    tpu.barrier barrier_id(%barrier3A_44)
    %scan3A_45 = arith.constant 0 : i32
    %scan3A_46 = arith.constant 0 : i32
    %scan3A_47 = arith.constant 20 : i32
    %scan3A_48 = arith.addi %scan3A_46, %scan3A_47 : i32
    %scan3A_49 = arith.constant 1 : i32
    %scan3A_50 = scf.for %scan3A_52 = %scan3A_46 to %scan3A_48 step %scan3A_49 iter_args(%scan3A_53 = %scan3A_45) -> (i32)  : i32 {
      %mul3A_54 = arith.constant 16 : i32
      %mul3A_55 = arith.muli %scan3A_52, %mul3A_54 : i32
      %add3A = arith.addi %mul3A_55, %arg1 : i32
      %lt3A = arith.constant 312 : i32
      %lt3A_56 = arith.cmpi slt, %add3A, %lt3A : i32
      %convert_element_type3A = arith.extui %lt3A_56 : i1 to i32
      %cond3A = arith.constant 0 : i32
      %cond3A_57 = arith.cmpi ne, %convert_element_type3A, %cond3A : i32
      scf.if %cond3A_57 {
        %mul3A_63 = arith.constant 32 : i32
        %mul3A_64 = arith.muli %add3A, %mul3A_63 : i32
        %multiple_of3A = tpu.assume_multiple %mul3A_64, 32 : i32
        "tpu.region"() ({
          %run_scoped3A = tpu.sem_alloc : memref<!tpu.dma_semaphore, #tpu.memory_space<semaphore_mem>>
          %dma_start3A = arith.constant 0 : i32
          %dma_start3A_72 = arith.constant 0 : i32
          %dma_start3A_73 = tpu.memref_slice %arg10[%dma_start3A, %dma_start3A_72] : memref<128x128xf32, #tpu.memory_space<vmem>> -> memref<32x128xf32, #tpu.memory_space<vmem>>
          %dma_start3A_74 = arith.constant 0 : i32
          %dma_start3A_75 = tpu.memref_slice %arg6[%multiple_of3A, %dma_start3A_74] : memref<10000x128xf32, #tpu.memory_space<hbm>> -> memref<32x128xf32, #tpu.memory_space<hbm>>
          %dma_start3A_76 = arith.constant 0 : i32
          %dma_start3A_77 = arith.constant 0 : i32
          %dma_start3A_78 = tpu.memref_slice %arg10[%dma_start3A_76, %dma_start3A_77] : memref<128x128xf32, #tpu.memory_space<vmem>> -> memref<32x128xf32, #tpu.memory_space<vmem>>
          %dma_start3A_79 = arith.constant 0 : i32
          %dma_start3A_80 = tpu.memref_slice %arg6[%multiple_of3A, %dma_start3A_79] : memref<10000x128xf32, #tpu.memory_space<hbm>> -> memref<32x128xf32, #tpu.memory_space<hbm>>
          tpu.enqueue_dma source(%dma_start3A_80 : memref<32x128xf32, #tpu.memory_space<hbm>>) target(%dma_start3A_78 : memref<32x128xf32, #tpu.memory_space<vmem>>) target_semaphore(%run_scoped3A : memref<!tpu.dma_semaphore, #tpu.memory_space<semaphore_mem>>)
          %dma_wait3A = arith.constant 0 : i32
          %dma_wait3A_81 = arith.constant 0 : i32
          %dma_wait3A_82 = tpu.memref_slice %arg10[%dma_wait3A, %dma_wait3A_81] : memref<128x128xf32, #tpu.memory_space<vmem>> -> memref<32x128xf32, #tpu.memory_space<vmem>>
          %dma_wait3A_83 = arith.constant 0 : i32
          %dma_wait3A_84 = tpu.memref_slice %arg6[%multiple_of3A, %dma_wait3A_83] : memref<10000x128xf32, #tpu.memory_space<hbm>> -> memref<32x128xf32, #tpu.memory_space<hbm>>
          %dma_wait3A_85 = arith.constant 0 : i32
          %dma_wait3A_86 = arith.constant 0 : i32
          %dma_wait3A_87 = tpu.memref_slice %arg10[%dma_wait3A_85, %dma_wait3A_86] : memref<128x128xf32, #tpu.memory_space<vmem>> -> memref<32x128xf32, #tpu.memory_space<vmem>>
          %dma_wait3A_88 = arith.constant 0 : i32
          %dma_wait3A_89 = tpu.memref_slice %arg6[%multiple_of3A, %dma_wait3A_88] : memref<10000x128xf32, #tpu.memory_space<hbm>> -> memref<32x128xf32, #tpu.memory_space<hbm>>
          tpu.wait_dma2 semaphore(%run_scoped3A : memref<!tpu.dma_semaphore, #tpu.memory_space<semaphore_mem>>) src(%dma_wait3A_89 : memref<32x128xf32, #tpu.memory_space<hbm>>) dst(%dma_wait3A_87 : memref<32x128xf32, #tpu.memory_space<vmem>>)
          tpu.yield
        }) : () -> ()
        "tpu.region"() ({
          %run_scoped3A = tpu.sem_alloc : memref<!tpu.dma_semaphore, #tpu.memory_space<semaphore_mem>>
          %dma_start3A = arith.constant 32 : i32
          %dma_start3A_72 = arith.constant 0 : i32
          %dma_start3A_73 = tpu.memref_slice %arg10[%dma_start3A, %dma_start3A_72] : memref<128x128xf32, #tpu.memory_space<vmem>> -> memref<32x128xf32, #tpu.memory_space<vmem>>
          %dma_start3A_74 = arith.constant 0 : i32
          %dma_start3A_75 = tpu.memref_slice %arg4[%multiple_of3A, %dma_start3A_74] : memref<10000x128xf32, #tpu.memory_space<hbm>> -> memref<32x128xf32, #tpu.memory_space<hbm>>
          %dma_start3A_76 = arith.constant 32 : i32
          %dma_start3A_77 = arith.constant 0 : i32
          %dma_start3A_78 = tpu.memref_slice %arg10[%dma_start3A_76, %dma_start3A_77] : memref<128x128xf32, #tpu.memory_space<vmem>> -> memref<32x128xf32, #tpu.memory_space<vmem>>
          %dma_start3A_79 = arith.constant 0 : i32
          %dma_start3A_80 = tpu.memref_slice %arg4[%multiple_of3A, %dma_start3A_79] : memref<10000x128xf32, #tpu.memory_space<hbm>> -> memref<32x128xf32, #tpu.memory_space<hbm>>
          tpu.enqueue_dma source(%dma_start3A_80 : memref<32x128xf32, #tpu.memory_space<hbm>>) target(%dma_start3A_78 : memref<32x128xf32, #tpu.memory_space<vmem>>) target_semaphore(%run_scoped3A : memref<!tpu.dma_semaphore, #tpu.memory_space<semaphore_mem>>)
          %dma_wait3A = arith.constant 32 : i32
          %dma_wait3A_81 = arith.constant 0 : i32
          %dma_wait3A_82 = tpu.memref_slice %arg10[%dma_wait3A, %dma_wait3A_81] : memref<128x128xf32, #tpu.memory_space<vmem>> -> memref<32x128xf32, #tpu.memory_space<vmem>>
          %dma_wait3A_83 = arith.constant 0 : i32
          %dma_wait3A_84 = tpu.memref_slice %arg4[%multiple_of3A, %dma_wait3A_83] : memref<10000x128xf32, #tpu.memory_space<hbm>> -> memref<32x128xf32, #tpu.memory_space<hbm>>
          %dma_wait3A_85 = arith.constant 32 : i32
          %dma_wait3A_86 = arith.constant 0 : i32
          %dma_wait3A_87 = tpu.memref_slice %arg10[%dma_wait3A_85, %dma_wait3A_86] : memref<128x128xf32, #tpu.memory_space<vmem>> -> memref<32x128xf32, #tpu.memory_space<vmem>>
          %dma_wait3A_88 = arith.constant 0 : i32
          %dma_wait3A_89 = tpu.memref_slice %arg4[%multiple_of3A, %dma_wait3A_88] : memref<10000x128xf32, #tpu.memory_space<hbm>> -> memref<32x128xf32, #tpu.memory_space<hbm>>
          tpu.wait_dma2 semaphore(%run_scoped3A : memref<!tpu.dma_semaphore, #tpu.memory_space<semaphore_mem>>) src(%dma_wait3A_89 : memref<32x128xf32, #tpu.memory_space<hbm>>) dst(%dma_wait3A_87 : memref<32x128xf32, #tpu.memory_space<vmem>>)
          tpu.yield
        }) : () -> ()
        "tpu.region"() ({
          %run_scoped3A = tpu.sem_alloc : memref<!tpu.dma_semaphore, #tpu.memory_space<semaphore_mem>>
          %dma_start3A = arith.constant 64 : i32
          %dma_start3A_72 = arith.constant 0 : i32
          %dma_start3A_73 = tpu.memref_slice %arg10[%dma_start3A, %dma_start3A_72] : memref<128x128xf32, #tpu.memory_space<vmem>> -> memref<32x128xf32, #tpu.memory_space<vmem>>
          %dma_start3A_74 = arith.constant 0 : i32
          %dma_start3A_75 = tpu.memref_slice %arg7[%multiple_of3A, %dma_start3A_74] : memref<10000x128xf32, #tpu.memory_space<vmem_shared>> -> memref<32x128xf32, #tpu.memory_space<vmem_shared>>
          %dma_start3A_76 = arith.constant 64 : i32
          %dma_start3A_77 = arith.constant 0 : i32
          %dma_start3A_78 = tpu.memref_slice %arg10[%dma_start3A_76, %dma_start3A_77] : memref<128x128xf32, #tpu.memory_space<vmem>> -> memref<32x128xf32, #tpu.memory_space<vmem>>
          %dma_start3A_79 = arith.constant 0 : i32
          %dma_start3A_80 = tpu.memref_slice %arg7[%multiple_of3A, %dma_start3A_79] : memref<10000x128xf32, #tpu.memory_space<vmem_shared>> -> memref<32x128xf32, #tpu.memory_space<vmem_shared>>
          tpu.enqueue_dma source(%dma_start3A_80 : memref<32x128xf32, #tpu.memory_space<vmem_shared>>) target(%dma_start3A_78 : memref<32x128xf32, #tpu.memory_space<vmem>>) target_semaphore(%run_scoped3A : memref<!tpu.dma_semaphore, #tpu.memory_space<semaphore_mem>>)
          %dma_wait3A = arith.constant 64 : i32
          %dma_wait3A_81 = arith.constant 0 : i32
          %dma_wait3A_82 = tpu.memref_slice %arg10[%dma_wait3A, %dma_wait3A_81] : memref<128x128xf32, #tpu.memory_space<vmem>> -> memref<32x128xf32, #tpu.memory_space<vmem>>
          %dma_wait3A_83 = arith.constant 0 : i32
          %dma_wait3A_84 = tpu.memref_slice %arg7[%multiple_of3A, %dma_wait3A_83] : memref<10000x128xf32, #tpu.memory_space<vmem_shared>> -> memref<32x128xf32, #tpu.memory_space<vmem_shared>>
          %dma_wait3A_85 = arith.constant 64 : i32
          %dma_wait3A_86 = arith.constant 0 : i32
          %dma_wait3A_87 = tpu.memref_slice %arg10[%dma_wait3A_85, %dma_wait3A_86] : memref<128x128xf32, #tpu.memory_space<vmem>> -> memref<32x128xf32, #tpu.memory_space<vmem>>
          %dma_wait3A_88 = arith.constant 0 : i32
          %dma_wait3A_89 = tpu.memref_slice %arg7[%multiple_of3A, %dma_wait3A_88] : memref<10000x128xf32, #tpu.memory_space<vmem_shared>> -> memref<32x128xf32, #tpu.memory_space<vmem_shared>>
          tpu.wait_dma2 semaphore(%run_scoped3A : memref<!tpu.dma_semaphore, #tpu.memory_space<semaphore_mem>>) src(%dma_wait3A_89 : memref<32x128xf32, #tpu.memory_space<vmem_shared>>) dst(%dma_wait3A_87 : memref<32x128xf32, #tpu.memory_space<vmem>>)
          tpu.yield
        }) : () -> ()
        %scan3A_65 = arith.constant 0 : i32
        %scan3A_66 = arith.constant 0 : i32
        %scan3A_67 = arith.constant 32 : i32
        %scan3A_68 = arith.addi %scan3A_66, %scan3A_67 : i32
        %scan3A_69 = arith.constant 1 : i32
        %scan3A_70 = scf.for %scan3A_72 = %scan3A_66 to %scan3A_68 step %scan3A_69 iter_args(%scan3A_73 = %scan3A_65) -> (i32)  : i32 {
          %add3A_74 = arith.constant 64 : i32
          %add3A_75 = arith.addi %scan3A_72, %add3A_74 : i32
          %get3A = arith.index_cast %add3A_75 : i32 to index
          %get3A_76 = arith.constant 0 : index
          %get3A_77 = tpu.vector_load %arg10[%get3A, %get3A_76] {strides = array<i32>} : memref<128x128xf32, #tpu.memory_space<vmem>>, vector<1x16xf32>,
          %get3A_78 = vector.shape_cast %get3A_77 : vector<1x16xf32> to vector<16xf32>
          %get3A_79 = arith.index_cast %scan3A_72 : i32 to index
          %get3A_80 = arith.constant 0 : index
          %get3A_81 = tpu.vector_load %arg10[%get3A_79, %get3A_80] {strides = array<i32>} : memref<128x128xf32, #tpu.memory_space<vmem>>, vector<1x16xf32>,
          %get3A_82 = vector.shape_cast %get3A_81 : vector<1x16xf32> to vector<16xf32>
          %sub3A = arith.subf %get3A_78, %get3A_82 : vector<16xf32>
          %add3A_83 = arith.constant 5.000000e-01 : f32
          %add3A_84 = vector.broadcast %add3A_83 : f32 to vector<16xf32>
          %add3A_85 = arith.addf %sub3A, %add3A_84 : vector<16xf32>
          %convert_element_type3A_86 = arith.fptosi %add3A_85 : vector<16xf32> to vector<16xi32>
          %convert_element_type3A_87 = arith.sitofp %convert_element_type3A_86 : vector<16xi32> to vector<16xf32>
          %max3A = arith.constant 1.000000e+00 : f32
          %max3A_88 = vector.broadcast %max3A : f32 to vector<16xf32>
          %max3A_89 = arith.maximumf %convert_element_type3A_87, %max3A_88 : vector<16xf32>
          %div3A = arith.constant 1.000000e+00 : f32
          %div3A_90 = vector.broadcast %div3A : f32 to vector<16xf32>
          %div3A_91 = arith.divf %div3A_90, %max3A_89 : vector<16xf32>
          %gt3A = arith.constant 0.000000e+00 : f32
          %gt3A_92 = vector.broadcast %gt3A : f32 to vector<16xf32>
          %gt3A_93 = arith.cmpf ogt, %convert_element_type3A_87, %gt3A_92 : vector<16xf32>
          %get3A_94 = arith.index_cast %scan3A_72 : i32 to index
          %get3A_95 = arith.constant 0 : index
          %get3A_96 = tpu.vector_load %arg10[%get3A_94, %get3A_95] {strides = array<i32>} : memref<128x128xf32, #tpu.memory_space<vmem>>, vector<1x16xf32>,
          %get3A_97 = vector.shape_cast %get3A_96 : vector<1x16xf32> to vector<16xf32>
          %mul3A_98 = arith.mulf %get3A_97, %div3A_91 : vector<16xf32>
          %add3A_99 = arith.constant 32 : i32
          %add3A_100 = arith.addi %scan3A_72, %add3A_99 : i32
          %get3A_101 = arith.index_cast %add3A_100 : i32 to index
          %get3A_102 = arith.constant 0 : index
          %get3A_103 = tpu.vector_load %arg10[%get3A_101, %get3A_102] {strides = array<i32>} : memref<128x128xf32, #tpu.memory_space<vmem>>, vector<1x16xf32>,
          %get3A_104 = vector.shape_cast %get3A_103 : vector<1x16xf32> to vector<16xf32>
          %select_n3A = arith.select %gt3A_93, %mul3A_98, %get3A_104 : vector<16xi1>, vector<16xf32>
          %swap3A = arith.index_cast %scan3A_72 : i32 to index
          %swap3A_105 = arith.constant 0 : index
          %swap3A_106 = tpu.vector_load %arg10[%swap3A, %swap3A_105] {strides = array<i32>} : memref<128x128xf32, #tpu.memory_space<vmem>>, vector<1x16xf32>,
          %swap3A_107 = vector.shape_cast %swap3A_106 : vector<1x16xf32> to vector<16xf32>
          %swap3A_108 = vector.shape_cast %select_n3A : vector<16xf32> to vector<1x16xf32>
          tpu.vector_store %arg10[%swap3A, %swap3A_105], %swap3A_108 {strides = array<i32>} : memref<128x128xf32, #tpu.memory_space<vmem>>, vector<1x16xf32>,
          %get3A_109 = arith.index_cast %scan3A_72 : i32 to index
          %get3A_110 = arith.constant 16 : index
          %get3A_111 = tpu.vector_load %arg10[%get3A_109, %get3A_110] {strides = array<i32>} : memref<128x128xf32, #tpu.memory_space<vmem>>, vector<1x16xf32>,
          %get3A_112 = vector.shape_cast %get3A_111 : vector<1x16xf32> to vector<16xf32>
          %mul3A_113 = arith.mulf %get3A_112, %div3A_91 : vector<16xf32>
          %add3A_114 = arith.constant 32 : i32
          %add3A_115 = arith.addi %scan3A_72, %add3A_114 : i32
          %get3A_116 = arith.index_cast %add3A_115 : i32 to index
          %get3A_117 = arith.constant 16 : index
          %get3A_118 = tpu.vector_load %arg10[%get3A_116, %get3A_117] {strides = array<i32>} : memref<128x128xf32, #tpu.memory_space<vmem>>, vector<1x16xf32>,
          %get3A_119 = vector.shape_cast %get3A_118 : vector<1x16xf32> to vector<16xf32>
          %select_n3A_120 = arith.select %gt3A_93, %mul3A_113, %get3A_119 : vector<16xi1>, vector<16xf32>
          %swap3A_121 = arith.index_cast %scan3A_72 : i32 to index
          %swap3A_122 = arith.constant 16 : index
          %swap3A_123 = tpu.vector_load %arg10[%swap3A_121, %swap3A_122] {strides = array<i32>} : memref<128x128xf32, #tpu.memory_space<vmem>>, vector<1x16xf32>,
          %swap3A_124 = vector.shape_cast %swap3A_123 : vector<1x16xf32> to vector<16xf32>
          %swap3A_125 = vector.shape_cast %select_n3A_120 : vector<16xf32> to vector<1x16xf32>
          tpu.vector_store %arg10[%swap3A_121, %swap3A_122], %swap3A_125 {strides = array<i32>} : memref<128x128xf32, #tpu.memory_space<vmem>>, vector<1x16xf32>,
          %get3A_126 = arith.index_cast %scan3A_72 : i32 to index
          %get3A_127 = arith.constant 32 : index
          %get3A_128 = tpu.vector_load %arg10[%get3A_126, %get3A_127] {strides = array<i32>} : memref<128x128xf32, #tpu.memory_space<vmem>>, vector<1x16xf32>,
          %get3A_129 = vector.shape_cast %get3A_128 : vector<1x16xf32> to vector<16xf32>
          %mul3A_130 = arith.mulf %get3A_129, %div3A_91 : vector<16xf32>
          %add3A_131 = arith.constant 32 : i32
          %add3A_132 = arith.addi %scan3A_72, %add3A_131 : i32
          %get3A_133 = arith.index_cast %add3A_132 : i32 to index
          %get3A_134 = arith.constant 32 : index
          %get3A_135 = tpu.vector_load %arg10[%get3A_133, %get3A_134] {strides = array<i32>} : memref<128x128xf32, #tpu.memory_space<vmem>>, vector<1x16xf32>,
          %get3A_136 = vector.shape_cast %get3A_135 : vector<1x16xf32> to vector<16xf32>
          %select_n3A_137 = arith.select %gt3A_93, %mul3A_130, %get3A_136 : vector<16xi1>, vector<16xf32>
          %swap3A_138 = arith.index_cast %scan3A_72 : i32 to index
          %swap3A_139 = arith.constant 32 : index
          %swap3A_140 = tpu.vector_load %arg10[%swap3A_138, %swap3A_139] {strides = array<i32>} : memref<128x128xf32, #tpu.memory_space<vmem>>, vector<1x16xf32>,
          %swap3A_141 = vector.shape_cast %swap3A_140 : vector<1x16xf32> to vector<16xf32>
          %swap3A_142 = vector.shape_cast %select_n3A_137 : vector<16xf32> to vector<1x16xf32>
          tpu.vector_store %arg10[%swap3A_138, %swap3A_139], %swap3A_142 {strides = array<i32>} : memref<128x128xf32, #tpu.memory_space<vmem>>, vector<1x16xf32>,
          %get3A_143 = arith.index_cast %scan3A_72 : i32 to index
          %get3A_144 = arith.constant 48 : index
          %get3A_145 = tpu.vector_load %arg10[%get3A_143, %get3A_144] {strides = array<i32>} : memref<128x128xf32, #tpu.memory_space<vmem>>, vector<1x16xf32>,
          %get3A_146 = vector.shape_cast %get3A_145 : vector<1x16xf32> to vector<16xf32>
          %mul3A_147 = arith.mulf %get3A_146, %div3A_91 : vector<16xf32>
          %add3A_148 = arith.constant 32 : i32
          %add3A_149 = arith.addi %scan3A_72, %add3A_148 : i32
          %get3A_150 = arith.index_cast %add3A_149 : i32 to index
          %get3A_151 = arith.constant 48 : index
          %get3A_152 = tpu.vector_load %arg10[%get3A_150, %get3A_151] {strides = array<i32>} : memref<128x128xf32, #tpu.memory_space<vmem>>, vector<1x16xf32>,
          %get3A_153 = vector.shape_cast %get3A_152 : vector<1x16xf32> to vector<16xf32>
          %select_n3A_154 = arith.select %gt3A_93, %mul3A_147, %get3A_153 : vector<16xi1>, vector<16xf32>
          %swap3A_155 = arith.index_cast %scan3A_72 : i32 to index
          %swap3A_156 = arith.constant 48 : index
          %swap3A_157 = tpu.vector_load %arg10[%swap3A_155, %swap3A_156] {strides = array<i32>} : memref<128x128xf32, #tpu.memory_space<vmem>>, vector<1x16xf32>,
          %swap3A_158 = vector.shape_cast %swap3A_157 : vector<1x16xf32> to vector<16xf32>
          %swap3A_159 = vector.shape_cast %select_n3A_154 : vector<16xf32> to vector<1x16xf32>
          tpu.vector_store %arg10[%swap3A_155, %swap3A_156], %swap3A_159 {strides = array<i32>} : memref<128x128xf32, #tpu.memory_space<vmem>>, vector<1x16xf32>,
          %get3A_160 = arith.index_cast %scan3A_72 : i32 to index
          %get3A_161 = arith.constant 64 : index
          %get3A_162 = tpu.vector_load %arg10[%get3A_160, %get3A_161] {strides = array<i32>} : memref<128x128xf32, #tpu.memory_space<vmem>>, vector<1x16xf32>,
          %get3A_163 = vector.shape_cast %get3A_162 : vector<1x16xf32> to vector<16xf32>
          %mul3A_164 = arith.mulf %get3A_163, %div3A_91 : vector<16xf32>
          %add3A_165 = arith.constant 32 : i32
          %add3A_166 = arith.addi %scan3A_72, %add3A_165 : i32
          %get3A_167 = arith.index_cast %add3A_166 : i32 to index
          %get3A_168 = arith.constant 64 : index
          %get3A_169 = tpu.vector_load %arg10[%get3A_167, %get3A_168] {strides = array<i32>} : memref<128x128xf32, #tpu.memory_space<vmem>>, vector<1x16xf32>,
          %get3A_170 = vector.shape_cast %get3A_169 : vector<1x16xf32> to vector<16xf32>
          %select_n3A_171 = arith.select %gt3A_93, %mul3A_164, %get3A_170 : vector<16xi1>, vector<16xf32>
          %swap3A_172 = arith.index_cast %scan3A_72 : i32 to index
          %swap3A_173 = arith.constant 64 : index
          %swap3A_174 = tpu.vector_load %arg10[%swap3A_172, %swap3A_173] {strides = array<i32>} : memref<128x128xf32, #tpu.memory_space<vmem>>, vector<1x16xf32>,
          %swap3A_175 = vector.shape_cast %swap3A_174 : vector<1x16xf32> to vector<16xf32>
          %swap3A_176 = vector.shape_cast %select_n3A_171 : vector<16xf32> to vector<1x16xf32>
          tpu.vector_store %arg10[%swap3A_172, %swap3A_173], %swap3A_176 {strides = array<i32>} : memref<128x128xf32, #tpu.memory_space<vmem>>, vector<1x16xf32>,
          %get3A_177 = arith.index_cast %scan3A_72 : i32 to index
          %get3A_178 = arith.constant 80 : index
          %get3A_179 = tpu.vector_load %arg10[%get3A_177, %get3A_178] {strides = array<i32>} : memref<128x128xf32, #tpu.memory_space<vmem>>, vector<1x16xf32>,
          %get3A_180 = vector.shape_cast %get3A_179 : vector<1x16xf32> to vector<16xf32>
          %mul3A_181 = arith.mulf %get3A_180, %div3A_91 : vector<16xf32>
          %add3A_182 = arith.constant 32 : i32
          %add3A_183 = arith.addi %scan3A_72, %add3A_182 : i32
          %get3A_184 = arith.index_cast %add3A_183 : i32 to index
          %get3A_185 = arith.constant 80 : index
          %get3A_186 = tpu.vector_load %arg10[%get3A_184, %get3A_185] {strides = array<i32>} : memref<128x128xf32, #tpu.memory_space<vmem>>, vector<1x16xf32>,
          %get3A_187 = vector.shape_cast %get3A_186 : vector<1x16xf32> to vector<16xf32>
          %select_n3A_188 = arith.select %gt3A_93, %mul3A_181, %get3A_187 : vector<16xi1>, vector<16xf32>
          %swap3A_189 = arith.index_cast %scan3A_72 : i32 to index
          %swap3A_190 = arith.constant 80 : index
          %swap3A_191 = tpu.vector_load %arg10[%swap3A_189, %swap3A_190] {strides = array<i32>} : memref<128x128xf32, #tpu.memory_space<vmem>>, vector<1x16xf32>,
          %swap3A_192 = vector.shape_cast %swap3A_191 : vector<1x16xf32> to vector<16xf32>
          %swap3A_193 = vector.shape_cast %select_n3A_188 : vector<16xf32> to vector<1x16xf32>
          tpu.vector_store %arg10[%swap3A_189, %swap3A_190], %swap3A_193 {strides = array<i32>} : memref<128x128xf32, #tpu.memory_space<vmem>>, vector<1x16xf32>,
          %get3A_194 = arith.index_cast %scan3A_72 : i32 to index
          %get3A_195 = arith.constant 96 : index
          %get3A_196 = tpu.vector_load %arg10[%get3A_194, %get3A_195] {strides = array<i32>} : memref<128x128xf32, #tpu.memory_space<vmem>>, vector<1x16xf32>,
          %get3A_197 = vector.shape_cast %get3A_196 : vector<1x16xf32> to vector<16xf32>
          %mul3A_198 = arith.mulf %get3A_197, %div3A_91 : vector<16xf32>
          %add3A_199 = arith.constant 32 : i32
          %add3A_200 = arith.addi %scan3A_72, %add3A_199 : i32
          %get3A_201 = arith.index_cast %add3A_200 : i32 to index
          %get3A_202 = arith.constant 96 : index
          %get3A_203 = tpu.vector_load %arg10[%get3A_201, %get3A_202] {strides = array<i32>} : memref<128x128xf32, #tpu.memory_space<vmem>>, vector<1x16xf32>,
          %get3A_204 = vector.shape_cast %get3A_203 : vector<1x16xf32> to vector<16xf32>
          %select_n3A_205 = arith.select %gt3A_93, %mul3A_198, %get3A_204 : vector<16xi1>, vector<16xf32>
          %swap3A_206 = arith.index_cast %scan3A_72 : i32 to index
          %swap3A_207 = arith.constant 96 : index
          %swap3A_208 = tpu.vector_load %arg10[%swap3A_206, %swap3A_207] {strides = array<i32>} : memref<128x128xf32, #tpu.memory_space<vmem>>, vector<1x16xf32>,
          %swap3A_209 = vector.shape_cast %swap3A_208 : vector<1x16xf32> to vector<16xf32>
          %swap3A_210 = vector.shape_cast %select_n3A_205 : vector<16xf32> to vector<1x16xf32>
          tpu.vector_store %arg10[%swap3A_206, %swap3A_207], %swap3A_210 {strides = array<i32>} : memref<128x128xf32, #tpu.memory_space<vmem>>, vector<1x16xf32>,
          %get3A_211 = arith.index_cast %scan3A_72 : i32 to index
          %get3A_212 = arith.constant 112 : index
          %get3A_213 = tpu.vector_load %arg10[%get3A_211, %get3A_212] {strides = array<i32>} : memref<128x128xf32, #tpu.memory_space<vmem>>, vector<1x16xf32>,
          %get3A_214 = vector.shape_cast %get3A_213 : vector<1x16xf32> to vector<16xf32>
          %mul3A_215 = arith.mulf %get3A_214, %div3A_91 : vector<16xf32>
          %add3A_216 = arith.constant 32 : i32
          %add3A_217 = arith.addi %scan3A_72, %add3A_216 : i32
          %get3A_218 = arith.index_cast %add3A_217 : i32 to index
          %get3A_219 = arith.constant 112 : index
          %get3A_220 = tpu.vector_load %arg10[%get3A_218, %get3A_219] {strides = array<i32>} : memref<128x128xf32, #tpu.memory_space<vmem>>, vector<1x16xf32>,
          %get3A_221 = vector.shape_cast %get3A_220 : vector<1x16xf32> to vector<16xf32>
          %select_n3A_222 = arith.select %gt3A_93, %mul3A_215, %get3A_221 : vector<16xi1>, vector<16xf32>
          %swap3A_223 = arith.index_cast %scan3A_72 : i32 to index
          %swap3A_224 = arith.constant 112 : index
          %swap3A_225 = tpu.vector_load %arg10[%swap3A_223, %swap3A_224] {strides = array<i32>} : memref<128x128xf32, #tpu.memory_space<vmem>>, vector<1x16xf32>,
          %swap3A_226 = vector.shape_cast %swap3A_225 : vector<1x16xf32> to vector<16xf32>
          %swap3A_227 = vector.shape_cast %select_n3A_222 : vector<16xf32> to vector<1x16xf32>
          tpu.vector_store %arg10[%swap3A_223, %swap3A_224], %swap3A_227 {strides = array<i32>} : memref<128x128xf32, #tpu.memory_space<vmem>>, vector<1x16xf32>,
          %scan3A_228 = arith.constant 0 : i32
          scf.yield %scan3A_228 : i32
        }
        %scan3A_71 = arith.constant 32 : i32
        "tpu.region"() ({
          %run_scoped3A = tpu.sem_alloc : memref<!tpu.dma_semaphore, #tpu.memory_space<semaphore_mem>>
          %dma_start3A = arith.constant 0 : i32
          %dma_start3A_72 = arith.constant 0 : i32
          %dma_start3A_73 = tpu.memref_slice %arg10[%dma_start3A, %dma_start3A_72] : memref<128x128xf32, #tpu.memory_space<vmem>> -> memref<32x128xf32, #tpu.memory_space<vmem>>
          %dma_start3A_74 = arith.constant 0 : i32
          %dma_start3A_75 = tpu.memref_slice %arg5[%multiple_of3A, %dma_start3A_74] : memref<10000x128xf32, #tpu.memory_space<hbm>> -> memref<32x128xf32, #tpu.memory_space<hbm>>
          %dma_start3A_76 = arith.constant 0 : i32
          %dma_start3A_77 = tpu.memref_slice %arg5[%multiple_of3A, %dma_start3A_76] : memref<10000x128xf32, #tpu.memory_space<hbm>> -> memref<32x128xf32, #tpu.memory_space<hbm>>
          %dma_start3A_78 = arith.constant 0 : i32
          %dma_start3A_79 = arith.constant 0 : i32
          %dma_start3A_80 = tpu.memref_slice %arg10[%dma_start3A_78, %dma_start3A_79] : memref<128x128xf32, #tpu.memory_space<vmem>> -> memref<32x128xf32, #tpu.memory_space<vmem>>
          tpu.enqueue_dma source(%dma_start3A_80 : memref<32x128xf32, #tpu.memory_space<vmem>>) target(%dma_start3A_77 : memref<32x128xf32, #tpu.memory_space<hbm>>) target_semaphore(%run_scoped3A : memref<!tpu.dma_semaphore, #tpu.memory_space<semaphore_mem>>)
          %dma_wait3A = arith.constant 0 : i32
          %dma_wait3A_81 = arith.constant 0 : i32
          %dma_wait3A_82 = tpu.memref_slice %arg10[%dma_wait3A, %dma_wait3A_81] : memref<128x128xf32, #tpu.memory_space<vmem>> -> memref<32x128xf32, #tpu.memory_space<vmem>>
          %dma_wait3A_83 = arith.constant 0 : i32
          %dma_wait3A_84 = tpu.memref_slice %arg5[%multiple_of3A, %dma_wait3A_83] : memref<10000x128xf32, #tpu.memory_space<hbm>> -> memref<32x128xf32, #tpu.memory_space<hbm>>
          %dma_wait3A_85 = arith.constant 0 : i32
          %dma_wait3A_86 = tpu.memref_slice %arg5[%multiple_of3A, %dma_wait3A_85] : memref<10000x128xf32, #tpu.memory_space<hbm>> -> memref<32x128xf32, #tpu.memory_space<hbm>>
          %dma_wait3A_87 = arith.constant 0 : i32
          %dma_wait3A_88 = arith.constant 0 : i32
          %dma_wait3A_89 = tpu.memref_slice %arg10[%dma_wait3A_87, %dma_wait3A_88] : memref<128x128xf32, #tpu.memory_space<vmem>> -> memref<32x128xf32, #tpu.memory_space<vmem>>
          tpu.wait_dma2 semaphore(%run_scoped3A : memref<!tpu.dma_semaphore, #tpu.memory_space<semaphore_mem>>) src(%dma_wait3A_89 : memref<32x128xf32, #tpu.memory_space<vmem>>) dst(%dma_wait3A_86 : memref<32x128xf32, #tpu.memory_space<hbm>>)
          tpu.yield
        }) : () -> ()
      } else {
      }
      %eq3A = arith.constant 312 : i32
      %eq3A_58 = arith.cmpi eq, %add3A, %eq3A : i32
      %convert_element_type3A_59 = arith.extui %eq3A_58 : i1 to i32
      %cond3A_60 = arith.constant 0 : i32
      %cond3A_61 = arith.cmpi ne, %convert_element_type3A_59, %cond3A_60 : i32
      scf.if %cond3A_61 {
        "tpu.region"() ({
          %run_scoped3A = tpu.sem_alloc : memref<!tpu.dma_semaphore, #tpu.memory_space<semaphore_mem>>
          %dma_start3A = arith.constant 0 : i32
          %dma_start3A_70 = arith.constant 0 : i32
          %dma_start3A_71 = tpu.memref_slice %arg10[%dma_start3A, %dma_start3A_70] : memref<128x128xf32, #tpu.memory_space<vmem>> -> memref<16x128xf32, #tpu.memory_space<vmem>>
          %dma_start3A_72 = arith.constant 9984 : i32
          %dma_start3A_73 = arith.constant 0 : i32
          %dma_start3A_74 = tpu.memref_slice %arg6[%dma_start3A_72, %dma_start3A_73] : memref<10000x128xf32, #tpu.memory_space<hbm>> -> memref<16x128xf32, #tpu.memory_space<hbm>>
          %dma_start3A_75 = arith.constant 0 : i32
          %dma_start3A_76 = arith.constant 0 : i32
          %dma_start3A_77 = tpu.memref_slice %arg10[%dma_start3A_75, %dma_start3A_76] : memref<128x128xf32, #tpu.memory_space<vmem>> -> memref<16x128xf32, #tpu.memory_space<vmem>>
          %dma_start3A_78 = arith.constant 9984 : i32
          %dma_start3A_79 = arith.constant 0 : i32
          %dma_start3A_80 = tpu.memref_slice %arg6[%dma_start3A_78, %dma_start3A_79] : memref<10000x128xf32, #tpu.memory_space<hbm>> -> memref<16x128xf32, #tpu.memory_space<hbm>>
          tpu.enqueue_dma source(%dma_start3A_80 : memref<16x128xf32, #tpu.memory_space<hbm>>) target(%dma_start3A_77 : memref<16x128xf32, #tpu.memory_space<vmem>>) target_semaphore(%run_scoped3A : memref<!tpu.dma_semaphore, #tpu.memory_space<semaphore_mem>>)
          %dma_wait3A = arith.constant 0 : i32
          %dma_wait3A_81 = arith.constant 0 : i32
          %dma_wait3A_82 = tpu.memref_slice %arg10[%dma_wait3A, %dma_wait3A_81] : memref<128x128xf32, #tpu.memory_space<vmem>> -> memref<16x128xf32, #tpu.memory_space<vmem>>
          %dma_wait3A_83 = arith.constant 9984 : i32
          %dma_wait3A_84 = arith.constant 0 : i32
          %dma_wait3A_85 = tpu.memref_slice %arg6[%dma_wait3A_83, %dma_wait3A_84] : memref<10000x128xf32, #tpu.memory_space<hbm>> -> memref<16x128xf32, #tpu.memory_space<hbm>>
          %dma_wait3A_86 = arith.constant 0 : i32
          %dma_wait3A_87 = arith.constant 0 : i32
          %dma_wait3A_88 = tpu.memref_slice %arg10[%dma_wait3A_86, %dma_wait3A_87] : memref<128x128xf32, #tpu.memory_space<vmem>> -> memref<16x128xf32, #tpu.memory_space<vmem>>
          %dma_wait3A_89 = arith.constant 9984 : i32
          %dma_wait3A_90 = arith.constant 0 : i32
          %dma_wait3A_91 = tpu.memref_slice %arg6[%dma_wait3A_89, %dma_wait3A_90] : memref<10000x128xf32, #tpu.memory_space<hbm>> -> memref<16x128xf32, #tpu.memory_space<hbm>>
          tpu.wait_dma2 semaphore(%run_scoped3A : memref<!tpu.dma_semaphore, #tpu.memory_space<semaphore_mem>>) src(%dma_wait3A_91 : memref<16x128xf32, #tpu.memory_space<hbm>>) dst(%dma_wait3A_88 : memref<16x128xf32, #tpu.memory_space<vmem>>)
          tpu.yield
        }) : () -> ()
        "tpu.region"() ({
          %run_scoped3A = tpu.sem_alloc : memref<!tpu.dma_semaphore, #tpu.memory_space<semaphore_mem>>
          %dma_start3A = arith.constant 32 : i32
          %dma_start3A_70 = arith.constant 0 : i32
          %dma_start3A_71 = tpu.memref_slice %arg10[%dma_start3A, %dma_start3A_70] : memref<128x128xf32, #tpu.memory_space<vmem>> -> memref<16x128xf32, #tpu.memory_space<vmem>>
          %dma_start3A_72 = arith.constant 9984 : i32
          %dma_start3A_73 = arith.constant 0 : i32
          %dma_start3A_74 = tpu.memref_slice %arg4[%dma_start3A_72, %dma_start3A_73] : memref<10000x128xf32, #tpu.memory_space<hbm>> -> memref<16x128xf32, #tpu.memory_space<hbm>>
          %dma_start3A_75 = arith.constant 32 : i32
          %dma_start3A_76 = arith.constant 0 : i32
          %dma_start3A_77 = tpu.memref_slice %arg10[%dma_start3A_75, %dma_start3A_76] : memref<128x128xf32, #tpu.memory_space<vmem>> -> memref<16x128xf32, #tpu.memory_space<vmem>>
          %dma_start3A_78 = arith.constant 9984 : i32
          %dma_start3A_79 = arith.constant 0 : i32
          %dma_start3A_80 = tpu.memref_slice %arg4[%dma_start3A_78, %dma_start3A_79] : memref<10000x128xf32, #tpu.memory_space<hbm>> -> memref<16x128xf32, #tpu.memory_space<hbm>>
          tpu.enqueue_dma source(%dma_start3A_80 : memref<16x128xf32, #tpu.memory_space<hbm>>) target(%dma_start3A_77 : memref<16x128xf32, #tpu.memory_space<vmem>>) target_semaphore(%run_scoped3A : memref<!tpu.dma_semaphore, #tpu.memory_space<semaphore_mem>>)
          %dma_wait3A = arith.constant 32 : i32
          %dma_wait3A_81 = arith.constant 0 : i32
          %dma_wait3A_82 = tpu.memref_slice %arg10[%dma_wait3A, %dma_wait3A_81] : memref<128x128xf32, #tpu.memory_space<vmem>> -> memref<16x128xf32, #tpu.memory_space<vmem>>
          %dma_wait3A_83 = arith.constant 9984 : i32
          %dma_wait3A_84 = arith.constant 0 : i32
          %dma_wait3A_85 = tpu.memref_slice %arg4[%dma_wait3A_83, %dma_wait3A_84] : memref<10000x128xf32, #tpu.memory_space<hbm>> -> memref<16x128xf32, #tpu.memory_space<hbm>>
          %dma_wait3A_86 = arith.constant 32 : i32
          %dma_wait3A_87 = arith.constant 0 : i32
          %dma_wait3A_88 = tpu.memref_slice %arg10[%dma_wait3A_86, %dma_wait3A_87] : memref<128x128xf32, #tpu.memory_space<vmem>> -> memref<16x128xf32, #tpu.memory_space<vmem>>
          %dma_wait3A_89 = arith.constant 9984 : i32
          %dma_wait3A_90 = arith.constant 0 : i32
          %dma_wait3A_91 = tpu.memref_slice %arg4[%dma_wait3A_89, %dma_wait3A_90] : memref<10000x128xf32, #tpu.memory_space<hbm>> -> memref<16x128xf32, #tpu.memory_space<hbm>>
          tpu.wait_dma2 semaphore(%run_scoped3A : memref<!tpu.dma_semaphore, #tpu.memory_space<semaphore_mem>>) src(%dma_wait3A_91 : memref<16x128xf32, #tpu.memory_space<hbm>>) dst(%dma_wait3A_88 : memref<16x128xf32, #tpu.memory_space<vmem>>)
          tpu.yield
        }) : () -> ()
        "tpu.region"() ({
          %run_scoped3A = tpu.sem_alloc : memref<!tpu.dma_semaphore, #tpu.memory_space<semaphore_mem>>
          %dma_start3A = arith.constant 64 : i32
          %dma_start3A_70 = arith.constant 0 : i32
          %dma_start3A_71 = tpu.memref_slice %arg10[%dma_start3A, %dma_start3A_70] : memref<128x128xf32, #tpu.memory_space<vmem>> -> memref<16x128xf32, #tpu.memory_space<vmem>>
          %dma_start3A_72 = arith.constant 9984 : i32
          %dma_start3A_73 = arith.constant 0 : i32
          %dma_start3A_74 = tpu.memref_slice %arg7[%dma_start3A_72, %dma_start3A_73] : memref<10000x128xf32, #tpu.memory_space<vmem_shared>> -> memref<16x128xf32, #tpu.memory_space<vmem_shared>>
          %dma_start3A_75 = arith.constant 64 : i32
          %dma_start3A_76 = arith.constant 0 : i32
          %dma_start3A_77 = tpu.memref_slice %arg10[%dma_start3A_75, %dma_start3A_76] : memref<128x128xf32, #tpu.memory_space<vmem>> -> memref<16x128xf32, #tpu.memory_space<vmem>>
          %dma_start3A_78 = arith.constant 9984 : i32
          %dma_start3A_79 = arith.constant 0 : i32
          %dma_start3A_80 = tpu.memref_slice %arg7[%dma_start3A_78, %dma_start3A_79] : memref<10000x128xf32, #tpu.memory_space<vmem_shared>> -> memref<16x128xf32, #tpu.memory_space<vmem_shared>>
          tpu.enqueue_dma source(%dma_start3A_80 : memref<16x128xf32, #tpu.memory_space<vmem_shared>>) target(%dma_start3A_77 : memref<16x128xf32, #tpu.memory_space<vmem>>) target_semaphore(%run_scoped3A : memref<!tpu.dma_semaphore, #tpu.memory_space<semaphore_mem>>)
          %dma_wait3A = arith.constant 64 : i32
          %dma_wait3A_81 = arith.constant 0 : i32
          %dma_wait3A_82 = tpu.memref_slice %arg10[%dma_wait3A, %dma_wait3A_81] : memref<128x128xf32, #tpu.memory_space<vmem>> -> memref<16x128xf32, #tpu.memory_space<vmem>>
          %dma_wait3A_83 = arith.constant 9984 : i32
          %dma_wait3A_84 = arith.constant 0 : i32
          %dma_wait3A_85 = tpu.memref_slice %arg7[%dma_wait3A_83, %dma_wait3A_84] : memref<10000x128xf32, #tpu.memory_space<vmem_shared>> -> memref<16x128xf32, #tpu.memory_space<vmem_shared>>
          %dma_wait3A_86 = arith.constant 64 : i32
          %dma_wait3A_87 = arith.constant 0 : i32
          %dma_wait3A_88 = tpu.memref_slice %arg10[%dma_wait3A_86, %dma_wait3A_87] : memref<128x128xf32, #tpu.memory_space<vmem>> -> memref<16x128xf32, #tpu.memory_space<vmem>>
          %dma_wait3A_89 = arith.constant 9984 : i32
          %dma_wait3A_90 = arith.constant 0 : i32
          %dma_wait3A_91 = tpu.memref_slice %arg7[%dma_wait3A_89, %dma_wait3A_90] : memref<10000x128xf32, #tpu.memory_space<vmem_shared>> -> memref<16x128xf32, #tpu.memory_space<vmem_shared>>
          tpu.wait_dma2 semaphore(%run_scoped3A : memref<!tpu.dma_semaphore, #tpu.memory_space<semaphore_mem>>) src(%dma_wait3A_91 : memref<16x128xf32, #tpu.memory_space<vmem_shared>>) dst(%dma_wait3A_88 : memref<16x128xf32, #tpu.memory_space<vmem>>)
          tpu.yield
        }) : () -> ()
        %scan3A_63 = arith.constant 0 : i32
        %scan3A_64 = arith.constant 0 : i32
        %scan3A_65 = arith.constant 16 : i32
        %scan3A_66 = arith.addi %scan3A_64, %scan3A_65 : i32
        %scan3A_67 = arith.constant 1 : i32
        %scan3A_68 = scf.for %scan3A_70 = %scan3A_64 to %scan3A_66 step %scan3A_67 iter_args(%scan3A_71 = %scan3A_63) -> (i32)  : i32 {
          %add3A_72 = arith.constant 64 : i32
          %add3A_73 = arith.addi %scan3A_70, %add3A_72 : i32
          %get3A = arith.index_cast %add3A_73 : i32 to index
          %get3A_74 = arith.constant 0 : index
          %get3A_75 = tpu.vector_load %arg10[%get3A, %get3A_74] {strides = array<i32>} : memref<128x128xf32, #tpu.memory_space<vmem>>, vector<1x16xf32>,
          %get3A_76 = vector.shape_cast %get3A_75 : vector<1x16xf32> to vector<16xf32>
          %get3A_77 = arith.index_cast %scan3A_70 : i32 to index
          %get3A_78 = arith.constant 0 : index
          %get3A_79 = tpu.vector_load %arg10[%get3A_77, %get3A_78] {strides = array<i32>} : memref<128x128xf32, #tpu.memory_space<vmem>>, vector<1x16xf32>,
          %get3A_80 = vector.shape_cast %get3A_79 : vector<1x16xf32> to vector<16xf32>
          %sub3A = arith.subf %get3A_76, %get3A_80 : vector<16xf32>
          %add3A_81 = arith.constant 5.000000e-01 : f32
          %add3A_82 = vector.broadcast %add3A_81 : f32 to vector<16xf32>
          %add3A_83 = arith.addf %sub3A, %add3A_82 : vector<16xf32>
          %convert_element_type3A_84 = arith.fptosi %add3A_83 : vector<16xf32> to vector<16xi32>
          %convert_element_type3A_85 = arith.sitofp %convert_element_type3A_84 : vector<16xi32> to vector<16xf32>
          %max3A = arith.constant 1.000000e+00 : f32
          %max3A_86 = vector.broadcast %max3A : f32 to vector<16xf32>
          %max3A_87 = arith.maximumf %convert_element_type3A_85, %max3A_86 : vector<16xf32>
          %div3A = arith.constant 1.000000e+00 : f32
          %div3A_88 = vector.broadcast %div3A : f32 to vector<16xf32>
          %div3A_89 = arith.divf %div3A_88, %max3A_87 : vector<16xf32>
          %gt3A = arith.constant 0.000000e+00 : f32
          %gt3A_90 = vector.broadcast %gt3A : f32 to vector<16xf32>
          %gt3A_91 = arith.cmpf ogt, %convert_element_type3A_85, %gt3A_90 : vector<16xf32>
          %get3A_92 = arith.index_cast %scan3A_70 : i32 to index
          %get3A_93 = arith.constant 0 : index
          %get3A_94 = tpu.vector_load %arg10[%get3A_92, %get3A_93] {strides = array<i32>} : memref<128x128xf32, #tpu.memory_space<vmem>>, vector<1x16xf32>,
          %get3A_95 = vector.shape_cast %get3A_94 : vector<1x16xf32> to vector<16xf32>
          %mul3A_96 = arith.mulf %get3A_95, %div3A_89 : vector<16xf32>
          %add3A_97 = arith.constant 32 : i32
          %add3A_98 = arith.addi %scan3A_70, %add3A_97 : i32
          %get3A_99 = arith.index_cast %add3A_98 : i32 to index
          %get3A_100 = arith.constant 0 : index
          %get3A_101 = tpu.vector_load %arg10[%get3A_99, %get3A_100] {strides = array<i32>} : memref<128x128xf32, #tpu.memory_space<vmem>>, vector<1x16xf32>,
          %get3A_102 = vector.shape_cast %get3A_101 : vector<1x16xf32> to vector<16xf32>
          %select_n3A = arith.select %gt3A_91, %mul3A_96, %get3A_102 : vector<16xi1>, vector<16xf32>
          %swap3A = arith.index_cast %scan3A_70 : i32 to index
          %swap3A_103 = arith.constant 0 : index
          %swap3A_104 = tpu.vector_load %arg10[%swap3A, %swap3A_103] {strides = array<i32>} : memref<128x128xf32, #tpu.memory_space<vmem>>, vector<1x16xf32>,
          %swap3A_105 = vector.shape_cast %swap3A_104 : vector<1x16xf32> to vector<16xf32>
          %swap3A_106 = vector.shape_cast %select_n3A : vector<16xf32> to vector<1x16xf32>
          tpu.vector_store %arg10[%swap3A, %swap3A_103], %swap3A_106 {strides = array<i32>} : memref<128x128xf32, #tpu.memory_space<vmem>>, vector<1x16xf32>,
          %get3A_107 = arith.index_cast %scan3A_70 : i32 to index
          %get3A_108 = arith.constant 16 : index
          %get3A_109 = tpu.vector_load %arg10[%get3A_107, %get3A_108] {strides = array<i32>} : memref<128x128xf32, #tpu.memory_space<vmem>>, vector<1x16xf32>,
          %get3A_110 = vector.shape_cast %get3A_109 : vector<1x16xf32> to vector<16xf32>
          %mul3A_111 = arith.mulf %get3A_110, %div3A_89 : vector<16xf32>
          %add3A_112 = arith.constant 32 : i32
          %add3A_113 = arith.addi %scan3A_70, %add3A_112 : i32
          %get3A_114 = arith.index_cast %add3A_113 : i32 to index
          %get3A_115 = arith.constant 16 : index
          %get3A_116 = tpu.vector_load %arg10[%get3A_114, %get3A_115] {strides = array<i32>} : memref<128x128xf32, #tpu.memory_space<vmem>>, vector<1x16xf32>,
          %get3A_117 = vector.shape_cast %get3A_116 : vector<1x16xf32> to vector<16xf32>
          %select_n3A_118 = arith.select %gt3A_91, %mul3A_111, %get3A_117 : vector<16xi1>, vector<16xf32>
          %swap3A_119 = arith.index_cast %scan3A_70 : i32 to index
          %swap3A_120 = arith.constant 16 : index
          %swap3A_121 = tpu.vector_load %arg10[%swap3A_119, %swap3A_120] {strides = array<i32>} : memref<128x128xf32, #tpu.memory_space<vmem>>, vector<1x16xf32>,
          %swap3A_122 = vector.shape_cast %swap3A_121 : vector<1x16xf32> to vector<16xf32>
          %swap3A_123 = vector.shape_cast %select_n3A_118 : vector<16xf32> to vector<1x16xf32>
          tpu.vector_store %arg10[%swap3A_119, %swap3A_120], %swap3A_123 {strides = array<i32>} : memref<128x128xf32, #tpu.memory_space<vmem>>, vector<1x16xf32>,
          %get3A_124 = arith.index_cast %scan3A_70 : i32 to index
          %get3A_125 = arith.constant 32 : index
          %get3A_126 = tpu.vector_load %arg10[%get3A_124, %get3A_125] {strides = array<i32>} : memref<128x128xf32, #tpu.memory_space<vmem>>, vector<1x16xf32>,
          %get3A_127 = vector.shape_cast %get3A_126 : vector<1x16xf32> to vector<16xf32>
          %mul3A_128 = arith.mulf %get3A_127, %div3A_89 : vector<16xf32>
          %add3A_129 = arith.constant 32 : i32
          %add3A_130 = arith.addi %scan3A_70, %add3A_129 : i32
          %get3A_131 = arith.index_cast %add3A_130 : i32 to index
          %get3A_132 = arith.constant 32 : index
          %get3A_133 = tpu.vector_load %arg10[%get3A_131, %get3A_132] {strides = array<i32>} : memref<128x128xf32, #tpu.memory_space<vmem>>, vector<1x16xf32>,
          %get3A_134 = vector.shape_cast %get3A_133 : vector<1x16xf32> to vector<16xf32>
          %select_n3A_135 = arith.select %gt3A_91, %mul3A_128, %get3A_134 : vector<16xi1>, vector<16xf32>
          %swap3A_136 = arith.index_cast %scan3A_70 : i32 to index
          %swap3A_137 = arith.constant 32 : index
          %swap3A_138 = tpu.vector_load %arg10[%swap3A_136, %swap3A_137] {strides = array<i32>} : memref<128x128xf32, #tpu.memory_space<vmem>>, vector<1x16xf32>,
          %swap3A_139 = vector.shape_cast %swap3A_138 : vector<1x16xf32> to vector<16xf32>
          %swap3A_140 = vector.shape_cast %select_n3A_135 : vector<16xf32> to vector<1x16xf32>
          tpu.vector_store %arg10[%swap3A_136, %swap3A_137], %swap3A_140 {strides = array<i32>} : memref<128x128xf32, #tpu.memory_space<vmem>>, vector<1x16xf32>,
          %get3A_141 = arith.index_cast %scan3A_70 : i32 to index
          %get3A_142 = arith.constant 48 : index
          %get3A_143 = tpu.vector_load %arg10[%get3A_141, %get3A_142] {strides = array<i32>} : memref<128x128xf32, #tpu.memory_space<vmem>>, vector<1x16xf32>,
          %get3A_144 = vector.shape_cast %get3A_143 : vector<1x16xf32> to vector<16xf32>
          %mul3A_145 = arith.mulf %get3A_144, %div3A_89 : vector<16xf32>
          %add3A_146 = arith.constant 32 : i32
          %add3A_147 = arith.addi %scan3A_70, %add3A_146 : i32
          %get3A_148 = arith.index_cast %add3A_147 : i32 to index
          %get3A_149 = arith.constant 48 : index
          %get3A_150 = tpu.vector_load %arg10[%get3A_148, %get3A_149] {strides = array<i32>} : memref<128x128xf32, #tpu.memory_space<vmem>>, vector<1x16xf32>,
          %get3A_151 = vector.shape_cast %get3A_150 : vector<1x16xf32> to vector<16xf32>
          %select_n3A_152 = arith.select %gt3A_91, %mul3A_145, %get3A_151 : vector<16xi1>, vector<16xf32>
          %swap3A_153 = arith.index_cast %scan3A_70 : i32 to index
          %swap3A_154 = arith.constant 48 : index
          %swap3A_155 = tpu.vector_load %arg10[%swap3A_153, %swap3A_154] {strides = array<i32>} : memref<128x128xf32, #tpu.memory_space<vmem>>, vector<1x16xf32>,
          %swap3A_156 = vector.shape_cast %swap3A_155 : vector<1x16xf32> to vector<16xf32>
          %swap3A_157 = vector.shape_cast %select_n3A_152 : vector<16xf32> to vector<1x16xf32>
          tpu.vector_store %arg10[%swap3A_153, %swap3A_154], %swap3A_157 {strides = array<i32>} : memref<128x128xf32, #tpu.memory_space<vmem>>, vector<1x16xf32>,
          %get3A_158 = arith.index_cast %scan3A_70 : i32 to index
          %get3A_159 = arith.constant 64 : index
          %get3A_160 = tpu.vector_load %arg10[%get3A_158, %get3A_159] {strides = array<i32>} : memref<128x128xf32, #tpu.memory_space<vmem>>, vector<1x16xf32>,
          %get3A_161 = vector.shape_cast %get3A_160 : vector<1x16xf32> to vector<16xf32>
          %mul3A_162 = arith.mulf %get3A_161, %div3A_89 : vector<16xf32>
          %add3A_163 = arith.constant 32 : i32
          %add3A_164 = arith.addi %scan3A_70, %add3A_163 : i32
          %get3A_165 = arith.index_cast %add3A_164 : i32 to index
          %get3A_166 = arith.constant 64 : index
          %get3A_167 = tpu.vector_load %arg10[%get3A_165, %get3A_166] {strides = array<i32>} : memref<128x128xf32, #tpu.memory_space<vmem>>, vector<1x16xf32>,
          %get3A_168 = vector.shape_cast %get3A_167 : vector<1x16xf32> to vector<16xf32>
          %select_n3A_169 = arith.select %gt3A_91, %mul3A_162, %get3A_168 : vector<16xi1>, vector<16xf32>
          %swap3A_170 = arith.index_cast %scan3A_70 : i32 to index
          %swap3A_171 = arith.constant 64 : index
          %swap3A_172 = tpu.vector_load %arg10[%swap3A_170, %swap3A_171] {strides = array<i32>} : memref<128x128xf32, #tpu.memory_space<vmem>>, vector<1x16xf32>,
          %swap3A_173 = vector.shape_cast %swap3A_172 : vector<1x16xf32> to vector<16xf32>
          %swap3A_174 = vector.shape_cast %select_n3A_169 : vector<16xf32> to vector<1x16xf32>
          tpu.vector_store %arg10[%swap3A_170, %swap3A_171], %swap3A_174 {strides = array<i32>} : memref<128x128xf32, #tpu.memory_space<vmem>>, vector<1x16xf32>,
          %get3A_175 = arith.index_cast %scan3A_70 : i32 to index
          %get3A_176 = arith.constant 80 : index
          %get3A_177 = tpu.vector_load %arg10[%get3A_175, %get3A_176] {strides = array<i32>} : memref<128x128xf32, #tpu.memory_space<vmem>>, vector<1x16xf32>,
          %get3A_178 = vector.shape_cast %get3A_177 : vector<1x16xf32> to vector<16xf32>
          %mul3A_179 = arith.mulf %get3A_178, %div3A_89 : vector<16xf32>
          %add3A_180 = arith.constant 32 : i32
          %add3A_181 = arith.addi %scan3A_70, %add3A_180 : i32
          %get3A_182 = arith.index_cast %add3A_181 : i32 to index
          %get3A_183 = arith.constant 80 : index
          %get3A_184 = tpu.vector_load %arg10[%get3A_182, %get3A_183] {strides = array<i32>} : memref<128x128xf32, #tpu.memory_space<vmem>>, vector<1x16xf32>,
          %get3A_185 = vector.shape_cast %get3A_184 : vector<1x16xf32> to vector<16xf32>
          %select_n3A_186 = arith.select %gt3A_91, %mul3A_179, %get3A_185 : vector<16xi1>, vector<16xf32>
          %swap3A_187 = arith.index_cast %scan3A_70 : i32 to index
          %swap3A_188 = arith.constant 80 : index
          %swap3A_189 = tpu.vector_load %arg10[%swap3A_187, %swap3A_188] {strides = array<i32>} : memref<128x128xf32, #tpu.memory_space<vmem>>, vector<1x16xf32>,
          %swap3A_190 = vector.shape_cast %swap3A_189 : vector<1x16xf32> to vector<16xf32>
          %swap3A_191 = vector.shape_cast %select_n3A_186 : vector<16xf32> to vector<1x16xf32>
          tpu.vector_store %arg10[%swap3A_187, %swap3A_188], %swap3A_191 {strides = array<i32>} : memref<128x128xf32, #tpu.memory_space<vmem>>, vector<1x16xf32>,
          %get3A_192 = arith.index_cast %scan3A_70 : i32 to index
          %get3A_193 = arith.constant 96 : index
          %get3A_194 = tpu.vector_load %arg10[%get3A_192, %get3A_193] {strides = array<i32>} : memref<128x128xf32, #tpu.memory_space<vmem>>, vector<1x16xf32>,
          %get3A_195 = vector.shape_cast %get3A_194 : vector<1x16xf32> to vector<16xf32>
          %mul3A_196 = arith.mulf %get3A_195, %div3A_89 : vector<16xf32>
          %add3A_197 = arith.constant 32 : i32
          %add3A_198 = arith.addi %scan3A_70, %add3A_197 : i32
          %get3A_199 = arith.index_cast %add3A_198 : i32 to index
          %get3A_200 = arith.constant 96 : index
          %get3A_201 = tpu.vector_load %arg10[%get3A_199, %get3A_200] {strides = array<i32>} : memref<128x128xf32, #tpu.memory_space<vmem>>, vector<1x16xf32>,
          %get3A_202 = vector.shape_cast %get3A_201 : vector<1x16xf32> to vector<16xf32>
          %select_n3A_203 = arith.select %gt3A_91, %mul3A_196, %get3A_202 : vector<16xi1>, vector<16xf32>
          %swap3A_204 = arith.index_cast %scan3A_70 : i32 to index
          %swap3A_205 = arith.constant 96 : index
          %swap3A_206 = tpu.vector_load %arg10[%swap3A_204, %swap3A_205] {strides = array<i32>} : memref<128x128xf32, #tpu.memory_space<vmem>>, vector<1x16xf32>,
          %swap3A_207 = vector.shape_cast %swap3A_206 : vector<1x16xf32> to vector<16xf32>
          %swap3A_208 = vector.shape_cast %select_n3A_203 : vector<16xf32> to vector<1x16xf32>
          tpu.vector_store %arg10[%swap3A_204, %swap3A_205], %swap3A_208 {strides = array<i32>} : memref<128x128xf32, #tpu.memory_space<vmem>>, vector<1x16xf32>,
          %get3A_209 = arith.index_cast %scan3A_70 : i32 to index
          %get3A_210 = arith.constant 112 : index
          %get3A_211 = tpu.vector_load %arg10[%get3A_209, %get3A_210] {strides = array<i32>} : memref<128x128xf32, #tpu.memory_space<vmem>>, vector<1x16xf32>,
          %get3A_212 = vector.shape_cast %get3A_211 : vector<1x16xf32> to vector<16xf32>
          %mul3A_213 = arith.mulf %get3A_212, %div3A_89 : vector<16xf32>
          %add3A_214 = arith.constant 32 : i32
          %add3A_215 = arith.addi %scan3A_70, %add3A_214 : i32
          %get3A_216 = arith.index_cast %add3A_215 : i32 to index
          %get3A_217 = arith.constant 112 : index
          %get3A_218 = tpu.vector_load %arg10[%get3A_216, %get3A_217] {strides = array<i32>} : memref<128x128xf32, #tpu.memory_space<vmem>>, vector<1x16xf32>,
          %get3A_219 = vector.shape_cast %get3A_218 : vector<1x16xf32> to vector<16xf32>
          %select_n3A_220 = arith.select %gt3A_91, %mul3A_213, %get3A_219 : vector<16xi1>, vector<16xf32>
          %swap3A_221 = arith.index_cast %scan3A_70 : i32 to index
          %swap3A_222 = arith.constant 112 : index
          %swap3A_223 = tpu.vector_load %arg10[%swap3A_221, %swap3A_222] {strides = array<i32>} : memref<128x128xf32, #tpu.memory_space<vmem>>, vector<1x16xf32>,
          %swap3A_224 = vector.shape_cast %swap3A_223 : vector<1x16xf32> to vector<16xf32>
          %swap3A_225 = vector.shape_cast %select_n3A_220 : vector<16xf32> to vector<1x16xf32>
          tpu.vector_store %arg10[%swap3A_221, %swap3A_222], %swap3A_225 {strides = array<i32>} : memref<128x128xf32, #tpu.memory_space<vmem>>, vector<1x16xf32>,
          %scan3A_226 = arith.constant 0 : i32
          scf.yield %scan3A_226 : i32
        }
        %scan3A_69 = arith.constant 16 : i32
        "tpu.region"() ({
          %run_scoped3A = tpu.sem_alloc : memref<!tpu.dma_semaphore, #tpu.memory_space<semaphore_mem>>
          %dma_start3A = arith.constant 0 : i32
          %dma_start3A_70 = arith.constant 0 : i32
          %dma_start3A_71 = tpu.memref_slice %arg10[%dma_start3A, %dma_start3A_70] : memref<128x128xf32, #tpu.memory_space<vmem>> -> memref<16x128xf32, #tpu.memory_space<vmem>>
          %dma_start3A_72 = arith.constant 9984 : i32
          %dma_start3A_73 = arith.constant 0 : i32
          %dma_start3A_74 = tpu.memref_slice %arg5[%dma_start3A_72, %dma_start3A_73] : memref<10000x128xf32, #tpu.memory_space<hbm>> -> memref<16x128xf32, #tpu.memory_space<hbm>>
          %dma_start3A_75 = arith.constant 9984 : i32
          %dma_start3A_76 = arith.constant 0 : i32
          %dma_start3A_77 = tpu.memref_slice %arg5[%dma_start3A_75, %dma_start3A_76] : memref<10000x128xf32, #tpu.memory_space<hbm>> -> memref<16x128xf32, #tpu.memory_space<hbm>>
          %dma_start3A_78 = arith.constant 0 : i32
          %dma_start3A_79 = arith.constant 0 : i32
          %dma_start3A_80 = tpu.memref_slice %arg10[%dma_start3A_78, %dma_start3A_79] : memref<128x128xf32, #tpu.memory_space<vmem>> -> memref<16x128xf32, #tpu.memory_space<vmem>>
          tpu.enqueue_dma source(%dma_start3A_80 : memref<16x128xf32, #tpu.memory_space<vmem>>) target(%dma_start3A_77 : memref<16x128xf32, #tpu.memory_space<hbm>>) target_semaphore(%run_scoped3A : memref<!tpu.dma_semaphore, #tpu.memory_space<semaphore_mem>>)
          %dma_wait3A = arith.constant 0 : i32
          %dma_wait3A_81 = arith.constant 0 : i32
          %dma_wait3A_82 = tpu.memref_slice %arg10[%dma_wait3A, %dma_wait3A_81] : memref<128x128xf32, #tpu.memory_space<vmem>> -> memref<16x128xf32, #tpu.memory_space<vmem>>
          %dma_wait3A_83 = arith.constant 9984 : i32
          %dma_wait3A_84 = arith.constant 0 : i32
          %dma_wait3A_85 = tpu.memref_slice %arg5[%dma_wait3A_83, %dma_wait3A_84] : memref<10000x128xf32, #tpu.memory_space<hbm>> -> memref<16x128xf32, #tpu.memory_space<hbm>>
          %dma_wait3A_86 = arith.constant 9984 : i32
          %dma_wait3A_87 = arith.constant 0 : i32
          %dma_wait3A_88 = tpu.memref_slice %arg5[%dma_wait3A_86, %dma_wait3A_87] : memref<10000x128xf32, #tpu.memory_space<hbm>> -> memref<16x128xf32, #tpu.memory_space<hbm>>
          %dma_wait3A_89 = arith.constant 0 : i32
          %dma_wait3A_90 = arith.constant 0 : i32
          %dma_wait3A_91 = tpu.memref_slice %arg10[%dma_wait3A_89, %dma_wait3A_90] : memref<128x128xf32, #tpu.memory_space<vmem>> -> memref<16x128xf32, #tpu.memory_space<vmem>>
          tpu.wait_dma2 semaphore(%run_scoped3A : memref<!tpu.dma_semaphore, #tpu.memory_space<semaphore_mem>>) src(%dma_wait3A_91 : memref<16x128xf32, #tpu.memory_space<vmem>>) dst(%dma_wait3A_88 : memref<16x128xf32, #tpu.memory_space<hbm>>)
          tpu.yield
        }) : () -> ()
      } else {
      }
      %scan3A_62 = arith.constant 0 : i32
      scf.yield %scan3A_62 : i32
    }
    %scan3A_51 = arith.constant 20 : i32
    return
  }
}

#map = affine_map<(d0, d1) -> (0, 0)>
#map1 = affine_map<(d0, d1) -> (0)>
module attributes {stable_mosaic.version = 14 : i64} {
  func.func @_sc_gather(%arg0: i32, %arg1: i32, %arg2: memref<10000x128xf32, #tpu.memory_space<hbm>>, %arg3: memref<16384xi32, #tpu.memory_space<hbm>>, %arg4: memref<16384xi32, #tpu.memory_space<hbm>>, %arg5: memref<16384x128xf32, #tpu.memory_space<hbm>>, %arg6: memref<16384x128xf32, #tpu.memory_space<hbm>>, %arg7: memref<64xi32, #tpu.memory_space<vmem>>, %arg8: memref<64xi32, #tpu.memory_space<vmem>>, %arg9: memref<64x128xf32, #tpu.memory_space<vmem>>, %arg10: memref<64x128xf32, #tpu.memory_space<vmem>>, %arg11: memref<!tpu.dma_semaphore, #tpu.memory_space<semaphore_mem>>, %arg12: memref<!tpu.dma_semaphore, #tpu.memory_space<semaphore_mem>>, %arg13: memref<!tpu.dma_semaphore, #tpu.memory_space<semaphore_mem>>, %arg14: memref<!tpu.dma_semaphore, #tpu.memory_space<semaphore_mem>>) attributes {dimension_semantics = [#tpu.dimension_semantics<core_parallel>, #tpu.dimension_semantics<subcore_parallel>], iteration_bounds = array<i64: 2, 16>, scalar_prefetch = 0 : i64, scratch_operands = 8 : i64, tpu.core_type = #tpu.core_type<sc_vector_subcore>, window_params = [{transform_indices = #map}, {transform_indices = #map1}, {transform_indices = #map1}, {transform_indices = #map}, {transform_indices = #map}]} {
    %mul3A = arith.constant 2 : i32
    %mul3A_0 = arith.muli %arg1, %mul3A : i32
    %add3A = arith.addi %mul3A_0, %arg0 : i32
    %mul3A_1 = arith.constant 512 : i32
    %mul3A_2 = arith.muli %add3A, %mul3A_1 : i32
    %scan3A = arith.constant 0 : i32
    %scan3A_3 = arith.constant 0 : i32
    %scan3A_4 = arith.constant 8 : i32
    %scan3A_5 = arith.addi %scan3A_3, %scan3A_4 : i32
    %scan3A_6 = arith.constant 1 : i32
    %scan3A_7 = scf.for %scan3A_9 = %scan3A_3 to %scan3A_5 step %scan3A_6 iter_args(%scan3A_10 = %scan3A) -> (i32)  : i32 {
      %mul3A_11 = arith.constant 64 : i32
      %mul3A_12 = arith.muli %scan3A_9, %mul3A_11 : i32
      %add3A_13 = arith.addi %mul3A_2, %mul3A_12 : i32
      %multiple_of3A = tpu.assume_multiple %add3A_13, 64 : i32
      "tpu.region"() ({
        %run_scoped3A = tpu.sem_alloc : memref<!tpu.dma_semaphore, #tpu.memory_space<semaphore_mem>>
        %dma_start3A_41 = tpu.memref_slice %arg3[%multiple_of3A] : memref<16384xi32, #tpu.memory_space<hbm>> -> memref<64xi32, #tpu.memory_space<hbm>>
        %dma_start3A_42 = tpu.memref_slice %arg3[%multiple_of3A] : memref<16384xi32, #tpu.memory_space<hbm>> -> memref<64xi32, #tpu.memory_space<hbm>>
        tpu.enqueue_dma source(%dma_start3A_42 : memref<64xi32, #tpu.memory_space<hbm>>) target(%arg7 : memref<64xi32, #tpu.memory_space<vmem>>) target_semaphore(%run_scoped3A : memref<!tpu.dma_semaphore, #tpu.memory_space<semaphore_mem>>)
        %dma_wait3A_43 = tpu.memref_slice %arg3[%multiple_of3A] : memref<16384xi32, #tpu.memory_space<hbm>> -> memref<64xi32, #tpu.memory_space<hbm>>
        %dma_wait3A_44 = tpu.memref_slice %arg3[%multiple_of3A] : memref<16384xi32, #tpu.memory_space<hbm>> -> memref<64xi32, #tpu.memory_space<hbm>>
        tpu.wait_dma2 semaphore(%run_scoped3A : memref<!tpu.dma_semaphore, #tpu.memory_space<semaphore_mem>>) src(%dma_wait3A_44 : memref<64xi32, #tpu.memory_space<hbm>>) dst(%arg7 : memref<64xi32, #tpu.memory_space<vmem>>)
        tpu.yield
      }) : () -> ()
      "tpu.region"() ({
        %run_scoped3A = tpu.sem_alloc : memref<!tpu.dma_semaphore, #tpu.memory_space<semaphore_mem>>
        %dma_start3A_41 = tpu.memref_slice %arg4[%multiple_of3A] : memref<16384xi32, #tpu.memory_space<hbm>> -> memref<64xi32, #tpu.memory_space<hbm>>
        %dma_start3A_42 = tpu.memref_slice %arg4[%multiple_of3A] : memref<16384xi32, #tpu.memory_space<hbm>> -> memref<64xi32, #tpu.memory_space<hbm>>
        tpu.enqueue_dma source(%dma_start3A_42 : memref<64xi32, #tpu.memory_space<hbm>>) target(%arg8 : memref<64xi32, #tpu.memory_space<vmem>>) target_semaphore(%run_scoped3A : memref<!tpu.dma_semaphore, #tpu.memory_space<semaphore_mem>>)
        %dma_wait3A_43 = tpu.memref_slice %arg4[%multiple_of3A] : memref<16384xi32, #tpu.memory_space<hbm>> -> memref<64xi32, #tpu.memory_space<hbm>>
        %dma_wait3A_44 = tpu.memref_slice %arg4[%multiple_of3A] : memref<16384xi32, #tpu.memory_space<hbm>> -> memref<64xi32, #tpu.memory_space<hbm>>
        tpu.wait_dma2 semaphore(%run_scoped3A : memref<!tpu.dma_semaphore, #tpu.memory_space<semaphore_mem>>) src(%dma_wait3A_44 : memref<64xi32, #tpu.memory_space<hbm>>) dst(%arg8 : memref<64xi32, #tpu.memory_space<vmem>>)
        tpu.yield
      }) : () -> ()
      %dma_start3A = arith.constant 0 : i32
      %dma_start3A_14 = arith.constant 0 : i32
      %dma_start3A_15 = tpu.memref_slice %arg2[%dma_start3A, %dma_start3A_14] : memref<10000x128xf32, #tpu.memory_space<hbm>> -> memref<10000x128xf32, #tpu.memory_space<hbm>>
      tpu.enqueue_indirect_dma source(%dma_start3A_15 : memref<10000x128xf32, #tpu.memory_space<hbm>>) target(%arg9 : memref<64x128xf32, #tpu.memory_space<vmem>>) offsets(%arg7 : memref<64xi32, #tpu.memory_space<vmem>>) semaphore(%arg11 : memref<!tpu.dma_semaphore, #tpu.memory_space<semaphore_mem>>)
      %dma_start3A_16 = arith.constant 0 : i32
      %dma_start3A_17 = arith.constant 0 : i32
      %dma_start3A_18 = tpu.memref_slice %arg2[%dma_start3A_16, %dma_start3A_17] : memref<10000x128xf32, #tpu.memory_space<hbm>> -> memref<10000x128xf32, #tpu.memory_space<hbm>>
      tpu.enqueue_indirect_dma source(%dma_start3A_18 : memref<10000x128xf32, #tpu.memory_space<hbm>>) target(%arg10 : memref<64x128xf32, #tpu.memory_space<vmem>>) offsets(%arg8 : memref<64xi32, #tpu.memory_space<vmem>>) semaphore(%arg12 : memref<!tpu.dma_semaphore, #tpu.memory_space<semaphore_mem>>)
      %dma_wait3A = arith.constant 0 : i32
      %dma_wait3A_19 = arith.constant 0 : i32
      %dma_wait3A_20 = tpu.memref_slice %arg2[%dma_wait3A, %dma_wait3A_19] : memref<10000x128xf32, #tpu.memory_space<hbm>> -> memref<10000x128xf32, #tpu.memory_space<hbm>>
      tpu.wait_indirect_dma semaphore(%arg11 : memref<!tpu.dma_semaphore, #tpu.memory_space<semaphore_mem>>) src(%dma_wait3A_20 : memref<10000x128xf32, #tpu.memory_space<hbm>>) dst(%arg9 : memref<64x128xf32, #tpu.memory_space<vmem>>)
      %dma_start3A_21 = arith.constant 0 : i32
      %dma_start3A_22 = tpu.memref_slice %arg5[%multiple_of3A, %dma_start3A_21] : memref<16384x128xf32, #tpu.memory_space<hbm>> -> memref<64x128xf32, #tpu.memory_space<hbm>>
      %dma_start3A_23 = arith.constant 0 : i32
      %dma_start3A_24 = tpu.memref_slice %arg5[%multiple_of3A, %dma_start3A_23] : memref<16384x128xf32, #tpu.memory_space<hbm>> -> memref<64x128xf32, #tpu.memory_space<hbm>>
      tpu.enqueue_dma source(%arg9 : memref<64x128xf32, #tpu.memory_space<vmem>>) target(%dma_start3A_24 : memref<64x128xf32, #tpu.memory_space<hbm>>) target_semaphore(%arg13 : memref<!tpu.dma_semaphore, #tpu.memory_space<semaphore_mem>>)
      %dma_wait3A_25 = arith.constant 0 : i32
      %dma_wait3A_26 = arith.constant 0 : i32
      %dma_wait3A_27 = tpu.memref_slice %arg2[%dma_wait3A_25, %dma_wait3A_26] : memref<10000x128xf32, #tpu.memory_space<hbm>> -> memref<10000x128xf32, #tpu.memory_space<hbm>>
      tpu.wait_indirect_dma semaphore(%arg12 : memref<!tpu.dma_semaphore, #tpu.memory_space<semaphore_mem>>) src(%dma_wait3A_27 : memref<10000x128xf32, #tpu.memory_space<hbm>>) dst(%arg10 : memref<64x128xf32, #tpu.memory_space<vmem>>)
      %dma_start3A_28 = arith.constant 0 : i32
      %dma_start3A_29 = tpu.memref_slice %arg6[%multiple_of3A, %dma_start3A_28] : memref<16384x128xf32, #tpu.memory_space<hbm>> -> memref<64x128xf32, #tpu.memory_space<hbm>>
      %dma_start3A_30 = arith.constant 0 : i32
      %dma_start3A_31 = tpu.memref_slice %arg6[%multiple_of3A, %dma_start3A_30] : memref<16384x128xf32, #tpu.memory_space<hbm>> -> memref<64x128xf32, #tpu.memory_space<hbm>>
      tpu.enqueue_dma source(%arg10 : memref<64x128xf32, #tpu.memory_space<vmem>>) target(%dma_start3A_31 : memref<64x128xf32, #tpu.memory_space<hbm>>) target_semaphore(%arg14 : memref<!tpu.dma_semaphore, #tpu.memory_space<semaphore_mem>>)
      %dma_wait3A_32 = arith.constant 0 : i32
      %dma_wait3A_33 = tpu.memref_slice %arg5[%multiple_of3A, %dma_wait3A_32] : memref<16384x128xf32, #tpu.memory_space<hbm>> -> memref<64x128xf32, #tpu.memory_space<hbm>>
      %dma_wait3A_34 = arith.constant 0 : i32
      %dma_wait3A_35 = tpu.memref_slice %arg5[%multiple_of3A, %dma_wait3A_34] : memref<16384x128xf32, #tpu.memory_space<hbm>> -> memref<64x128xf32, #tpu.memory_space<hbm>>
      tpu.wait_dma2 semaphore(%arg13 : memref<!tpu.dma_semaphore, #tpu.memory_space<semaphore_mem>>) src(%arg9 : memref<64x128xf32, #tpu.memory_space<vmem>>) dst(%dma_wait3A_35 : memref<64x128xf32, #tpu.memory_space<hbm>>)
      %dma_wait3A_36 = arith.constant 0 : i32
      %dma_wait3A_37 = tpu.memref_slice %arg6[%multiple_of3A, %dma_wait3A_36] : memref<16384x128xf32, #tpu.memory_space<hbm>> -> memref<64x128xf32, #tpu.memory_space<hbm>>
      %dma_wait3A_38 = arith.constant 0 : i32
      %dma_wait3A_39 = tpu.memref_slice %arg6[%multiple_of3A, %dma_wait3A_38] : memref<16384x128xf32, #tpu.memory_space<hbm>> -> memref<64x128xf32, #tpu.memory_space<hbm>>
      tpu.wait_dma2 semaphore(%arg14 : memref<!tpu.dma_semaphore, #tpu.memory_space<semaphore_mem>>) src(%arg10 : memref<64x128xf32, #tpu.memory_space<vmem>>) dst(%dma_wait3A_39 : memref<64x128xf32, #tpu.memory_space<hbm>>)
      %scan3A_40 = arith.constant 0 : i32
      scf.yield %scan3A_40 : i32
    }
    %scan3A_8 = arith.constant 8 : i32
    return
  }
}

module attributes {stable_mosaic.version = 14 : i64} {
  func.func @_dense_body(%arg0: i32, %arg1: memref<1x1x128xf32, #tpu.memory_space<vmem>>, %arg2: memref<1x128x128xf32, #tpu.memory_space<vmem>>, %arg3: memref<1x1024x128xf32, #tpu.memory_space<vmem>>, %arg4: memref<1x1024x128xf32, #tpu.memory_space<vmem>>, %arg5: memref<1x1024x128xf32, #tpu.memory_space<vmem>>, %arg6: memref<128x128xf32, #tpu.memory_space<vmem>>, %arg7: memref<1x128xf32, #tpu.memory_space<vmem>>, %arg8: memref<128x128xf32, #tpu.memory_space<vmem>>, %arg9: memref<128x128xf32, #tpu.memory_space<vmem>>, %arg10: memref<1x128xf32, #tpu.memory_space<vmem>>, %arg11: memref<128x128xf32, #tpu.memory_space<vmem>>, %arg12: memref<1x128xf32, #tpu.memory_space<vmem>>, %arg13: memref<128x128xf32, #tpu.memory_space<vmem>>, %arg14: memref<1x128xf32, #tpu.memory_space<vmem>>, %arg15: memref<1x128xf32, #tpu.memory_space<vmem>>, %arg16: memref<1x128xf32, #tpu.memory_space<vmem>>, %arg17: memref<128x128xf32, #tpu.memory_space<vmem>>, %arg18: memref<1x128xf32, #tpu.memory_space<vmem>>, %arg19: memref<128x128xf32, #tpu.memory_space<vmem>>, %arg20: memref<1x128xf32, #tpu.memory_space<vmem>>, %arg21: memref<1x128xf32, #tpu.memory_space<vmem>>, %arg22: memref<1x128xf32, #tpu.memory_space<vmem>>, %arg23: memref<1x128x128xf32, #tpu.memory_space<vmem>>, %arg24: memref<1x1024x128xf32, #tpu.memory_space<vmem>>) attributes {dimension_semantics = [#tpu.dimension_semantics<arbitrary>], iteration_bounds = array<i64: 16>, scalar_prefetch = 0 : i64, scratch_operands = 0 : i64, tpu.core_type = #tpu.core_type<tc>, window_params = [{transform_indices = @transform_0, window_bounds = array<i64: 1, 1, 128>}, {transform_indices = @transform_1, window_bounds = array<i64: 1, 128, 128>}, {transform_indices = @transform_2, window_bounds = array<i64: 1, 1024, 128>}, {transform_indices = @transform_3, window_bounds = array<i64: 1, 1024, 128>}, {transform_indices = @transform_4, window_bounds = array<i64: 1, 1024, 128>}, {pipeline_mode = #tpu.pipeline_mode<synchronous>, transform_indices = @transform_5, window_bounds = array<i64: 128, 128>}, {pipeline_mode = #tpu.pipeline_mode<synchronous>, transform_indices = @transform_6, window_bounds = array<i64: 1, 128>}, {pipeline_mode = #tpu.pipeline_mode<synchronous>, transform_indices = @transform_7, window_bounds = array<i64: 128, 128>}, {pipeline_mode = #tpu.pipeline_mode<synchronous>, transform_indices = @transform_8, window_bounds = array<i64: 128, 128>}, {pipeline_mode = #tpu.pipeline_mode<synchronous>, transform_indices = @transform_9, window_bounds = array<i64: 1, 128>}, {pipeline_mode = #tpu.pipeline_mode<synchronous>, transform_indices = @transform_10, window_bounds = array<i64: 128, 128>}, {pipeline_mode = #tpu.pipeline_mode<synchronous>, transform_indices = @transform_11, window_bounds = array<i64: 1, 128>}, {pipeline_mode = #tpu.pipeline_mode<synchronous>, transform_indices = @transform_12, window_bounds = array<i64: 128, 128>}, {pipeline_mode = #tpu.pipeline_mode<synchronous>, transform_indices = @transform_13, window_bounds = array<i64: 1, 128>}, {pipeline_mode = #tpu.pipeline_mode<synchronous>, transform_indices = @transform_14, window_bounds = array<i64: 1, 128>}, {pipeline_mode = #tpu.pipeline_mode<synchronous>, transform_indices = @transform_15, window_bounds = array<i64: 1, 128>}, {pipeline_mode = #tpu.pipeline_mode<synchronous>, transform_indices = @transform_16, window_bounds = array<i64: 128, 128>}, {pipeline_mode = #tpu.pipeline_mode<synchronous>, transform_indices = @transform_17, window_bounds = array<i64: 1, 128>}, {pipeline_mode = #tpu.pipeline_mode<synchronous>, transform_indices = @transform_18, window_bounds = array<i64: 128, 128>}, {pipeline_mode = #tpu.pipeline_mode<synchronous>, transform_indices = @transform_19, window_bounds = array<i64: 1, 128>}, {pipeline_mode = #tpu.pipeline_mode<synchronous>, transform_indices = @transform_20, window_bounds = array<i64: 1, 128>}, {pipeline_mode = #tpu.pipeline_mode<synchronous>, transform_indices = @transform_21, window_bounds = array<i64: 1, 128>}, {transform_indices = @transform_22, window_bounds = array<i64: 1, 128, 128>}, {transform_indices = @transform_23, window_bounds = array<i64: 1, 1024, 128>}]} {
    %get3A = arith.constant 0 : index
    %get3A_0 = arith.constant 0 : index
    %get3A_1 = arith.constant 0 : index
    %get3A_2 = vector.load %arg2[%get3A, %get3A_0, %get3A_1] : memref<1x128x128xf32, #tpu.memory_space<vmem>>, vector<1x128x128xf32>
    %get3A_3 = vector.shape_cast %get3A_2 : vector<1x128x128xf32> to vector<128x128xf32>
    %get3A_4 = arith.constant 0 : index
    %get3A_5 = arith.constant 0 : index
    %get3A_6 = arith.constant 0 : index
    %get3A_7 = vector.load %arg3[%get3A_4, %get3A_5, %get3A_6] : memref<1x1024x128xf32, #tpu.memory_space<vmem>>, vector<1x1024x128xf32>
    %get3A_8 = vector.shape_cast %get3A_7 : vector<1x1024x128xf32> to vector<1024x128xf32>
    %get3A_9 = arith.constant 0 : index
    %get3A_10 = arith.constant 0 : index
    %get3A_11 = arith.constant 0 : index
    %get3A_12 = vector.load %arg4[%get3A_9, %get3A_10, %get3A_11] : memref<1x1024x128xf32, #tpu.memory_space<vmem>>, vector<1x1024x128xf32>
    %get3A_13 = vector.shape_cast %get3A_12 : vector<1x1024x128xf32> to vector<1024x128xf32>
    %get3A_14 = arith.constant 0 : index
    %get3A_15 = arith.constant 0 : index
    %get3A_16 = arith.constant 0 : index
    %get3A_17 = vector.load %arg5[%get3A_14, %get3A_15, %get3A_16] : memref<1x1024x128xf32, #tpu.memory_space<vmem>>, vector<1x1024x128xf32>
    %get3A_18 = vector.shape_cast %get3A_17 : vector<1x1024x128xf32> to vector<1024x128xf32>
    %get3A_19 = arith.constant 0 : index
    %get3A_20 = arith.constant 0 : index
    %get3A_21 = arith.constant 0 : index
    %get3A_22 = vector.load %arg1[%get3A_19, %get3A_20, %get3A_21] : memref<1x1x128xf32, #tpu.memory_space<vmem>>, vector<1x1x128xf32>
    %get3A_23 = vector.shape_cast %get3A_22 : vector<1x1x128xf32> to vector<128xf32>
    %get3A_24 = arith.constant 0 : index
    %get3A_25 = arith.constant 0 : index
    %get3A_26 = vector.load %arg6[%get3A_24, %get3A_25] : memref<128x128xf32, #tpu.memory_space<vmem>>, vector<128x128xf32>
    %convert_element_type3A = arith.truncf %get3A_3 : vector<128x128xf32> to vector<128x128xbf16>
    %convert_element_type3A_27 = arith.truncf %get3A_26 : vector<128x128xf32> to vector<128x128xbf16>
    %dot_general3A = arith.constant dense<0.000000e+00> : vector<128x128xf32>
    %dot_general3A_28 = tpu.matmul %convert_element_type3A, %convert_element_type3A_27, %dot_general3A {dimension_numbers = #tpu.dot_dimension_numbers<[1], [0], [0], [1], [0, 0, 1, 1], [], []>, transpose_lhs_hint = false} : vector<128x128xbf16>, vector<128x128xbf16>, vector<128x128xf32> -> vector<128x128xf32>
    %get3A_29 = arith.constant 0 : index
    %get3A_30 = arith.constant 0 : index
    %get3A_31 = vector.load %arg7[%get3A_29, %get3A_30] : memref<1x128xf32, #tpu.memory_space<vmem>>, vector<1x128xf32>
    %add3A = vector.broadcast %get3A_31 : vector<1x128xf32> to vector<128x128xf32>
    %add3A_32 = arith.addf %dot_general3A_28, %add3A : vector<128x128xf32>
    %get3A_33 = arith.constant 0 : index
    %get3A_34 = arith.constant 0 : index
    %get3A_35 = vector.load %arg8[%get3A_33, %get3A_34] : memref<128x128xf32, #tpu.memory_space<vmem>>, vector<128x128xf32>
    %convert_element_type3A_36 = arith.truncf %get3A_8 : vector<1024x128xf32> to vector<1024x128xbf16>
    %convert_element_type3A_37 = arith.truncf %get3A_35 : vector<128x128xf32> to vector<128x128xbf16>
    %dot_general3A_38 = arith.constant dense<0.000000e+00> : vector<1024x128xf32>
    %dot_general3A_39 = tpu.matmul %convert_element_type3A_36, %convert_element_type3A_37, %dot_general3A_38 {dimension_numbers = #tpu.dot_dimension_numbers<[1], [0], [0], [1], [0, 0, 1, 1], [], []>, transpose_lhs_hint = false} : vector<1024x128xbf16>, vector<128x128xbf16>, vector<1024x128xf32> -> vector<1024x128xf32>
    %get3A_40 = arith.constant 0 : index
    %get3A_41 = arith.constant 0 : index
    %get3A_42 = vector.load %arg9[%get3A_40, %get3A_41] : memref<128x128xf32, #tpu.memory_space<vmem>>, vector<128x128xf32>
    %convert_element_type3A_43 = arith.truncf %get3A_13 : vector<1024x128xf32> to vector<1024x128xbf16>
    %convert_element_type3A_44 = arith.truncf %get3A_42 : vector<128x128xf32> to vector<128x128xbf16>
    %dot_general3A_45 = arith.constant dense<0.000000e+00> : vector<1024x128xf32>
    %dot_general3A_46 = tpu.matmul %convert_element_type3A_43, %convert_element_type3A_44, %dot_general3A_45 {dimension_numbers = #tpu.dot_dimension_numbers<[1], [0], [0], [1], [0, 0, 1, 1], [], []>, transpose_lhs_hint = false} : vector<1024x128xbf16>, vector<128x128xbf16>, vector<1024x128xf32> -> vector<1024x128xf32>
    %add3A_47 = arith.addf %dot_general3A_39, %dot_general3A_46 : vector<1024x128xf32>
    %get3A_48 = arith.constant 0 : index
    %get3A_49 = arith.constant 0 : index
    %get3A_50 = vector.load %arg10[%get3A_48, %get3A_49] : memref<1x128xf32, #tpu.memory_space<vmem>>, vector<1x128xf32>
    %add3A_51 = vector.broadcast %get3A_50 : vector<1x128xf32> to vector<1024x128xf32>
    %add3A_52 = arith.addf %add3A_47, %add3A_51 : vector<1024x128xf32>
    %get3A_53 = arith.constant 0 : index
    %get3A_54 = arith.constant 0 : index
    %get3A_55 = vector.load %arg11[%get3A_53, %get3A_54] : memref<128x128xf32, #tpu.memory_space<vmem>>, vector<128x128xf32>
    %convert_element_type3A_56 = arith.truncf %get3A_18 : vector<1024x128xf32> to vector<1024x128xbf16>
    %convert_element_type3A_57 = arith.truncf %get3A_55 : vector<128x128xf32> to vector<128x128xbf16>
    %dot_general3A_58 = arith.constant dense<0.000000e+00> : vector<1024x128xf32>
    %dot_general3A_59 = tpu.matmul %convert_element_type3A_56, %convert_element_type3A_57, %dot_general3A_58 {dimension_numbers = #tpu.dot_dimension_numbers<[1], [0], [0], [1], [0, 0, 1, 1], [], []>, transpose_lhs_hint = false} : vector<1024x128xbf16>, vector<128x128xbf16>, vector<1024x128xf32> -> vector<1024x128xf32>
    %get3A_60 = arith.constant 0 : index
    %get3A_61 = arith.constant 0 : index
    %get3A_62 = vector.load %arg12[%get3A_60, %get3A_61] : memref<1x128xf32, #tpu.memory_space<vmem>>, vector<1x128xf32>
    %add3A_63 = vector.broadcast %get3A_62 : vector<1x128xf32> to vector<1024x128xf32>
    %add3A_64 = arith.addf %dot_general3A_59, %add3A_63 : vector<1024x128xf32>
    %slice3A = vector.extract_strided_slice %add3A_32 {offsets = [0, 0], sizes = [128, 16], strides = [1, 1]} : vector<128x128xf32> to vector<128x16xf32>
    %slice3A_65 = vector.extract_strided_slice %add3A_52 {offsets = [0, 0], sizes = [1024, 16], strides = [1, 1]} : vector<1024x128xf32> to vector<1024x16xf32>
    %slice3A_66 = vector.extract_strided_slice %add3A_64 {offsets = [0, 0], sizes = [1024, 16], strides = [1, 1]} : vector<1024x128xf32> to vector<1024x16xf32>
    %convert_element_type3A_67 = arith.truncf %slice3A : vector<128x16xf32> to vector<128x16xbf16>
    %convert_element_type3A_68 = arith.truncf %slice3A_65 : vector<1024x16xf32> to vector<1024x16xbf16>
    %dot_general3A_69 = arith.constant dense<0.000000e+00> : vector<128x1024xf32>
    %dot_general3A_70 = tpu.matmul %convert_element_type3A_67, %convert_element_type3A_68, %dot_general3A_69 {dimension_numbers = #tpu.dot_dimension_numbers<[1], [1], [0], [0], [0, 0, 1, 0], [], []>, transpose_lhs_hint = false} : vector<128x16xbf16>, vector<1024x16xbf16>, vector<128x1024xf32> -> vector<128x1024xf32>
    %mul3A = arith.constant 2.500000e-01 : f32
    %mul3A_71 = vector.broadcast %mul3A : f32 to vector<128x1024xf32>
    %mul3A_72 = arith.mulf %dot_general3A_70, %mul3A_71 : vector<128x1024xf32>
    %reduce_max3A = arith.constant dense<0xFF800000> : vector<128xf32>
    %reduce_max3A_73 = vector.multi_reduction <maximumf>, %mul3A_72, %reduce_max3A [1] : vector<128x1024xf32> to vector<128xf32>
    %broadcast_in_dim3A = vector.shape_cast %reduce_max3A_73 : vector<128xf32> to vector<128x1xf32>
    %sub3A = vector.broadcast %broadcast_in_dim3A : vector<128x1xf32> to vector<128x1024xf32>
    %sub3A_74 = arith.subf %mul3A_72, %sub3A : vector<128x1024xf32>
    %exp3A = math.exp %sub3A_74 : vector<128x1024xf32>
    %reduce_sum3A = arith.constant dense<0.000000e+00> : vector<128xf32>
    %reduce_sum3A_75 = vector.multi_reduction <add>, %exp3A, %reduce_sum3A [1] : vector<128x1024xf32> to vector<128xf32>
    %broadcast_in_dim3A_76 = vector.shape_cast %reduce_sum3A_75 : vector<128xf32> to vector<128x1xf32>
    %div3A = vector.broadcast %broadcast_in_dim3A_76 : vector<128x1xf32> to vector<128x1024xf32>
    %div3A_77 = arith.divf %exp3A, %div3A : vector<128x1024xf32>
    %convert_element_type3A_78 = arith.truncf %div3A_77 : vector<128x1024xf32> to vector<128x1024xbf16>
    %convert_element_type3A_79 = arith.truncf %slice3A_66 : vector<1024x16xf32> to vector<1024x16xbf16>
    %dot_general3A_80 = arith.constant dense<0.000000e+00> : vector<128x16xf32>
    %dot_general3A_81 = tpu.matmul %convert_element_type3A_78, %convert_element_type3A_79, %dot_general3A_80 {dimension_numbers = #tpu.dot_dimension_numbers<[1], [0], [0], [1], [0, 0, 1, 1], [], []>, transpose_lhs_hint = false} : vector<128x1024xbf16>, vector<1024x16xbf16>, vector<128x16xf32> -> vector<128x16xf32>
    %broadcast_in_dim3A_82 = vector.shape_cast %get3A_23 : vector<128xf32> to vector<128x1xf32>
    %add3A_83 = vector.broadcast %broadcast_in_dim3A_82 : vector<128x1xf32> to vector<128x1024xf32>
    %add3A_84 = arith.addf %mul3A_72, %add3A_83 : vector<128x1024xf32>
    %reduce_max3A_85 = arith.constant dense<0xFF800000> : vector<1024xf32>
    %reduce_max3A_86 = vector.multi_reduction <maximumf>, %add3A_84, %reduce_max3A_85 [0] : vector<128x1024xf32> to vector<1024xf32>
    %broadcast_in_dim3A_87 = vector.shape_cast %reduce_max3A_86 : vector<1024xf32> to vector<1x1024xf32>
    %sub3A_88 = vector.broadcast %broadcast_in_dim3A_87 : vector<1x1024xf32> to vector<128x1024xf32>
    %sub3A_89 = arith.subf %add3A_84, %sub3A_88 : vector<128x1024xf32>
    %exp3A_90 = math.exp %sub3A_89 : vector<128x1024xf32>
    %reduce_sum3A_91 = arith.constant dense<0.000000e+00> : vector<1024xf32>
    %reduce_sum3A_92 = vector.multi_reduction <add>, %exp3A_90, %reduce_sum3A_91 [0] : vector<128x1024xf32> to vector<1024xf32>
    %broadcast_in_dim3A_93 = vector.shape_cast %reduce_sum3A_92 : vector<1024xf32> to vector<1x1024xf32>
    %div3A_94 = vector.broadcast %broadcast_in_dim3A_93 : vector<1x1024xf32> to vector<128x1024xf32>
    %div3A_95 = arith.divf %exp3A_90, %div3A_94 : vector<128x1024xf32>
    %convert_element_type3A_96 = arith.truncf %div3A_95 : vector<128x1024xf32> to vector<128x1024xbf16>
    %convert_element_type3A_97 = arith.truncf %slice3A : vector<128x16xf32> to vector<128x16xbf16>
    %dot_general3A_98 = arith.constant dense<0.000000e+00> : vector<1024x16xf32>
    %dot_general3A_99 = tpu.matmul %convert_element_type3A_96, %convert_element_type3A_97, %dot_general3A_98 {dimension_numbers = #tpu.dot_dimension_numbers<[0], [0], [1], [1], [0, 1, 1, 1], [], []>, transpose_lhs_hint = false} : vector<128x1024xbf16>, vector<128x16xbf16>, vector<1024x16xf32> -> vector<1024x16xf32>
    %slice3A_100 = vector.extract_strided_slice %add3A_32 {offsets = [0, 16], sizes = [128, 16], strides = [1, 1]} : vector<128x128xf32> to vector<128x16xf32>
    %slice3A_101 = vector.extract_strided_slice %add3A_52 {offsets = [0, 16], sizes = [1024, 16], strides = [1, 1]} : vector<1024x128xf32> to vector<1024x16xf32>
    %slice3A_102 = vector.extract_strided_slice %add3A_64 {offsets = [0, 16], sizes = [1024, 16], strides = [1, 1]} : vector<1024x128xf32> to vector<1024x16xf32>
    %convert_element_type3A_103 = arith.truncf %slice3A_100 : vector<128x16xf32> to vector<128x16xbf16>
    %convert_element_type3A_104 = arith.truncf %slice3A_101 : vector<1024x16xf32> to vector<1024x16xbf16>
    %dot_general3A_105 = arith.constant dense<0.000000e+00> : vector<128x1024xf32>
    %dot_general3A_106 = tpu.matmul %convert_element_type3A_103, %convert_element_type3A_104, %dot_general3A_105 {dimension_numbers = #tpu.dot_dimension_numbers<[1], [1], [0], [0], [0, 0, 1, 0], [], []>, transpose_lhs_hint = false} : vector<128x16xbf16>, vector<1024x16xbf16>, vector<128x1024xf32> -> vector<128x1024xf32>
    %mul3A_107 = arith.constant 2.500000e-01 : f32
    %mul3A_108 = vector.broadcast %mul3A_107 : f32 to vector<128x1024xf32>
    %mul3A_109 = arith.mulf %dot_general3A_106, %mul3A_108 : vector<128x1024xf32>
    %reduce_max3A_110 = arith.constant dense<0xFF800000> : vector<128xf32>
    %reduce_max3A_111 = vector.multi_reduction <maximumf>, %mul3A_109, %reduce_max3A_110 [1] : vector<128x1024xf32> to vector<128xf32>
    %broadcast_in_dim3A_112 = vector.shape_cast %reduce_max3A_111 : vector<128xf32> to vector<128x1xf32>
    %sub3A_113 = vector.broadcast %broadcast_in_dim3A_112 : vector<128x1xf32> to vector<128x1024xf32>
    %sub3A_114 = arith.subf %mul3A_109, %sub3A_113 : vector<128x1024xf32>
    %exp3A_115 = math.exp %sub3A_114 : vector<128x1024xf32>
    %reduce_sum3A_116 = arith.constant dense<0.000000e+00> : vector<128xf32>
    %reduce_sum3A_117 = vector.multi_reduction <add>, %exp3A_115, %reduce_sum3A_116 [1] : vector<128x1024xf32> to vector<128xf32>
    %broadcast_in_dim3A_118 = vector.shape_cast %reduce_sum3A_117 : vector<128xf32> to vector<128x1xf32>
    %div3A_119 = vector.broadcast %broadcast_in_dim3A_118 : vector<128x1xf32> to vector<128x1024xf32>
    %div3A_120 = arith.divf %exp3A_115, %div3A_119 : vector<128x1024xf32>
    %convert_element_type3A_121 = arith.truncf %div3A_120 : vector<128x1024xf32> to vector<128x1024xbf16>
    %convert_element_type3A_122 = arith.truncf %slice3A_102 : vector<1024x16xf32> to vector<1024x16xbf16>
    %dot_general3A_123 = arith.constant dense<0.000000e+00> : vector<128x16xf32>
    %dot_general3A_124 = tpu.matmul %convert_element_type3A_121, %convert_element_type3A_122, %dot_general3A_123 {dimension_numbers = #tpu.dot_dimension_numbers<[1], [0], [0], [1], [0, 0, 1, 1], [], []>, transpose_lhs_hint = false} : vector<128x1024xbf16>, vector<1024x16xbf16>, vector<128x16xf32> -> vector<128x16xf32>
    %broadcast_in_dim3A_125 = vector.shape_cast %get3A_23 : vector<128xf32> to vector<128x1xf32>
    %add3A_126 = vector.broadcast %broadcast_in_dim3A_125 : vector<128x1xf32> to vector<128x1024xf32>
    %add3A_127 = arith.addf %mul3A_109, %add3A_126 : vector<128x1024xf32>
    %reduce_max3A_128 = arith.constant dense<0xFF800000> : vector<1024xf32>
    %reduce_max3A_129 = vector.multi_reduction <maximumf>, %add3A_127, %reduce_max3A_128 [0] : vector<128x1024xf32> to vector<1024xf32>
    %broadcast_in_dim3A_130 = vector.shape_cast %reduce_max3A_129 : vector<1024xf32> to vector<1x1024xf32>
    %sub3A_131 = vector.broadcast %broadcast_in_dim3A_130 : vector<1x1024xf32> to vector<128x1024xf32>
    %sub3A_132 = arith.subf %add3A_127, %sub3A_131 : vector<128x1024xf32>
    %exp3A_133 = math.exp %sub3A_132 : vector<128x1024xf32>
    %reduce_sum3A_134 = arith.constant dense<0.000000e+00> : vector<1024xf32>
    %reduce_sum3A_135 = vector.multi_reduction <add>, %exp3A_133, %reduce_sum3A_134 [0] : vector<128x1024xf32> to vector<1024xf32>
    %broadcast_in_dim3A_136 = vector.shape_cast %reduce_sum3A_135 : vector<1024xf32> to vector<1x1024xf32>
    %div3A_137 = vector.broadcast %broadcast_in_dim3A_136 : vector<1x1024xf32> to vector<128x1024xf32>
    %div3A_138 = arith.divf %exp3A_133, %div3A_137 : vector<128x1024xf32>
    %convert_element_type3A_139 = arith.truncf %div3A_138 : vector<128x1024xf32> to vector<128x1024xbf16>
    %convert_element_type3A_140 = arith.truncf %slice3A_100 : vector<128x16xf32> to vector<128x16xbf16>
    %dot_general3A_141 = arith.constant dense<0.000000e+00> : vector<1024x16xf32>
    %dot_general3A_142 = tpu.matmul %convert_element_type3A_139, %convert_element_type3A_140, %dot_general3A_141 {dimension_numbers = #tpu.dot_dimension_numbers<[0], [0], [1], [1], [0, 1, 1, 1], [], []>, transpose_lhs_hint = false} : vector<128x1024xbf16>, vector<128x16xbf16>, vector<1024x16xf32> -> vector<1024x16xf32>
    %slice3A_143 = vector.extract_strided_slice %add3A_32 {offsets = [0, 32], sizes = [128, 16], strides = [1, 1]} : vector<128x128xf32> to vector<128x16xf32>
    %slice3A_144 = vector.extract_strided_slice %add3A_52 {offsets = [0, 32], sizes = [1024, 16], strides = [1, 1]} : vector<1024x128xf32> to vector<1024x16xf32>
    %slice3A_145 = vector.extract_strided_slice %add3A_64 {offsets = [0, 32], sizes = [1024, 16], strides = [1, 1]} : vector<1024x128xf32> to vector<1024x16xf32>
    %convert_element_type3A_146 = arith.truncf %slice3A_143 : vector<128x16xf32> to vector<128x16xbf16>
    %convert_element_type3A_147 = arith.truncf %slice3A_144 : vector<1024x16xf32> to vector<1024x16xbf16>
    %dot_general3A_148 = arith.constant dense<0.000000e+00> : vector<128x1024xf32>
    %dot_general3A_149 = tpu.matmul %convert_element_type3A_146, %convert_element_type3A_147, %dot_general3A_148 {dimension_numbers = #tpu.dot_dimension_numbers<[1], [1], [0], [0], [0, 0, 1, 0], [], []>, transpose_lhs_hint = false} : vector<128x16xbf16>, vector<1024x16xbf16>, vector<128x1024xf32> -> vector<128x1024xf32>
    %mul3A_150 = arith.constant 2.500000e-01 : f32
    %mul3A_151 = vector.broadcast %mul3A_150 : f32 to vector<128x1024xf32>
    %mul3A_152 = arith.mulf %dot_general3A_149, %mul3A_151 : vector<128x1024xf32>
    %reduce_max3A_153 = arith.constant dense<0xFF800000> : vector<128xf32>
    %reduce_max3A_154 = vector.multi_reduction <maximumf>, %mul3A_152, %reduce_max3A_153 [1] : vector<128x1024xf32> to vector<128xf32>
    %broadcast_in_dim3A_155 = vector.shape_cast %reduce_max3A_154 : vector<128xf32> to vector<128x1xf32>
    %sub3A_156 = vector.broadcast %broadcast_in_dim3A_155 : vector<128x1xf32> to vector<128x1024xf32>
    %sub3A_157 = arith.subf %mul3A_152, %sub3A_156 : vector<128x1024xf32>
    %exp3A_158 = math.exp %sub3A_157 : vector<128x1024xf32>
    %reduce_sum3A_159 = arith.constant dense<0.000000e+00> : vector<128xf32>
    %reduce_sum3A_160 = vector.multi_reduction <add>, %exp3A_158, %reduce_sum3A_159 [1] : vector<128x1024xf32> to vector<128xf32>
    %broadcast_in_dim3A_161 = vector.shape_cast %reduce_sum3A_160 : vector<128xf32> to vector<128x1xf32>
    %div3A_162 = vector.broadcast %broadcast_in_dim3A_161 : vector<128x1xf32> to vector<128x1024xf32>
    %div3A_163 = arith.divf %exp3A_158, %div3A_162 : vector<128x1024xf32>
    %convert_element_type3A_164 = arith.truncf %div3A_163 : vector<128x1024xf32> to vector<128x1024xbf16>
    %convert_element_type3A_165 = arith.truncf %slice3A_145 : vector<1024x16xf32> to vector<1024x16xbf16>
    %dot_general3A_166 = arith.constant dense<0.000000e+00> : vector<128x16xf32>
    %dot_general3A_167 = tpu.matmul %convert_element_type3A_164, %convert_element_type3A_165, %dot_general3A_166 {dimension_numbers = #tpu.dot_dimension_numbers<[1], [0], [0], [1], [0, 0, 1, 1], [], []>, transpose_lhs_hint = false} : vector<128x1024xbf16>, vector<1024x16xbf16>, vector<128x16xf32> -> vector<128x16xf32>
    %broadcast_in_dim3A_168 = vector.shape_cast %get3A_23 : vector<128xf32> to vector<128x1xf32>
    %add3A_169 = vector.broadcast %broadcast_in_dim3A_168 : vector<128x1xf32> to vector<128x1024xf32>
    %add3A_170 = arith.addf %mul3A_152, %add3A_169 : vector<128x1024xf32>
    %reduce_max3A_171 = arith.constant dense<0xFF800000> : vector<1024xf32>
    %reduce_max3A_172 = vector.multi_reduction <maximumf>, %add3A_170, %reduce_max3A_171 [0] : vector<128x1024xf32> to vector<1024xf32>
    %broadcast_in_dim3A_173 = vector.shape_cast %reduce_max3A_172 : vector<1024xf32> to vector<1x1024xf32>
    %sub3A_174 = vector.broadcast %broadcast_in_dim3A_173 : vector<1x1024xf32> to vector<128x1024xf32>
    %sub3A_175 = arith.subf %add3A_170, %sub3A_174 : vector<128x1024xf32>
    %exp3A_176 = math.exp %sub3A_175 : vector<128x1024xf32>
    %reduce_sum3A_177 = arith.constant dense<0.000000e+00> : vector<1024xf32>
    %reduce_sum3A_178 = vector.multi_reduction <add>, %exp3A_176, %reduce_sum3A_177 [0] : vector<128x1024xf32> to vector<1024xf32>
    %broadcast_in_dim3A_179 = vector.shape_cast %reduce_sum3A_178 : vector<1024xf32> to vector<1x1024xf32>
    %div3A_180 = vector.broadcast %broadcast_in_dim3A_179 : vector<1x1024xf32> to vector<128x1024xf32>
    %div3A_181 = arith.divf %exp3A_176, %div3A_180 : vector<128x1024xf32>
    %convert_element_type3A_182 = arith.truncf %div3A_181 : vector<128x1024xf32> to vector<128x1024xbf16>
    %convert_element_type3A_183 = arith.truncf %slice3A_143 : vector<128x16xf32> to vector<128x16xbf16>
    %dot_general3A_184 = arith.constant dense<0.000000e+00> : vector<1024x16xf32>
    %dot_general3A_185 = tpu.matmul %convert_element_type3A_182, %convert_element_type3A_183, %dot_general3A_184 {dimension_numbers = #tpu.dot_dimension_numbers<[0], [0], [1], [1], [0, 1, 1, 1], [], []>, transpose_lhs_hint = false} : vector<128x1024xbf16>, vector<128x16xbf16>, vector<1024x16xf32> -> vector<1024x16xf32>
    %slice3A_186 = vector.extract_strided_slice %add3A_32 {offsets = [0, 48], sizes = [128, 16], strides = [1, 1]} : vector<128x128xf32> to vector<128x16xf32>
    %slice3A_187 = vector.extract_strided_slice %add3A_52 {offsets = [0, 48], sizes = [1024, 16], strides = [1, 1]} : vector<1024x128xf32> to vector<1024x16xf32>
    %slice3A_188 = vector.extract_strided_slice %add3A_64 {offsets = [0, 48], sizes = [1024, 16], strides = [1, 1]} : vector<1024x128xf32> to vector<1024x16xf32>
    %convert_element_type3A_189 = arith.truncf %slice3A_186 : vector<128x16xf32> to vector<128x16xbf16>
    %convert_element_type3A_190 = arith.truncf %slice3A_187 : vector<1024x16xf32> to vector<1024x16xbf16>
    %dot_general3A_191 = arith.constant dense<0.000000e+00> : vector<128x1024xf32>
    %dot_general3A_192 = tpu.matmul %convert_element_type3A_189, %convert_element_type3A_190, %dot_general3A_191 {dimension_numbers = #tpu.dot_dimension_numbers<[1], [1], [0], [0], [0, 0, 1, 0], [], []>, transpose_lhs_hint = false} : vector<128x16xbf16>, vector<1024x16xbf16>, vector<128x1024xf32> -> vector<128x1024xf32>
    %mul3A_193 = arith.constant 2.500000e-01 : f32
    %mul3A_194 = vector.broadcast %mul3A_193 : f32 to vector<128x1024xf32>
    %mul3A_195 = arith.mulf %dot_general3A_192, %mul3A_194 : vector<128x1024xf32>
    %reduce_max3A_196 = arith.constant dense<0xFF800000> : vector<128xf32>
    %reduce_max3A_197 = vector.multi_reduction <maximumf>, %mul3A_195, %reduce_max3A_196 [1] : vector<128x1024xf32> to vector<128xf32>
    %broadcast_in_dim3A_198 = vector.shape_cast %reduce_max3A_197 : vector<128xf32> to vector<128x1xf32>
    %sub3A_199 = vector.broadcast %broadcast_in_dim3A_198 : vector<128x1xf32> to vector<128x1024xf32>
    %sub3A_200 = arith.subf %mul3A_195, %sub3A_199 : vector<128x1024xf32>
    %exp3A_201 = math.exp %sub3A_200 : vector<128x1024xf32>
    %reduce_sum3A_202 = arith.constant dense<0.000000e+00> : vector<128xf32>
    %reduce_sum3A_203 = vector.multi_reduction <add>, %exp3A_201, %reduce_sum3A_202 [1] : vector<128x1024xf32> to vector<128xf32>
    %broadcast_in_dim3A_204 = vector.shape_cast %reduce_sum3A_203 : vector<128xf32> to vector<128x1xf32>
    %div3A_205 = vector.broadcast %broadcast_in_dim3A_204 : vector<128x1xf32> to vector<128x1024xf32>
    %div3A_206 = arith.divf %exp3A_201, %div3A_205 : vector<128x1024xf32>
    %convert_element_type3A_207 = arith.truncf %div3A_206 : vector<128x1024xf32> to vector<128x1024xbf16>
    %convert_element_type3A_208 = arith.truncf %slice3A_188 : vector<1024x16xf32> to vector<1024x16xbf16>
    %dot_general3A_209 = arith.constant dense<0.000000e+00> : vector<128x16xf32>
    %dot_general3A_210 = tpu.matmul %convert_element_type3A_207, %convert_element_type3A_208, %dot_general3A_209 {dimension_numbers = #tpu.dot_dimension_numbers<[1], [0], [0], [1], [0, 0, 1, 1], [], []>, transpose_lhs_hint = false} : vector<128x1024xbf16>, vector<1024x16xbf16>, vector<128x16xf32> -> vector<128x16xf32>
    %broadcast_in_dim3A_211 = vector.shape_cast %get3A_23 : vector<128xf32> to vector<128x1xf32>
    %add3A_212 = vector.broadcast %broadcast_in_dim3A_211 : vector<128x1xf32> to vector<128x1024xf32>
    %add3A_213 = arith.addf %mul3A_195, %add3A_212 : vector<128x1024xf32>
    %reduce_max3A_214 = arith.constant dense<0xFF800000> : vector<1024xf32>
    %reduce_max3A_215 = vector.multi_reduction <maximumf>, %add3A_213, %reduce_max3A_214 [0] : vector<128x1024xf32> to vector<1024xf32>
    %broadcast_in_dim3A_216 = vector.shape_cast %reduce_max3A_215 : vector<1024xf32> to vector<1x1024xf32>
    %sub3A_217 = vector.broadcast %broadcast_in_dim3A_216 : vector<1x1024xf32> to vector<128x1024xf32>
    %sub3A_218 = arith.subf %add3A_213, %sub3A_217 : vector<128x1024xf32>
    %exp3A_219 = math.exp %sub3A_218 : vector<128x1024xf32>
    %reduce_sum3A_220 = arith.constant dense<0.000000e+00> : vector<1024xf32>
    %reduce_sum3A_221 = vector.multi_reduction <add>, %exp3A_219, %reduce_sum3A_220 [0] : vector<128x1024xf32> to vector<1024xf32>
    %broadcast_in_dim3A_222 = vector.shape_cast %reduce_sum3A_221 : vector<1024xf32> to vector<1x1024xf32>
    %div3A_223 = vector.broadcast %broadcast_in_dim3A_222 : vector<1x1024xf32> to vector<128x1024xf32>
    %div3A_224 = arith.divf %exp3A_219, %div3A_223 : vector<128x1024xf32>
    %convert_element_type3A_225 = arith.truncf %div3A_224 : vector<128x1024xf32> to vector<128x1024xbf16>
    %convert_element_type3A_226 = arith.truncf %slice3A_186 : vector<128x16xf32> to vector<128x16xbf16>
    %dot_general3A_227 = arith.constant dense<0.000000e+00> : vector<1024x16xf32>
    %dot_general3A_228 = tpu.matmul %convert_element_type3A_225, %convert_element_type3A_226, %dot_general3A_227 {dimension_numbers = #tpu.dot_dimension_numbers<[0], [0], [1], [1], [0, 1, 1, 1], [], []>, transpose_lhs_hint = false} : vector<128x1024xbf16>, vector<128x16xbf16>, vector<1024x16xf32> -> vector<1024x16xf32>
    %slice3A_229 = vector.extract_strided_slice %add3A_32 {offsets = [0, 64], sizes = [128, 16], strides = [1, 1]} : vector<128x128xf32> to vector<128x16xf32>
    %slice3A_230 = vector.extract_strided_slice %add3A_52 {offsets = [0, 64], sizes = [1024, 16], strides = [1, 1]} : vector<1024x128xf32> to vector<1024x16xf32>
    %slice3A_231 = vector.extract_strided_slice %add3A_64 {offsets = [0, 64], sizes = [1024, 16], strides = [1, 1]} : vector<1024x128xf32> to vector<1024x16xf32>
    %convert_element_type3A_232 = arith.truncf %slice3A_229 : vector<128x16xf32> to vector<128x16xbf16>
    %convert_element_type3A_233 = arith.truncf %slice3A_230 : vector<1024x16xf32> to vector<1024x16xbf16>
    %dot_general3A_234 = arith.constant dense<0.000000e+00> : vector<128x1024xf32>
    %dot_general3A_235 = tpu.matmul %convert_element_type3A_232, %convert_element_type3A_233, %dot_general3A_234 {dimension_numbers = #tpu.dot_dimension_numbers<[1], [1], [0], [0], [0, 0, 1, 0], [], []>, transpose_lhs_hint = false} : vector<128x16xbf16>, vector<1024x16xbf16>, vector<128x1024xf32> -> vector<128x1024xf32>
    %mul3A_236 = arith.constant 2.500000e-01 : f32
    %mul3A_237 = vector.broadcast %mul3A_236 : f32 to vector<128x1024xf32>
    %mul3A_238 = arith.mulf %dot_general3A_235, %mul3A_237 : vector<128x1024xf32>
    %reduce_max3A_239 = arith.constant dense<0xFF800000> : vector<128xf32>
    %reduce_max3A_240 = vector.multi_reduction <maximumf>, %mul3A_238, %reduce_max3A_239 [1] : vector<128x1024xf32> to vector<128xf32>
    %broadcast_in_dim3A_241 = vector.shape_cast %reduce_max3A_240 : vector<128xf32> to vector<128x1xf32>
    %sub3A_242 = vector.broadcast %broadcast_in_dim3A_241 : vector<128x1xf32> to vector<128x1024xf32>
    %sub3A_243 = arith.subf %mul3A_238, %sub3A_242 : vector<128x1024xf32>
    %exp3A_244 = math.exp %sub3A_243 : vector<128x1024xf32>
    %reduce_sum3A_245 = arith.constant dense<0.000000e+00> : vector<128xf32>
    %reduce_sum3A_246 = vector.multi_reduction <add>, %exp3A_244, %reduce_sum3A_245 [1] : vector<128x1024xf32> to vector<128xf32>
    %broadcast_in_dim3A_247 = vector.shape_cast %reduce_sum3A_246 : vector<128xf32> to vector<128x1xf32>
    %div3A_248 = vector.broadcast %broadcast_in_dim3A_247 : vector<128x1xf32> to vector<128x1024xf32>
    %div3A_249 = arith.divf %exp3A_244, %div3A_248 : vector<128x1024xf32>
    %convert_element_type3A_250 = arith.truncf %div3A_249 : vector<128x1024xf32> to vector<128x1024xbf16>
    %convert_element_type3A_251 = arith.truncf %slice3A_231 : vector<1024x16xf32> to vector<1024x16xbf16>
    %dot_general3A_252 = arith.constant dense<0.000000e+00> : vector<128x16xf32>
    %dot_general3A_253 = tpu.matmul %convert_element_type3A_250, %convert_element_type3A_251, %dot_general3A_252 {dimension_numbers = #tpu.dot_dimension_numbers<[1], [0], [0], [1], [0, 0, 1, 1], [], []>, transpose_lhs_hint = false} : vector<128x1024xbf16>, vector<1024x16xbf16>, vector<128x16xf32> -> vector<128x16xf32>
    %broadcast_in_dim3A_254 = vector.shape_cast %get3A_23 : vector<128xf32> to vector<128x1xf32>
    %add3A_255 = vector.broadcast %broadcast_in_dim3A_254 : vector<128x1xf32> to vector<128x1024xf32>
    %add3A_256 = arith.addf %mul3A_238, %add3A_255 : vector<128x1024xf32>
    %reduce_max3A_257 = arith.constant dense<0xFF800000> : vector<1024xf32>
    %reduce_max3A_258 = vector.multi_reduction <maximumf>, %add3A_256, %reduce_max3A_257 [0] : vector<128x1024xf32> to vector<1024xf32>
    %broadcast_in_dim3A_259 = vector.shape_cast %reduce_max3A_258 : vector<1024xf32> to vector<1x1024xf32>
    %sub3A_260 = vector.broadcast %broadcast_in_dim3A_259 : vector<1x1024xf32> to vector<128x1024xf32>
    %sub3A_261 = arith.subf %add3A_256, %sub3A_260 : vector<128x1024xf32>
    %exp3A_262 = math.exp %sub3A_261 : vector<128x1024xf32>
    %reduce_sum3A_263 = arith.constant dense<0.000000e+00> : vector<1024xf32>
    %reduce_sum3A_264 = vector.multi_reduction <add>, %exp3A_262, %reduce_sum3A_263 [0] : vector<128x1024xf32> to vector<1024xf32>
    %broadcast_in_dim3A_265 = vector.shape_cast %reduce_sum3A_264 : vector<1024xf32> to vector<1x1024xf32>
    %div3A_266 = vector.broadcast %broadcast_in_dim3A_265 : vector<1x1024xf32> to vector<128x1024xf32>
    %div3A_267 = arith.divf %exp3A_262, %div3A_266 : vector<128x1024xf32>
    %convert_element_type3A_268 = arith.truncf %div3A_267 : vector<128x1024xf32> to vector<128x1024xbf16>
    %convert_element_type3A_269 = arith.truncf %slice3A_229 : vector<128x16xf32> to vector<128x16xbf16>
    %dot_general3A_270 = arith.constant dense<0.000000e+00> : vector<1024x16xf32>
    %dot_general3A_271 = tpu.matmul %convert_element_type3A_268, %convert_element_type3A_269, %dot_general3A_270 {dimension_numbers = #tpu.dot_dimension_numbers<[0], [0], [1], [1], [0, 1, 1, 1], [], []>, transpose_lhs_hint = false} : vector<128x1024xbf16>, vector<128x16xbf16>, vector<1024x16xf32> -> vector<1024x16xf32>
    %slice3A_272 = vector.extract_strided_slice %add3A_32 {offsets = [0, 80], sizes = [128, 16], strides = [1, 1]} : vector<128x128xf32> to vector<128x16xf32>
    %slice3A_273 = vector.extract_strided_slice %add3A_52 {offsets = [0, 80], sizes = [1024, 16], strides = [1, 1]} : vector<1024x128xf32> to vector<1024x16xf32>
    %slice3A_274 = vector.extract_strided_slice %add3A_64 {offsets = [0, 80], sizes = [1024, 16], strides = [1, 1]} : vector<1024x128xf32> to vector<1024x16xf32>
    %convert_element_type3A_275 = arith.truncf %slice3A_272 : vector<128x16xf32> to vector<128x16xbf16>
    %convert_element_type3A_276 = arith.truncf %slice3A_273 : vector<1024x16xf32> to vector<1024x16xbf16>
    %dot_general3A_277 = arith.constant dense<0.000000e+00> : vector<128x1024xf32>
    %dot_general3A_278 = tpu.matmul %convert_element_type3A_275, %convert_element_type3A_276, %dot_general3A_277 {dimension_numbers = #tpu.dot_dimension_numbers<[1], [1], [0], [0], [0, 0, 1, 0], [], []>, transpose_lhs_hint = false} : vector<128x16xbf16>, vector<1024x16xbf16>, vector<128x1024xf32> -> vector<128x1024xf32>
    %mul3A_279 = arith.constant 2.500000e-01 : f32
    %mul3A_280 = vector.broadcast %mul3A_279 : f32 to vector<128x1024xf32>
    %mul3A_281 = arith.mulf %dot_general3A_278, %mul3A_280 : vector<128x1024xf32>
    %reduce_max3A_282 = arith.constant dense<0xFF800000> : vector<128xf32>
    %reduce_max3A_283 = vector.multi_reduction <maximumf>, %mul3A_281, %reduce_max3A_282 [1] : vector<128x1024xf32> to vector<128xf32>
    %broadcast_in_dim3A_284 = vector.shape_cast %reduce_max3A_283 : vector<128xf32> to vector<128x1xf32>
    %sub3A_285 = vector.broadcast %broadcast_in_dim3A_284 : vector<128x1xf32> to vector<128x1024xf32>
    %sub3A_286 = arith.subf %mul3A_281, %sub3A_285 : vector<128x1024xf32>
    %exp3A_287 = math.exp %sub3A_286 : vector<128x1024xf32>
    %reduce_sum3A_288 = arith.constant dense<0.000000e+00> : vector<128xf32>
    %reduce_sum3A_289 = vector.multi_reduction <add>, %exp3A_287, %reduce_sum3A_288 [1] : vector<128x1024xf32> to vector<128xf32>
    %broadcast_in_dim3A_290 = vector.shape_cast %reduce_sum3A_289 : vector<128xf32> to vector<128x1xf32>
    %div3A_291 = vector.broadcast %broadcast_in_dim3A_290 : vector<128x1xf32> to vector<128x1024xf32>
    %div3A_292 = arith.divf %exp3A_287, %div3A_291 : vector<128x1024xf32>
    %convert_element_type3A_293 = arith.truncf %div3A_292 : vector<128x1024xf32> to vector<128x1024xbf16>
    %convert_element_type3A_294 = arith.truncf %slice3A_274 : vector<1024x16xf32> to vector<1024x16xbf16>
    %dot_general3A_295 = arith.constant dense<0.000000e+00> : vector<128x16xf32>
    %dot_general3A_296 = tpu.matmul %convert_element_type3A_293, %convert_element_type3A_294, %dot_general3A_295 {dimension_numbers = #tpu.dot_dimension_numbers<[1], [0], [0], [1], [0, 0, 1, 1], [], []>, transpose_lhs_hint = false} : vector<128x1024xbf16>, vector<1024x16xbf16>, vector<128x16xf32> -> vector<128x16xf32>
    %broadcast_in_dim3A_297 = vector.shape_cast %get3A_23 : vector<128xf32> to vector<128x1xf32>
    %add3A_298 = vector.broadcast %broadcast_in_dim3A_297 : vector<128x1xf32> to vector<128x1024xf32>
    %add3A_299 = arith.addf %mul3A_281, %add3A_298 : vector<128x1024xf32>
    %reduce_max3A_300 = arith.constant dense<0xFF800000> : vector<1024xf32>
    %reduce_max3A_301 = vector.multi_reduction <maximumf>, %add3A_299, %reduce_max3A_300 [0] : vector<128x1024xf32> to vector<1024xf32>
    %broadcast_in_dim3A_302 = vector.shape_cast %reduce_max3A_301 : vector<1024xf32> to vector<1x1024xf32>
    %sub3A_303 = vector.broadcast %broadcast_in_dim3A_302 : vector<1x1024xf32> to vector<128x1024xf32>
    %sub3A_304 = arith.subf %add3A_299, %sub3A_303 : vector<128x1024xf32>
    %exp3A_305 = math.exp %sub3A_304 : vector<128x1024xf32>
    %reduce_sum3A_306 = arith.constant dense<0.000000e+00> : vector<1024xf32>
    %reduce_sum3A_307 = vector.multi_reduction <add>, %exp3A_305, %reduce_sum3A_306 [0] : vector<128x1024xf32> to vector<1024xf32>
    %broadcast_in_dim3A_308 = vector.shape_cast %reduce_sum3A_307 : vector<1024xf32> to vector<1x1024xf32>
    %div3A_309 = vector.broadcast %broadcast_in_dim3A_308 : vector<1x1024xf32> to vector<128x1024xf32>
    %div3A_310 = arith.divf %exp3A_305, %div3A_309 : vector<128x1024xf32>
    %convert_element_type3A_311 = arith.truncf %div3A_310 : vector<128x1024xf32> to vector<128x1024xbf16>
    %convert_element_type3A_312 = arith.truncf %slice3A_272 : vector<128x16xf32> to vector<128x16xbf16>
    %dot_general3A_313 = arith.constant dense<0.000000e+00> : vector<1024x16xf32>
    %dot_general3A_314 = tpu.matmul %convert_element_type3A_311, %convert_element_type3A_312, %dot_general3A_313 {dimension_numbers = #tpu.dot_dimension_numbers<[0], [0], [1], [1], [0, 1, 1, 1], [], []>, transpose_lhs_hint = false} : vector<128x1024xbf16>, vector<128x16xbf16>, vector<1024x16xf32> -> vector<1024x16xf32>
    %slice3A_315 = vector.extract_strided_slice %add3A_32 {offsets = [0, 96], sizes = [128, 16], strides = [1, 1]} : vector<128x128xf32> to vector<128x16xf32>
    %slice3A_316 = vector.extract_strided_slice %add3A_52 {offsets = [0, 96], sizes = [1024, 16], strides = [1, 1]} : vector<1024x128xf32> to vector<1024x16xf32>
    %slice3A_317 = vector.extract_strided_slice %add3A_64 {offsets = [0, 96], sizes = [1024, 16], strides = [1, 1]} : vector<1024x128xf32> to vector<1024x16xf32>
    %convert_element_type3A_318 = arith.truncf %slice3A_315 : vector<128x16xf32> to vector<128x16xbf16>
    %convert_element_type3A_319 = arith.truncf %slice3A_316 : vector<1024x16xf32> to vector<1024x16xbf16>
    %dot_general3A_320 = arith.constant dense<0.000000e+00> : vector<128x1024xf32>
    %dot_general3A_321 = tpu.matmul %convert_element_type3A_318, %convert_element_type3A_319, %dot_general3A_320 {dimension_numbers = #tpu.dot_dimension_numbers<[1], [1], [0], [0], [0, 0, 1, 0], [], []>, transpose_lhs_hint = false} : vector<128x16xbf16>, vector<1024x16xbf16>, vector<128x1024xf32> -> vector<128x1024xf32>
    %mul3A_322 = arith.constant 2.500000e-01 : f32
    %mul3A_323 = vector.broadcast %mul3A_322 : f32 to vector<128x1024xf32>
    %mul3A_324 = arith.mulf %dot_general3A_321, %mul3A_323 : vector<128x1024xf32>
    %reduce_max3A_325 = arith.constant dense<0xFF800000> : vector<128xf32>
    %reduce_max3A_326 = vector.multi_reduction <maximumf>, %mul3A_324, %reduce_max3A_325 [1] : vector<128x1024xf32> to vector<128xf32>
    %broadcast_in_dim3A_327 = vector.shape_cast %reduce_max3A_326 : vector<128xf32> to vector<128x1xf32>
    %sub3A_328 = vector.broadcast %broadcast_in_dim3A_327 : vector<128x1xf32> to vector<128x1024xf32>
    %sub3A_329 = arith.subf %mul3A_324, %sub3A_328 : vector<128x1024xf32>
    %exp3A_330 = math.exp %sub3A_329 : vector<128x1024xf32>
    %reduce_sum3A_331 = arith.constant dense<0.000000e+00> : vector<128xf32>
    %reduce_sum3A_332 = vector.multi_reduction <add>, %exp3A_330, %reduce_sum3A_331 [1] : vector<128x1024xf32> to vector<128xf32>
    %broadcast_in_dim3A_333 = vector.shape_cast %reduce_sum3A_332 : vector<128xf32> to vector<128x1xf32>
    %div3A_334 = vector.broadcast %broadcast_in_dim3A_333 : vector<128x1xf32> to vector<128x1024xf32>
    %div3A_335 = arith.divf %exp3A_330, %div3A_334 : vector<128x1024xf32>
    %convert_element_type3A_336 = arith.truncf %div3A_335 : vector<128x1024xf32> to vector<128x1024xbf16>
    %convert_element_type3A_337 = arith.truncf %slice3A_317 : vector<1024x16xf32> to vector<1024x16xbf16>
    %dot_general3A_338 = arith.constant dense<0.000000e+00> : vector<128x16xf32>
    %dot_general3A_339 = tpu.matmul %convert_element_type3A_336, %convert_element_type3A_337, %dot_general3A_338 {dimension_numbers = #tpu.dot_dimension_numbers<[1], [0], [0], [1], [0, 0, 1, 1], [], []>, transpose_lhs_hint = false} : vector<128x1024xbf16>, vector<1024x16xbf16>, vector<128x16xf32> -> vector<128x16xf32>
    %broadcast_in_dim3A_340 = vector.shape_cast %get3A_23 : vector<128xf32> to vector<128x1xf32>
    %add3A_341 = vector.broadcast %broadcast_in_dim3A_340 : vector<128x1xf32> to vector<128x1024xf32>
    %add3A_342 = arith.addf %mul3A_324, %add3A_341 : vector<128x1024xf32>
    %reduce_max3A_343 = arith.constant dense<0xFF800000> : vector<1024xf32>
    %reduce_max3A_344 = vector.multi_reduction <maximumf>, %add3A_342, %reduce_max3A_343 [0] : vector<128x1024xf32> to vector<1024xf32>
    %broadcast_in_dim3A_345 = vector.shape_cast %reduce_max3A_344 : vector<1024xf32> to vector<1x1024xf32>
    %sub3A_346 = vector.broadcast %broadcast_in_dim3A_345 : vector<1x1024xf32> to vector<128x1024xf32>
    %sub3A_347 = arith.subf %add3A_342, %sub3A_346 : vector<128x1024xf32>
    %exp3A_348 = math.exp %sub3A_347 : vector<128x1024xf32>
    %reduce_sum3A_349 = arith.constant dense<0.000000e+00> : vector<1024xf32>
    %reduce_sum3A_350 = vector.multi_reduction <add>, %exp3A_348, %reduce_sum3A_349 [0] : vector<128x1024xf32> to vector<1024xf32>
    %broadcast_in_dim3A_351 = vector.shape_cast %reduce_sum3A_350 : vector<1024xf32> to vector<1x1024xf32>
    %div3A_352 = vector.broadcast %broadcast_in_dim3A_351 : vector<1x1024xf32> to vector<128x1024xf32>
    %div3A_353 = arith.divf %exp3A_348, %div3A_352 : vector<128x1024xf32>
    %convert_element_type3A_354 = arith.truncf %div3A_353 : vector<128x1024xf32> to vector<128x1024xbf16>
    %convert_element_type3A_355 = arith.truncf %slice3A_315 : vector<128x16xf32> to vector<128x16xbf16>
    %dot_general3A_356 = arith.constant dense<0.000000e+00> : vector<1024x16xf32>
    %dot_general3A_357 = tpu.matmul %convert_element_type3A_354, %convert_element_type3A_355, %dot_general3A_356 {dimension_numbers = #tpu.dot_dimension_numbers<[0], [0], [1], [1], [0, 1, 1, 1], [], []>, transpose_lhs_hint = false} : vector<128x1024xbf16>, vector<128x16xbf16>, vector<1024x16xf32> -> vector<1024x16xf32>
    %slice3A_358 = vector.extract_strided_slice %add3A_32 {offsets = [0, 112], sizes = [128, 16], strides = [1, 1]} : vector<128x128xf32> to vector<128x16xf32>
    %slice3A_359 = vector.extract_strided_slice %add3A_52 {offsets = [0, 112], sizes = [1024, 16], strides = [1, 1]} : vector<1024x128xf32> to vector<1024x16xf32>
    %slice3A_360 = vector.extract_strided_slice %add3A_64 {offsets = [0, 112], sizes = [1024, 16], strides = [1, 1]} : vector<1024x128xf32> to vector<1024x16xf32>
    %convert_element_type3A_361 = arith.truncf %slice3A_358 : vector<128x16xf32> to vector<128x16xbf16>
    %convert_element_type3A_362 = arith.truncf %slice3A_359 : vector<1024x16xf32> to vector<1024x16xbf16>
    %dot_general3A_363 = arith.constant dense<0.000000e+00> : vector<128x1024xf32>
    %dot_general3A_364 = tpu.matmul %convert_element_type3A_361, %convert_element_type3A_362, %dot_general3A_363 {dimension_numbers = #tpu.dot_dimension_numbers<[1], [1], [0], [0], [0, 0, 1, 0], [], []>, transpose_lhs_hint = false} : vector<128x16xbf16>, vector<1024x16xbf16>, vector<128x1024xf32> -> vector<128x1024xf32>
    %mul3A_365 = arith.constant 2.500000e-01 : f32
    %mul3A_366 = vector.broadcast %mul3A_365 : f32 to vector<128x1024xf32>
    %mul3A_367 = arith.mulf %dot_general3A_364, %mul3A_366 : vector<128x1024xf32>
    %reduce_max3A_368 = arith.constant dense<0xFF800000> : vector<128xf32>
    %reduce_max3A_369 = vector.multi_reduction <maximumf>, %mul3A_367, %reduce_max3A_368 [1] : vector<128x1024xf32> to vector<128xf32>
    %broadcast_in_dim3A_370 = vector.shape_cast %reduce_max3A_369 : vector<128xf32> to vector<128x1xf32>
    %sub3A_371 = vector.broadcast %broadcast_in_dim3A_370 : vector<128x1xf32> to vector<128x1024xf32>
    %sub3A_372 = arith.subf %mul3A_367, %sub3A_371 : vector<128x1024xf32>
    %exp3A_373 = math.exp %sub3A_372 : vector<128x1024xf32>
    %reduce_sum3A_374 = arith.constant dense<0.000000e+00> : vector<128xf32>
    %reduce_sum3A_375 = vector.multi_reduction <add>, %exp3A_373, %reduce_sum3A_374 [1] : vector<128x1024xf32> to vector<128xf32>
    %broadcast_in_dim3A_376 = vector.shape_cast %reduce_sum3A_375 : vector<128xf32> to vector<128x1xf32>
    %div3A_377 = vector.broadcast %broadcast_in_dim3A_376 : vector<128x1xf32> to vector<128x1024xf32>
    %div3A_378 = arith.divf %exp3A_373, %div3A_377 : vector<128x1024xf32>
    %convert_element_type3A_379 = arith.truncf %div3A_378 : vector<128x1024xf32> to vector<128x1024xbf16>
    %convert_element_type3A_380 = arith.truncf %slice3A_360 : vector<1024x16xf32> to vector<1024x16xbf16>
    %dot_general3A_381 = arith.constant dense<0.000000e+00> : vector<128x16xf32>
    %dot_general3A_382 = tpu.matmul %convert_element_type3A_379, %convert_element_type3A_380, %dot_general3A_381 {dimension_numbers = #tpu.dot_dimension_numbers<[1], [0], [0], [1], [0, 0, 1, 1], [], []>, transpose_lhs_hint = false} : vector<128x1024xbf16>, vector<1024x16xbf16>, vector<128x16xf32> -> vector<128x16xf32>
    %broadcast_in_dim3A_383 = vector.shape_cast %get3A_23 : vector<128xf32> to vector<128x1xf32>
    %add3A_384 = vector.broadcast %broadcast_in_dim3A_383 : vector<128x1xf32> to vector<128x1024xf32>
    %add3A_385 = arith.addf %mul3A_367, %add3A_384 : vector<128x1024xf32>
    %reduce_max3A_386 = arith.constant dense<0xFF800000> : vector<1024xf32>
    %reduce_max3A_387 = vector.multi_reduction <maximumf>, %add3A_385, %reduce_max3A_386 [0] : vector<128x1024xf32> to vector<1024xf32>
    %broadcast_in_dim3A_388 = vector.shape_cast %reduce_max3A_387 : vector<1024xf32> to vector<1x1024xf32>
    %sub3A_389 = vector.broadcast %broadcast_in_dim3A_388 : vector<1x1024xf32> to vector<128x1024xf32>
    %sub3A_390 = arith.subf %add3A_385, %sub3A_389 : vector<128x1024xf32>
    %exp3A_391 = math.exp %sub3A_390 : vector<128x1024xf32>
    %reduce_sum3A_392 = arith.constant dense<0.000000e+00> : vector<1024xf32>
    %reduce_sum3A_393 = vector.multi_reduction <add>, %exp3A_391, %reduce_sum3A_392 [0] : vector<128x1024xf32> to vector<1024xf32>
    %broadcast_in_dim3A_394 = vector.shape_cast %reduce_sum3A_393 : vector<1024xf32> to vector<1x1024xf32>
    %div3A_395 = vector.broadcast %broadcast_in_dim3A_394 : vector<1x1024xf32> to vector<128x1024xf32>
    %div3A_396 = arith.divf %exp3A_391, %div3A_395 : vector<128x1024xf32>
    %convert_element_type3A_397 = arith.truncf %div3A_396 : vector<128x1024xf32> to vector<128x1024xbf16>
    %convert_element_type3A_398 = arith.truncf %slice3A_358 : vector<128x16xf32> to vector<128x16xbf16>
    %dot_general3A_399 = arith.constant dense<0.000000e+00> : vector<1024x16xf32>
    %dot_general3A_400 = tpu.matmul %convert_element_type3A_397, %convert_element_type3A_398, %dot_general3A_399 {dimension_numbers = #tpu.dot_dimension_numbers<[0], [0], [1], [1], [0, 1, 1, 1], [], []>, transpose_lhs_hint = false} : vector<128x1024xbf16>, vector<128x16xbf16>, vector<1024x16xf32> -> vector<1024x16xf32>
    %concatenate3A = tpu.concatenate %dot_general3A_81, %dot_general3A_124, %dot_general3A_167, %dot_general3A_210, %dot_general3A_253, %dot_general3A_296, %dot_general3A_339, %dot_general3A_382 in 1 : vector<128x16xf32>, vector<128x16xf32>, vector<128x16xf32>, vector<128x16xf32>, vector<128x16xf32>, vector<128x16xf32>, vector<128x16xf32>, vector<128x16xf32> -> vector<128x128xf32>
    %concatenate3A_401 = tpu.concatenate %dot_general3A_99, %dot_general3A_142, %dot_general3A_185, %dot_general3A_228, %dot_general3A_271, %dot_general3A_314, %dot_general3A_357, %dot_general3A_400 in 1 : vector<1024x16xf32>, vector<1024x16xf32>, vector<1024x16xf32>, vector<1024x16xf32>, vector<1024x16xf32>, vector<1024x16xf32>, vector<1024x16xf32>, vector<1024x16xf32> -> vector<1024x128xf32>
    %get3A_402 = arith.constant 0 : index
    %get3A_403 = arith.constant 0 : index
    %get3A_404 = vector.load %arg13[%get3A_402, %get3A_403] : memref<128x128xf32, #tpu.memory_space<vmem>>, vector<128x128xf32>
    %convert_element_type3A_405 = arith.truncf %concatenate3A : vector<128x128xf32> to vector<128x128xbf16>
    %convert_element_type3A_406 = arith.truncf %get3A_404 : vector<128x128xf32> to vector<128x128xbf16>
    %dot_general3A_407 = arith.constant dense<0.000000e+00> : vector<128x128xf32>
    %dot_general3A_408 = tpu.matmul %convert_element_type3A_405, %convert_element_type3A_406, %dot_general3A_407 {dimension_numbers = #tpu.dot_dimension_numbers<[1], [0], [0], [1], [0, 0, 1, 1], [], []>, transpose_lhs_hint = false} : vector<128x128xbf16>, vector<128x128xbf16>, vector<128x128xf32> -> vector<128x128xf32>
    %get3A_409 = arith.constant 0 : index
    %get3A_410 = arith.constant 0 : index
    %get3A_411 = vector.load %arg14[%get3A_409, %get3A_410] : memref<1x128xf32, #tpu.memory_space<vmem>>, vector<1x128xf32>
    %add3A_412 = vector.broadcast %get3A_411 : vector<1x128xf32> to vector<128x128xf32>
    %add3A_413 = arith.addf %dot_general3A_408, %add3A_412 : vector<128x128xf32>
    %add3A_414 = arith.addf %add3A_413, %get3A_3 : vector<128x128xf32>
    %get3A_415 = arith.constant 0 : index
    %get3A_416 = arith.constant 0 : index
    %get3A_417 = vector.load %arg15[%get3A_415, %get3A_416] : memref<1x128xf32, #tpu.memory_space<vmem>>, vector<1x128xf32>
    %get3A_418 = arith.constant 0 : index
    %get3A_419 = arith.constant 0 : index
    %get3A_420 = vector.load %arg16[%get3A_418, %get3A_419] : memref<1x128xf32, #tpu.memory_space<vmem>>, vector<1x128xf32>
    %reduce_sum3A_421 = arith.constant dense<0.000000e+00> : vector<128xf32>
    %reduce_sum3A_422 = vector.multi_reduction <add>, %add3A_414, %reduce_sum3A_421 [1] : vector<128x128xf32> to vector<128xf32>
    %broadcast_in_dim3A_423 = vector.shape_cast %reduce_sum3A_422 : vector<128xf32> to vector<128x1xf32>
    %div3A_424 = arith.constant 1.280000e+02 : f32
    %div3A_425 = vector.broadcast %div3A_424 : f32 to vector<128x1xf32>
    %div3A_426 = arith.divf %broadcast_in_dim3A_423, %div3A_425 : vector<128x1xf32>
    %sub3A_427 = vector.broadcast %div3A_426 : vector<128x1xf32> to vector<128x128xf32>
    %sub3A_428 = arith.subf %add3A_414, %sub3A_427 : vector<128x128xf32>
    %integer_pow3A = arith.mulf %sub3A_428, %sub3A_428 : vector<128x128xf32>
    %reduce_sum3A_429 = arith.constant dense<0.000000e+00> : vector<128xf32>
    %reduce_sum3A_430 = vector.multi_reduction <add>, %integer_pow3A, %reduce_sum3A_429 [1] : vector<128x128xf32> to vector<128xf32>
    %broadcast_in_dim3A_431 = vector.shape_cast %reduce_sum3A_430 : vector<128xf32> to vector<128x1xf32>
    %div3A_432 = arith.constant 1.280000e+02 : f32
    %div3A_433 = vector.broadcast %div3A_432 : f32 to vector<128x1xf32>
    %div3A_434 = arith.divf %broadcast_in_dim3A_431, %div3A_433 : vector<128x1xf32>
    %sub3A_435 = vector.broadcast %div3A_426 : vector<128x1xf32> to vector<128x128xf32>
    %sub3A_436 = arith.subf %add3A_414, %sub3A_435 : vector<128x128xf32>
    %add3A_437 = arith.constant 9.99999996E-13 : f32
    %add3A_438 = vector.broadcast %add3A_437 : f32 to vector<128x1xf32>
    %add3A_439 = arith.addf %div3A_434, %add3A_438 : vector<128x1xf32>
    %sqrt3A = math.sqrt %add3A_439 : vector<128x1xf32>
    %div3A_440 = vector.broadcast %sqrt3A : vector<128x1xf32> to vector<128x128xf32>
    %div3A_441 = arith.divf %sub3A_436, %div3A_440 : vector<128x128xf32>
    %mul3A_442 = vector.broadcast %get3A_417 : vector<1x128xf32> to vector<128x128xf32>
    %mul3A_443 = arith.mulf %div3A_441, %mul3A_442 : vector<128x128xf32>
    %add3A_444 = vector.broadcast %get3A_420 : vector<1x128xf32> to vector<128x128xf32>
    %add3A_445 = arith.addf %mul3A_443, %add3A_444 : vector<128x128xf32>
    %swap3A = arith.constant 0 : index
    %swap3A_446 = arith.constant 0 : index
    %swap3A_447 = arith.constant 0 : index
    %swap3A_448 = vector.load %arg23[%swap3A, %swap3A_446, %swap3A_447] : memref<1x128x128xf32, #tpu.memory_space<vmem>>, vector<1x128x128xf32>
    %swap3A_449 = vector.shape_cast %swap3A_448 : vector<1x128x128xf32> to vector<128x128xf32>
    %swap3A_450 = vector.shape_cast %add3A_445 : vector<128x128xf32> to vector<1x128x128xf32>
    tpu.vector_store %arg23[%swap3A, %swap3A_446, %swap3A_447], %swap3A_450 {strides = array<i32>} : memref<1x128x128xf32, #tpu.memory_space<vmem>>, vector<1x128x128xf32>,
    %get3A_451 = arith.constant 0 : index
    %get3A_452 = arith.constant 0 : index
    %get3A_453 = vector.load %arg17[%get3A_451, %get3A_452] : memref<128x128xf32, #tpu.memory_space<vmem>>, vector<128x128xf32>
    %convert_element_type3A_454 = arith.truncf %concatenate3A_401 : vector<1024x128xf32> to vector<1024x128xbf16>
    %convert_element_type3A_455 = arith.truncf %get3A_453 : vector<128x128xf32> to vector<128x128xbf16>
    %dot_general3A_456 = arith.constant dense<0.000000e+00> : vector<1024x128xf32>
    %dot_general3A_457 = tpu.matmul %convert_element_type3A_454, %convert_element_type3A_455, %dot_general3A_456 {dimension_numbers = #tpu.dot_dimension_numbers<[1], [0], [0], [1], [0, 0, 1, 1], [], []>, transpose_lhs_hint = false} : vector<1024x128xbf16>, vector<128x128xbf16>, vector<1024x128xf32> -> vector<1024x128xf32>
    %get3A_458 = arith.constant 0 : index
    %get3A_459 = arith.constant 0 : index
    %get3A_460 = vector.load %arg18[%get3A_458, %get3A_459] : memref<1x128xf32, #tpu.memory_space<vmem>>, vector<1x128xf32>
    %add3A_461 = vector.broadcast %get3A_460 : vector<1x128xf32> to vector<1024x128xf32>
    %add3A_462 = arith.addf %dot_general3A_457, %add3A_461 : vector<1024x128xf32>
    %get3A_463 = arith.constant 0 : index
    %get3A_464 = arith.constant 0 : index
    %get3A_465 = vector.load %arg19[%get3A_463, %get3A_464] : memref<128x128xf32, #tpu.memory_space<vmem>>, vector<128x128xf32>
    %convert_element_type3A_466 = arith.truncf %get3A_18 : vector<1024x128xf32> to vector<1024x128xbf16>
    %convert_element_type3A_467 = arith.truncf %get3A_465 : vector<128x128xf32> to vector<128x128xbf16>
    %dot_general3A_468 = arith.constant dense<0.000000e+00> : vector<1024x128xf32>
    %dot_general3A_469 = tpu.matmul %convert_element_type3A_466, %convert_element_type3A_467, %dot_general3A_468 {dimension_numbers = #tpu.dot_dimension_numbers<[1], [0], [0], [1], [0, 0, 1, 1], [], []>, transpose_lhs_hint = false} : vector<1024x128xbf16>, vector<128x128xbf16>, vector<1024x128xf32> -> vector<1024x128xf32>
    %add3A_470 = arith.addf %add3A_462, %dot_general3A_469 : vector<1024x128xf32>
    %get3A_471 = arith.constant 0 : index
    %get3A_472 = arith.constant 0 : index
    %get3A_473 = vector.load %arg20[%get3A_471, %get3A_472] : memref<1x128xf32, #tpu.memory_space<vmem>>, vector<1x128xf32>
    %add3A_474 = vector.broadcast %get3A_473 : vector<1x128xf32> to vector<1024x128xf32>
    %add3A_475 = arith.addf %add3A_470, %add3A_474 : vector<1024x128xf32>
    %logistic3A = arith.negf %add3A_475 : vector<1024x128xf32>
    %logistic3A_476 = math.exp %logistic3A : vector<1024x128xf32>
    %logistic3A_477 = arith.constant 1.000000e+00 : f32
    %logistic3A_478 = vector.broadcast %logistic3A_477 : f32 to vector<1024x128xf32>
    %logistic3A_479 = arith.addf %logistic3A_478, %logistic3A_476 : vector<1024x128xf32>
    %logistic3A_480 = arith.divf %logistic3A_478, %logistic3A_479 : vector<1024x128xf32>
    %mul3A_481 = arith.mulf %logistic3A_480, %concatenate3A_401 : vector<1024x128xf32>
    %sub3A_482 = arith.constant 1.000000e+00 : f32
    %sub3A_483 = vector.broadcast %sub3A_482 : f32 to vector<1024x128xf32>
    %sub3A_484 = arith.subf %sub3A_483, %logistic3A_480 : vector<1024x128xf32>
    %mul3A_485 = arith.mulf %sub3A_484, %get3A_18 : vector<1024x128xf32>
    %add3A_486 = arith.addf %mul3A_481, %mul3A_485 : vector<1024x128xf32>
    %get3A_487 = arith.constant 0 : index
    %get3A_488 = arith.constant 0 : index
    %get3A_489 = vector.load %arg21[%get3A_487, %get3A_488] : memref<1x128xf32, #tpu.memory_space<vmem>>, vector<1x128xf32>
    %get3A_490 = arith.constant 0 : index
    %get3A_491 = arith.constant 0 : index
    %get3A_492 = vector.load %arg22[%get3A_490, %get3A_491] : memref<1x128xf32, #tpu.memory_space<vmem>>, vector<1x128xf32>
    %reduce_sum3A_493 = arith.constant dense<0.000000e+00> : vector<1024xf32>
    %reduce_sum3A_494 = vector.multi_reduction <add>, %add3A_486, %reduce_sum3A_493 [1] : vector<1024x128xf32> to vector<1024xf32>
    %broadcast_in_dim3A_495 = vector.shape_cast %reduce_sum3A_494 : vector<1024xf32> to vector<1024x1xf32>
    %div3A_496 = arith.constant 1.280000e+02 : f32
    %div3A_497 = vector.broadcast %div3A_496 : f32 to vector<1024x1xf32>
    %div3A_498 = arith.divf %broadcast_in_dim3A_495, %div3A_497 : vector<1024x1xf32>
    %sub3A_499 = vector.broadcast %div3A_498 : vector<1024x1xf32> to vector<1024x128xf32>
    %sub3A_500 = arith.subf %add3A_486, %sub3A_499 : vector<1024x128xf32>
    %integer_pow3A_501 = arith.mulf %sub3A_500, %sub3A_500 : vector<1024x128xf32>
    %reduce_sum3A_502 = arith.constant dense<0.000000e+00> : vector<1024xf32>
    %reduce_sum3A_503 = vector.multi_reduction <add>, %integer_pow3A_501, %reduce_sum3A_502 [1] : vector<1024x128xf32> to vector<1024xf32>
    %broadcast_in_dim3A_504 = vector.shape_cast %reduce_sum3A_503 : vector<1024xf32> to vector<1024x1xf32>
    %div3A_505 = arith.constant 1.280000e+02 : f32
    %div3A_506 = vector.broadcast %div3A_505 : f32 to vector<1024x1xf32>
    %div3A_507 = arith.divf %broadcast_in_dim3A_504, %div3A_506 : vector<1024x1xf32>
    %sub3A_508 = vector.broadcast %div3A_498 : vector<1024x1xf32> to vector<1024x128xf32>
    %sub3A_509 = arith.subf %add3A_486, %sub3A_508 : vector<1024x128xf32>
    %add3A_510 = arith.constant 9.99999996E-13 : f32
    %add3A_511 = vector.broadcast %add3A_510 : f32 to vector<1024x1xf32>
    %add3A_512 = arith.addf %div3A_507, %add3A_511 : vector<1024x1xf32>
    %sqrt3A_513 = math.sqrt %add3A_512 : vector<1024x1xf32>
    %div3A_514 = vector.broadcast %sqrt3A_513 : vector<1024x1xf32> to vector<1024x128xf32>
    %div3A_515 = arith.divf %sub3A_509, %div3A_514 : vector<1024x128xf32>
    %mul3A_516 = vector.broadcast %get3A_489 : vector<1x128xf32> to vector<1024x128xf32>
    %mul3A_517 = arith.mulf %div3A_515, %mul3A_516 : vector<1024x128xf32>
    %add3A_518 = vector.broadcast %get3A_492 : vector<1x128xf32> to vector<1024x128xf32>
    %add3A_519 = arith.addf %mul3A_517, %add3A_518 : vector<1024x128xf32>
    %swap3A_520 = arith.constant 0 : index
    %swap3A_521 = arith.constant 0 : index
    %swap3A_522 = arith.constant 0 : index
    %swap3A_523 = vector.load %arg24[%swap3A_520, %swap3A_521, %swap3A_522] : memref<1x1024x128xf32, #tpu.memory_space<vmem>>, vector<1x1024x128xf32>
    %swap3A_524 = vector.shape_cast %swap3A_523 : vector<1x1024x128xf32> to vector<1024x128xf32>
    %swap3A_525 = vector.shape_cast %add3A_519 : vector<1024x128xf32> to vector<1x1024x128xf32>
    tpu.vector_store %arg24[%swap3A_520, %swap3A_521, %swap3A_522], %swap3A_525 {strides = array<i32>} : memref<1x1024x128xf32, #tpu.memory_space<vmem>>, vector<1x1024x128xf32>,
    return
  }
  func.func @transform_0(%arg0: i32) -> (i32, i32, i32) {
    %c0_i32 = arith.constant 0 : i32
    %c0_i32_0 = arith.constant 0 : i32
    %c0_i32_1 = arith.constant 0 : i32
    return %arg0, %c0_i32, %c0_i32_0 : i32, i32, i32
  }
  func.func @transform_1(%arg0: i32) -> (i32, i32, i32) {
    %c0_i32 = arith.constant 0 : i32
    %c0_i32_0 = arith.constant 0 : i32
    %c0_i32_1 = arith.constant 0 : i32
    return %arg0, %c0_i32, %c0_i32_0 : i32, i32, i32
  }
  func.func @transform_2(%arg0: i32) -> (i32, i32, i32) {
    %c0_i32 = arith.constant 0 : i32
    %c0_i32_0 = arith.constant 0 : i32
    %c0_i32_1 = arith.constant 0 : i32
    return %arg0, %c0_i32, %c0_i32_0 : i32, i32, i32
  }
  func.func @transform_3(%arg0: i32) -> (i32, i32, i32) {
    %c0_i32 = arith.constant 0 : i32
    %c0_i32_0 = arith.constant 0 : i32
    %c0_i32_1 = arith.constant 0 : i32
    return %arg0, %c0_i32, %c0_i32_0 : i32, i32, i32
  }
  func.func @transform_4(%arg0: i32) -> (i32, i32, i32) {
    %c0_i32 = arith.constant 0 : i32
    %c0_i32_0 = arith.constant 0 : i32
    %c0_i32_1 = arith.constant 0 : i32
    return %arg0, %c0_i32, %c0_i32_0 : i32, i32, i32
  }
  func.func @transform_5(%arg0: i32) -> (i32, i32) {
    %c0_i32 = arith.constant 0 : i32
    %c0_i32_0 = arith.constant 0 : i32
    %c0_i32_1 = arith.constant 0 : i32
    return %c0_i32, %c0_i32_0 : i32, i32
  }
  func.func @transform_6(%arg0: i32) -> (i32, i32) {
    %c0_i32 = arith.constant 0 : i32
    %c0_i32_0 = arith.constant 0 : i32
    %c0_i32_1 = arith.constant 0 : i32
    return %c0_i32, %c0_i32_0 : i32, i32
  }
  func.func @transform_7(%arg0: i32) -> (i32, i32) {
    %c0_i32 = arith.constant 0 : i32
    %c0_i32_0 = arith.constant 0 : i32
    %c0_i32_1 = arith.constant 0 : i32
    return %c0_i32, %c0_i32_0 : i32, i32
  }
  func.func @transform_8(%arg0: i32) -> (i32, i32) {
    %c0_i32 = arith.constant 0 : i32
    %c0_i32_0 = arith.constant 0 : i32
    %c0_i32_1 = arith.constant 0 : i32
    return %c0_i32, %c0_i32_0 : i32, i32
  }
  func.func @transform_9(%arg0: i32) -> (i32, i32) {
    %c0_i32 = arith.constant 0 : i32
    %c0_i32_0 = arith.constant 0 : i32
    %c0_i32_1 = arith.constant 0 : i32
    return %c0_i32, %c0_i32_0 : i32, i32
  }
  func.func @transform_10(%arg0: i32) -> (i32, i32) {
    %c0_i32 = arith.constant 0 : i32
    %c0_i32_0 = arith.constant 0 : i32
    %c0_i32_1 = arith.constant 0 : i32
    return %c0_i32, %c0_i32_0 : i32, i32
  }
  func.func @transform_11(%arg0: i32) -> (i32, i32) {
    %c0_i32 = arith.constant 0 : i32
    %c0_i32_0 = arith.constant 0 : i32
    %c0_i32_1 = arith.constant 0 : i32
    return %c0_i32, %c0_i32_0 : i32, i32
  }
  func.func @transform_12(%arg0: i32) -> (i32, i32) {
    %c0_i32 = arith.constant 0 : i32
    %c0_i32_0 = arith.constant 0 : i32
    %c0_i32_1 = arith.constant 0 : i32
    return %c0_i32, %c0_i32_0 : i32, i32
  }
  func.func @transform_13(%arg0: i32) -> (i32, i32) {
    %c0_i32 = arith.constant 0 : i32
    %c0_i32_0 = arith.constant 0 : i32
    %c0_i32_1 = arith.constant 0 : i32
    return %c0_i32, %c0_i32_0 : i32, i32
  }
  func.func @transform_14(%arg0: i32) -> (i32, i32) {
    %c0_i32 = arith.constant 0 : i32
    %c0_i32_0 = arith.constant 0 : i32
    %c0_i32_1 = arith.constant 0 : i32
    return %c0_i32, %c0_i32_0 : i32, i32
  }
  func.func @transform_15(%arg0: i32) -> (i32, i32) {
    %c0_i32 = arith.constant 0 : i32
    %c0_i32_0 = arith.constant 0 : i32
    %c0_i32_1 = arith.constant 0 : i32
    return %c0_i32, %c0_i32_0 : i32, i32
  }
  func.func @transform_16(%arg0: i32) -> (i32, i32) {
    %c0_i32 = arith.constant 0 : i32
    %c0_i32_0 = arith.constant 0 : i32
    %c0_i32_1 = arith.constant 0 : i32
    return %c0_i32, %c0_i32_0 : i32, i32
  }
  func.func @transform_17(%arg0: i32) -> (i32, i32) {
    %c0_i32 = arith.constant 0 : i32
    %c0_i32_0 = arith.constant 0 : i32
    %c0_i32_1 = arith.constant 0 : i32
    return %c0_i32, %c0_i32_0 : i32, i32
  }
  func.func @transform_18(%arg0: i32) -> (i32, i32) {
    %c0_i32 = arith.constant 0 : i32
    %c0_i32_0 = arith.constant 0 : i32
    %c0_i32_1 = arith.constant 0 : i32
    return %c0_i32, %c0_i32_0 : i32, i32
  }
  func.func @transform_19(%arg0: i32) -> (i32, i32) {
    %c0_i32 = arith.constant 0 : i32
    %c0_i32_0 = arith.constant 0 : i32
    %c0_i32_1 = arith.constant 0 : i32
    return %c0_i32, %c0_i32_0 : i32, i32
  }
  func.func @transform_20(%arg0: i32) -> (i32, i32) {
    %c0_i32 = arith.constant 0 : i32
    %c0_i32_0 = arith.constant 0 : i32
    %c0_i32_1 = arith.constant 0 : i32
    return %c0_i32, %c0_i32_0 : i32, i32
  }
  func.func @transform_21(%arg0: i32) -> (i32, i32) {
    %c0_i32 = arith.constant 0 : i32
    %c0_i32_0 = arith.constant 0 : i32
    %c0_i32_1 = arith.constant 0 : i32
    return %c0_i32, %c0_i32_0 : i32, i32
  }
  func.func @transform_22(%arg0: i32) -> (i32, i32, i32) {
    %c0_i32 = arith.constant 0 : i32
    %c0_i32_0 = arith.constant 0 : i32
    %c0_i32_1 = arith.constant 0 : i32
    return %arg0, %c0_i32, %c0_i32_0 : i32, i32, i32
  }
  func.func @transform_23(%arg0: i32) -> (i32, i32, i32) {
    %c0_i32 = arith.constant 0 : i32
    %c0_i32_0 = arith.constant 0 : i32
    %c0_i32_1 = arith.constant 0 : i32
    return %arg0, %c0_i32, %c0_i32_0 : i32, i32, i32
  }
}

</mosaic_0001>

<sc_bundles>
// kernel: kernel.5.cloned.1.call-start
scs
__scs_entry_jumppad:
0x0: {  	(pc) =	sbr.rel $0x88, $3  }
0x1: {  	(tag) =	ssettag $0x0;
	lr =	simm.s32 $0x1  }
0x2: {  	[smem:$0x3F8B] =	sst lr;
	_ =	strace $0xD0000000  }
0x3: {  	_ = 	snop  }
0x4: {  	_ = 	snop  }
0x5: {  	_ = 	snop  }
0x6: {  	_ = 	snop  }
0x7: {  	_ = 	snop  }
__scs_overlays_trampoline_lowered:
0x8: {  	[smem:$0x3F9A] =	sst s0  }
0x9: {  	[smem:$0x3F9B] =	sst s1  }
0xa: {  	[smem:$0x3F9C] =	sst s2  }
0xb: {  	[smem:$0x3F9D] =	sst s3  }
0xc: {  	[smem:$0x3F9E] =	sst s4  }
0xd: {  	[smem:$0x3F9F] =	sst s5  }
0xe: {  	[smem:$0x3FA0] =	sst s6  }
0xf: {  	[smem:$0x3FA1] =	sst s7  }
0x10: {  	[smem:$0x3FA2] =	sst s8  }
0x11: {  	[smem:$0x3FA3] =	sst s9;
	s0 =	simm.s32 @!p0 $0x0  }
0x12: {  	s1 =	sld [smem:$0x3F89];
	s0 =	simm.s32 @p0 $0x1  }
0x13: {  	[smem:$0x3FA4] =	sst s0;
	s0 =	simm.s32 @!p1 $0x0  }
0x14: {  	s2 =	sld [smem:$0x3F88];
	s0 =	simm.s32 @p1 $0x1  }
0x15: {  	[smem:$0x3FA5] =	sst s0;
	s0 =	simm.s32 @!p2 $0x0  }
0x16: {  	s3 =	sld [smem:$0x3FDB];
	s0 =	simm.s32 @p2 $0x1  }
0x17: {  	s4 =	simm.s32 $0x1BF5;
	[smem:$0x3FA7] =	sst s0  }
0x18: {  	s0 =	sld [smem:$0x3F8A];
	_ =	swait.ge [sflag:s4], $0x0  }
0x19: {  	s7 =	sld [smem:$0x3F8B]  }
0x1a: {  	s8 =	sadd.s32 $0xFFFFE003, lr  }
0x1b: {  	s9 =	sadd.s32 $0xFFFFFEF7, lr;
	s5 =	simm.s32 $0xFFFFFFFF;
	p2 =	slt.u32 s8, $0xFFFFF086  }
0x1c: {  	p1 =	slt.u32 s9, $0xF7A;
	s5 =	simm.s32 @!p2 $0x0  }
0x1d: {  	s5 =	simm.s32 @p1 $0x1;
	p0 =	seq.s32 s7, s2  }
0x1e: {  	s7 =	smul.u32 @!p0 $0xF7A, s2;
	p2 =	seq.s32 @!p0 s5, $0x0  }
0x1f: {  	s9 =	smul.u32 $0xF7A, s1;
	s8 =	simm.s32 @!p0 $0x1BF5;
	p2 =	por !p2, p0  }
0x20: {  	[sflag:s8] =	ssyncset.s32 @!p0 $0xFFFFF086;
	s6 =	sadd.s32 @!p0 s3, s7;
	s7 =	simm.s32 @!p0 $0x108  }
0x21: {  	s3 =	sadd.s32 s3, s9;
	s6 =	sadd.s32 @!p0 $0x88, s6;
	s7 =	simm.s32 @p2 $0x1082  }
0x22: {  	[simem:s7], [sflag:s8] =	dma.local @!p0 [hbm:s6], $0xF7A  }
0x23: {  	s9 =	sor.u32 $0xD0000000, s2;
	s6 =	simm.s32 $0x108;
	_ =	swait.ge @!p0 [sflag:s8], $0x0  }
0x24: {  	s3 =	sadd.s32 $0x88, s3;
	s6 =	simm.s32 @!p1 $0x1082;
	[sflag:s4] =	ssyncset.s32 $0xFFFFF086  }
0x25: {  	[simem:s6], [sflag:s4] =	dma.local [hbm:s3], $0xF7A  }
0x26: {  	[smem:$0x3F8B] =	sst s1;
	(tag) =	ssettag s2;
	_ =	strace s9  }
0x27: {  	s1 =	sld [smem:$0x3F9B]  }
0x28: {  	s2 =	sld [smem:$0x3F9C]  }
0x29: {  	s4 =	sld [smem:$0x3F9E]  }
0x2a: {  	p0 =	seq.s32 s5, $0x0;
	s5 =	sld [smem:$0x3F9F]  }
0x2b: {  	s6 =	sld [smem:$0x3FA0]  }
0x2c: {  	s7 =	sld [smem:$0x3FA1]  }
0x2d: {  	s3 =	simm.s32 $0x108;
	s8 =	sld [smem:$0x3FA2]  }
0x2e: {  	s3 =	simm.s32 @!p0 $0x1082;
	s9 =	sld [smem:$0x3FA3]  }
0x2f: {  	lr =	sadd.s32 s0, s3;
	s0 =	sld [smem:$0x3F9A]  }
0x30: {  	s3 =	sld [smem:$0x3F9D]  }
0x31: {  	[smem:$0x3FA6] =	sst s10  }
0x32: {  	s10 =	sld [smem:$0x3FA4];
	_ =	sdelay $0x3  }
0x33: {  	p0 =	seq.s32 s10, $0x1;
	s10 =	sld [smem:$0x3FA6];
	_ =	sdelay $0x3  }
0x34: {  	[smem:$0x3FA6] =	sst s10  }
0x35: {  	s10 =	sld [smem:$0x3FA5];
	_ =	sdelay $0x3  }
0x36: {  	p1 =	seq.s32 s10, $0x1;
	s10 =	sld [smem:$0x3FA6];
	_ =	sdelay $0x3  }
0x37: {  	[smem:$0x3FA6] =	sst s10  }
0x38: {  	s10 =	sld [smem:$0x3FA7]  }
0x39: {  	_ = 	snop;
	(pc) =	sbr.ind lr, $3  }
0x3a: {  	_ = 	snop  }
0x3b: {  	_ = 	snop  }
0x3c: {  	p2 =	seq.s32 s10, $0x1;
	s10 =	sld [smem:$0x3FA6]  }
0x3d: {  	_ =	shalt  }
0x3e: {  	_ =	shalt  }
0x3f: {  	_ =	shalt  }
0x40: {  	_ =	shalt  }
0x41: {  	_ =	shalt  }
0x42: {  	_ =	shalt  }
0x43: {  	_ =	shalt  }
0x44: {  	_ =	shalt  }
0x45: {  	_ =	shalt  }
0x46: {  	_ =	shalt  }
0x47: {  	_ =	shalt  }
0x48: {  	_ =	shalt  }
0x49: {  	_ =	shalt  }
0x4a: {  	_ =	shalt  }
0x4b: {  	_ =	shalt  }
0x4c: {  	_ =	shalt  }
0x4d: {  	_ =	shalt  }
0x4e: {  	_ =	shalt  }
0x4f: {  	_ =	shalt  }
0x50: {  	_ =	shalt  }
0x51: {  	_ =	shalt  }
0x52: {  	_ =	shalt  }
0x53: {  	_ =	shalt  }
0x54: {  	_ =	shalt  }
0x55: {  	_ =	shalt  }
0x56: {  	_ =	shalt  }
0x57: {  	_ =	shalt  }
0x58: {  	_ =	shalt  }
0x59: {  	_ =	shalt  }
0x5a: {  	_ =	shalt  }
0x5b: {  	_ =	shalt  }
0x5c: {  	_ =	shalt  }
0x5d: {  	_ =	shalt  }
0x5e: {  	_ =	shalt  }
0x5f: {  	_ =	shalt  }
0x60: {  	_ =	shalt  }
0x61: {  	_ =	shalt  }
0x62: {  	_ =	shalt  }
0x63: {  	_ =	shalt  }
0x64: {  	_ =	shalt  }
0x65: {  	_ =	shalt  }
0x66: {  	_ =	shalt  }
0x67: {  	_ =	shalt  }
0x68: {  	_ =	shalt  }
0x69: {  	_ =	shalt  }
0x6a: {  	_ =	shalt  }
0x6b: {  	_ =	shalt  }
0x6c: {  	_ =	shalt  }
0x6d: {  	_ =	shalt  }
0x6e: {  	_ =	shalt  }
0x6f: {  	_ =	shalt  }
0x70: {  	_ =	shalt  }
0x71: {  	_ =	shalt  }
0x72: {  	_ =	shalt  }
0x73: {  	_ =	shalt  }
0x74: {  	_ =	shalt  }
0x75: {  	_ =	shalt  }
0x76: {  	_ =	shalt  }
0x77: {  	_ =	shalt  }
0x78: {  	_ =	shalt  }
0x79: {  	_ =	shalt  }
0x7a: {  	_ =	shalt  }
0x7b: {  	_ =	shalt  }
0x7c: {  	_ =	shalt  }
0x7d: {  	_ =	shalt  }
0x7e: {  	_ =	shalt  }
0x7f: {  	_ =	shalt  }
0x80: {  	_ =	shalt  }
0x81: {  	_ =	shalt  }
0x82: {  	_ =	shalt  }
0x83: {  	_ =	shalt  }
0x84: {  	_ =	shalt  }
0x85: {  	_ =	shalt  }
0x86: {  	_ =	shalt  }
0x87: {  	_ =	shalt  }
.Lfunc_end0:
.L_simem_size_0:
called_computation_lowered:
.L_overlay_start_0:
0x88: {  	s2 =	sld [smem:$0x3FD9]  }
0x89: {  	s3 =	sld [smem:$0x3FFE];
	_ =	sdelay $0x1  }
0x8a: {  	s1 =	srdreg.scid  }
0x8b: {  	s0 =	sand.u32 $0x1, s1  }
0x8c: {  	s17 =	sshll.u32 s0, $0xA;
	s2 =	sadd.s32 s3, s2  }
0x8d: {  	s2 =	sadd.s32 s2, s17  }
0x8e: {  	[smem:$0x3FB2] =	sst s2  }
0x8f: {  	_ = 	snop  }
0x90: {  	s2 =	sld [smem:$0x3FC6]  }
0x91: {  	s18 =	sld [smem:$0x3FC5]  }
0x92: {  	s4 =	sld [smem:$0x3FC4];
	(tm) =	ssettm $0x1  }
0x93: {  	s5 =	sld [smem:$0x3FFB];
	_ =	sdelay $0x3  }
0x94: {  	_ =	strace s5  }
0x95: {  	s5 =	sld [smem:$0x3FFC];
	_ =	sdelay $0x3  }
0x96: {  	_ =	strace s5  }
0x97: {  	s5 =	sld [smem:$0x3FFD];
	_ =	sdelay $0x3  }
0x98: {  	_ =	strace s5  }
0x99: {  	_ =	strace $0x8FFFFFFF  }
0x9a: {  	s19 =	sld [smem:$0x3FDB];
	_ =	sdelay $0x1  }
0x9b: {  	s6 =	simm.s32 $_scs_section_size  }
0x9c: {  	s7 =	simm.s32 $_size__tile_overlayer_lowered;
	s8 =	simm.s32 $_tile_overlayer_lowered  }
0x9d: {  	s22 =	simm.s32 $0x1BFF;
	s21 =	sshll.u32 s8, $0x1;
	s5 =	sadd.s32 s6, s19  }
0x9e: {  	s9 =	simm.s32 $0x0;
	s20 =	sshll.u32 s7, $0x1;
	s7 =	sadd.s32 s21, s5  }
0x9f: {  	[timem:s9], [sflag:s22] =	dma.local [hbm:s7], s20  }
0xa0: {  	_ =	swait.ge [sflag:s22], s20  }
0xa1: {  	s6 =	ssub.s32 $0x0, s20;
	[sflag:s22] =	ssyncset.done $0x0  }
0xa2: {  	[sflag:s22] =	ssyncadd.s32 s6;
	_ =	sdelay $0x1  }
0xa3: {  	s23 =	simm.s32 $0x1B8B  }
0xa4: {  	_ =	swait.ge [sflag:s23], $0x1  }
0xa5: {  	[sflag:s23] =	ssyncset.done $0x0  }
0xa6: {  	s25 =	simm.s32 $0x1B8E;
	s24 =	sld [smem:$0x3FFE];
	[sflag:s23] =	ssyncadd.s32 $0xFFFFFFFF  }
0xa7: {  	s26 =	simm.s32 $execute0_lowered;
	[smem:$0x3FD2] =	sst s25  }
0xa8: {  	s7 =	sshll.u32 s26, $0x1;
	_ =	strace $0x80000046;
	[dreg:$0x1] =	wrdreg $0xFFFFFFFF  }
0xa9: {  	s28 =	simm.s32 $_size_execute0_lowered;
	s5 =	sadd.s32 s5, s7;
	[dreg:$0x0] =	wrdreg $0x0  }
0xaa: {  	s7 =	sshll.u32 s28, $0x1;
	[dreg:$0x2] =	wrdreg s5  }
0xab: {  	[dreg:$0x3] =	wrdreg s7  }
0xac: {  	[dreg:$0x4] =	wrdreg $0xC0  }
0xad: {  	_ =	task [dreg:s9], $0x5FFFF  }
0xae: {  	[dreg:$0x1] =	wrdreg $0xFFFFFFFF  }
0xaf: {  	[dreg:$0x0] =	wrdreg $0x60  }
0xb0: {  	[dreg:$0x2] =	wrdreg s2  }
0xb1: {  	[dreg:$0x3] =	wrdreg s18  }
0xb2: {  	[dreg:$0x4] =	wrdreg s4  }
0xb3: {  	[dreg:$0x5] =	wrdreg s24  }
0xb4: {  	[dreg:$0x6] =	wrdreg $0x9  }
0xb5: {  	_ =	task.clear_ibuf [dreg:s9], $0x7FFFF;
	_ =	strace $0x90000046  }
0xb6: {  	s29 =	simm.s32 $0x9;
	_ =	strace $0x80000048  }
0xb7: {  	_ =	swait.ge [sflag:s29], $0x1  }
0xb8: {  	[sflag:s29] =	ssyncadd.s32 $0xFFFFFFFF  }
0xb9: {  	_ =	strace $0x90000048  }
0xba: {  	_ =	sfence  }
0xbb: {  	s30 =	sld [smem:$0x0];
	_ =	sdelay $0x2  }
0xbc: {  	s31 =	sshll.u32 s1, $0xD;
	s1 =	sshrl.u32 s1, $0x2  }
0xbd: {  	s3 =	sand.u32 $0x4000, s31;
	s1 =	sadd.s32 s1, s30  }
0xbe: {  	s0 =	sor.u32 s3, s0;
	s1 =	sshll.u32 s1, $0x11  }
0xbf: {  	s0 =	sor.u32 s1, s0  }
0xc0: {  	s0 =	sadd.s32 $0x8F2B, s0  }
0xc1: {  	[sflag:s0] =	ssyncadd.remote.s32 $0x1  }
0xc2: {  	_ =	sfence.sel $0xFFFF  }
0xc3: {  	[dreg:$0x0] =	wrdreg $0xFFFFFFFF;
	(pc) =	sbr.abs _section_cstart, $3  }
0xc4: {  	[dreg:$0x1] =	wrdreg $0xFFFFFFFF  }
0xc5: {  	_ =	task.clear_ibuf [dreg:s9], $0x2FFFF;
	_ =	strace $0x9FFFFFFF  }
0xc6: {  	(tm) =	ssettm $0x7FFFFFFF  }
0xc7: {  	_ =	shalt  }
tec
execute0_lowered:
.L_overlay_start_1:
0x0: {  	(tag) =	ssettag $0x1  }
0x1: {  	s1 =	rddreg [dreg:$0x0]  }
0x2: {  	s8 =	rddreg [dreg:$0x1]  }
0x3: {  	s7 =	rddreg [dreg:$0x2]  }
0x4: {  	s4 =	rddreg [dreg:$0x3]  }
0x5: {  	s2 =	srdreg.scid;
	s0 =	rddreg [dreg:$0x4];
	s3 =	simm.s32 $0x0  }
0x6: {  	s11 =	simm.s32 $0x40;
	s12 =	simm.s32 $0x100;
	s13 =	simm.s32 $0x2100  }
0x7: {  	s14 =	simm.s32 $0x1;
	s15 =	simm.s32 $0x2;
	s16 =	simm.s32 $0x3  }
0x8: {  	s17 =	simm.s32 $0x4;
	s18 =	simm.s32 $0x0;
	s5 =	sand.u32 $0x1, s2  }
0x9: {  	s2 =	stileid.u32;
	[smem:$0x7FF] =	sst s3;
	s6 =	ssub.s32 $0x2, s5  }
0xa: {  	s9 =	sshll.u32 s2, $0xE;
	_ =	strace $0x80000047;
	s30 =	sshll.u32 s5, $0x9  }
0xb: {  	s5 =	sshll.u32 s5, $0xD;
	s10 =	sshrl.u32 s6, $0x1;
	s9 =	sadd.s32 s9, s4  }
0xc: {  	s29 =	sshll.u32 s2, $0xA;
	s28 =	ssub.s32 s6, s10;
	s9 =	sadd.s32 s5, s9  }
0xd: {  	s10 =	sor.u32 s30, s29;
	s4 =	smax.u32 s28, $0x1;
	s5 =	sadd.s32 $0x3C00, s9  }
0xe: {  	s6 =	sadd.s32 $0x43C00, s9;
	s31 =	sshrl.u32 s10, $0x3;
	s9 =	simm.s32 $0x5  }
0xf: {  	s10 =	simm.s32 $0x80;
	s7 =	sadd.s32 s31, s7;
	s8 =	sadd.s32 s31, s8  }
.LBB2_1:
0x10: {  	s19 =	sadd.s32 $0x0, s8  }
0x11: {  	[tilespmem:s3], [sflag:$0x5] =	stream.linear.gather [hbm4b:s19+s3], $0x40, $0x38;
	[tilespmem:$0x4100] =	vst v63  }
0x12: {  	_ =	swait.ge [sflag:s9], $0x40  }
0x13: {  	[sflag:s9] =	ssyncset.done $0x0  }
0x14: {  	s31 =	sadd.s32 $0x0, s7;
	[sflag:s9] =	ssyncadd.s32 $0xFFFFFFC0  }
0x15: {  	[tilespmem:s10], [sflag:$0x5] =	stream.linear.gather [hbm4b:s31+s3], $0x40, $0x38;
	[tilespmem:$0x4100] =	vst v63  }
0x16: {  	_ =	swait.ge [sflag:s9], $0x40  }
0x17: {  	[sflag:s9] =	ssyncset.done $0x0  }
0x18: {  	[sflag:s9] =	ssyncadd.s32 $0xFFFFFFC0  }
0x19: {  	[tilespmem:s12], [sflag:$0x1] =	stream.indirect.gather [hbm4b:s1+s11], $0x80, s3, s11, $0xb8;
	[tilespmem:$0x4100] =	vst v63  }
0x1a: {  	_ = 	snop  }
0x1b: {  	[tilespmem:s13], [sflag:$0x2] =	stream.indirect.gather [hbm4b:s1+s11], $0x80, s10, s11, $0xb8;
	[tilespmem:$0x4100] =	vst v63  }
0x1c: {  	_ =	swait.ge [sflag:s14], $0x2000  }
0x1d: {  	[sflag:s14] =	ssyncset.done $0x0  }
0x1e: {  	[sflag:s14] =	ssyncadd.s32 $0xFFFFE000  }
0x1f: {  	[hbm4b:s5+s3] =	stream.linear.scatter [tilespmem:s12], [sflag:$0x3], $0x2000, $0x38;
	[tilespmem:$0x4100] =	vst v63  }
0x20: {  	_ =	swait.ge [sflag:s15], $0x2000  }
0x21: {  	[sflag:s15] =	ssyncset.done $0x0  }
0x22: {  	[sflag:s15] =	ssyncadd.s32 $0xFFFFE000  }
0x23: {  	[hbm4b:s6+s3] =	stream.linear.scatter [tilespmem:s13], [sflag:$0x4], $0x2000, $0x38;
	[tilespmem:$0x4100] =	vst v63  }
0x24: {  	_ =	swait.ge [sflag:s16], $0x2000  }
0x25: {  	[sflag:s16] =	ssyncset.done $0x0  }
0x26: {  	[sflag:s16] =	ssyncadd.s32 $0xFFFFE000  }
0x27: {  	s21 =	simm.s32 $0x8;
	s22 =	simm.s32 $0x10;
	_ =	swait.ge [sflag:s17], $0x2000  }
0x28: {  	s20 =	sadd.s32 $0x400, s5;
	s19 =	sadd.s32 $0x400, s6;
	[sflag:s17] =	ssyncset.done $0x0  }
.LBB2_2:
0x29: {  	s23 =	sadd.s32 s21, s8  }
0x2a: {  	[sflag:s17] =	ssyncadd.s32 $0xFFFFE000;
	s24 =	smov.u32 s22;
	s25 =	sadd.s32 $0x8, s22  }
0x2b: {  	[tilespmem:s3], [sflag:$0x5] =	stream.linear.gather [hbm4b:s23+s3], $0x40, $0x38;
	[tilespmem:$0x4100] =	vst v63  }
0x2c: {  	p0 =	sne.s32 s22, $0x38;
	_ =	swait.ge [sflag:s9], $0x40  }
0x2d: {  	[sflag:s9] =	ssyncset.done $0x0  }
0x2e: {  	s22 =	sadd.s32 s21, s7;
	s21 =	smov.u32 s24;
	[sflag:s9] =	ssyncadd.s32 $0xFFFFFFC0  }
0x2f: {  	[tilespmem:s10], [sflag:$0x5] =	stream.linear.gather [hbm4b:s22+s3], $0x40, $0x38;
	[tilespmem:$0x4100] =	vst v63  }
0x30: {  	_ =	swait.ge [sflag:s9], $0x40  }
0x31: {  	[sflag:s9] =	ssyncset.done $0x0  }
0x32: {  	[sflag:s9] =	ssyncadd.s32 $0xFFFFFFC0  }
0x33: {  	[tilespmem:s12], [sflag:$0x1] =	stream.indirect.gather [hbm4b:s1+s11], $0x80, s3, s11, $0xb8;
	[tilespmem:$0x4100] =	vst v63  }
0x34: {  	_ = 	snop  }
0x35: {  	[tilespmem:s13], [sflag:$0x2] =	stream.indirect.gather [hbm4b:s1+s11], $0x80, s10, s11, $0xb8;
	[tilespmem:$0x4100] =	vst v63  }
0x36: {  	_ =	swait.ge [sflag:s14], $0x2000  }
0x37: {  	[sflag:s14] =	ssyncset.done $0x0  }
0x38: {  	[sflag:s14] =	ssyncadd.s32 $0xFFFFE000  }
0x39: {  	[hbm4b:s20+s3] =	stream.linear.scatter [tilespmem:s12], [sflag:$0x3], $0x2000, $0x38;
	[tilespmem:$0x4100] =	vst v63  }
0x3a: {  	_ =	swait.ge [sflag:s15], $0x2000  }
0x3b: {  	[sflag:s15] =	ssyncset.done $0x0  }
0x3c: {  	[sflag:s15] =	ssyncadd.s32 $0xFFFFE000  }
0x3d: {  	[hbm4b:s19+s3] =	stream.linear.scatter [tilespmem:s13], [sflag:$0x4], $0x2000, $0x38;
	[tilespmem:$0x4100] =	vst v63  }
.Ltmp0:
0x3e: {  	_ =	swait.ge [sflag:s16], $0x2000;
	(pc) =	sbr.rel @p0 .LBB2_2-.Ltmp0, $4  }
0x3f: {  	[sflag:s16] =	ssyncset.done $0x0  }
0x40: {  	[sflag:s16] =	ssyncadd.s32 $0xFFFFE000  }
0x41: {  	s22 =	smov.u32 s25;
	_ =	swait.ge [sflag:s17], $0x2000  }
0x42: {  	s20 =	sadd.s32 $0x400, s20;
	s19 =	sadd.s32 $0x400, s19;
	[sflag:s17] =	ssyncset.done $0x0  }
0x43: {  	s22 =	sadd.s32 s21, s8;
	[sflag:s17] =	ssyncadd.s32 $0xFFFFE000  }
0x44: {  	[tilespmem:s3], [sflag:$0x5] =	stream.linear.gather [hbm4b:s22+s3], $0x40, $0x38;
	[tilespmem:$0x4100] =	vst v63  }
0x45: {  	_ =	swait.ge [sflag:s9], $0x40  }
0x46: {  	[sflag:s9] =	ssyncset.done $0x0  }
0x47: {  	s31 =	sadd.s32 s21, s7;
	[sflag:s9] =	ssyncadd.s32 $0xFFFFFFC0  }
0x48: {  	[tilespmem:s10], [sflag:$0x5] =	stream.linear.gather [hbm4b:s31+s3], $0x40, $0x38;
	[tilespmem:$0x4100] =	vst v63  }
0x49: {  	_ =	swait.ge [sflag:s9], $0x40  }
0x4a: {  	[sflag:s9] =	ssyncset.done $0x0  }
0x4b: {  	[sflag:s9] =	ssyncadd.s32 $0xFFFFFFC0  }
0x4c: {  	[tilespmem:s12], [sflag:$0x1] =	stream.indirect.gather [hbm4b:s1+s11], $0x80, s3, s11, $0xb8;
	[tilespmem:$0x4100] =	vst v63  }
0x4d: {  	_ = 	snop  }
0x4e: {  	[tilespmem:s13], [sflag:$0x2] =	stream.indirect.gather [hbm4b:s1+s11], $0x80, s10, s11, $0xb8;
	[tilespmem:$0x4100] =	vst v63  }
0x4f: {  	_ =	swait.ge [sflag:s14], $0x2000  }
0x50: {  	[sflag:s14] =	ssyncset.done $0x0  }
0x51: {  	[sflag:s14] =	ssyncadd.s32 $0xFFFFE000  }
0x52: {  	[hbm4b:s20+s3] =	stream.linear.scatter [tilespmem:s12], [sflag:$0x3], $0x2000, $0x38;
	[tilespmem:$0x4100] =	vst v63  }
0x53: {  	_ =	swait.ge [sflag:s15], $0x2000  }
0x54: {  	[sflag:s15] =	ssyncset.done $0x0  }
0x55: {  	s18 =	sadd.s32 $0x1, s18;
	[sflag:s15] =	ssyncadd.s32 $0xFFFFE000  }
0x56: {  	[hbm4b:s19+s3] =	stream.linear.scatter [tilespmem:s13], [sflag:$0x4], $0x2000, $0x38;
	[tilespmem:$0x4100] =	vst v63  }
0x57: {  	p0 =	sne.s32 s18, s4;
	_ =	swait.ge [sflag:s16], $0x2000  }
.Ltmp1:
0x58: {  	[sflag:s16] =	ssyncset.done $0x0;
	(pc) =	sbr.rel @p0 .LBB2_1-.Ltmp1, $4  }
0x59: {  	[sflag:s16] =	ssyncadd.s32 $0xFFFFE000  }
0x5a: {  	_ =	swait.ge [sflag:s17], $0x2000  }
0x5b: {  	[sflag:s17] =	ssyncset.done $0x0  }
0x5c: {  	[sflag:s17] =	ssyncadd.s32 $0xFFFFE000  }
0x5d: {  	_ =	sfence.sel $0x180000  }
0x5e: {  	[bflag:$0x0] =	sbarrier.arrive $0xFFFF  }
0x5f: {  	p0 =	sne.s32 s2, $0x0;
	_ =	strace $0x90000047  }
0x60: {  	s0 =	sadd.s32 @!p0 $0x100000, s0;
	[bflag:$0x2] =	sbarrier.arrive $0xFFFF  }
0x61: {  	[sflag:s0] =	ssyncadd.tile.s32 @!p0 $0x1;
	_ =	shalt  }
.Lfunc_end2:
_tile_overlayer_lowered:
.L_overlay_start_2:
0x62: {  	(tag) =	ssettag $0x2  }
0x63: {  	s0 =	rddreg [dreg:$0x0];
	s2 =	stileid.u32  }
0x64: {  	s1 =	rddreg [dreg:$0x1];
	p0 =	sne.s32 s2, $0x0  }
0x65: {  	s3 =	rddreg [dreg:$0x2];
	[bflag:$0x3] =	sbarrier.arrive $0xFFFF;
	s2 =	simm.s32 @!p0 $0x1C05  }
0x66: {  	[timem:s3], [sflag:s2] =	dma.local @!p0 [hbm:s0], s1  }
0x67: {  	s0 =	simm.s32 @!p0 $0x5  }
0x68: {  	_ =	swait.ge @!p0 [sflag:s0], s1  }
0x69: {  	s1 =	ssub.s32 @!p0 $0x0, s1;
	[sflag:s0] =	ssyncset.done @!p0 $0x0  }
0x6a: {  	[sflag:s0] =	ssyncadd.s32 @!p0 s1  }
0x6b: {  	[bflag:$0x3] =	sbarrier.arrive $0xFFFF  }
0x6c: {  	_ =	shalt  }

// kernel: kernel.8.cloned.1.call-start
scs
__scs_entry_jumppad:
0x0: {  	(pc) =	sbr.rel $0x88, $3  }
0x1: {  	(tag) =	ssettag $0x0;
	lr =	simm.s32 $0x1  }
0x2: {  	[smem:$0x3F8B] =	sst lr;
	_ =	strace $0xD0000000  }
0x3: {  	_ = 	snop  }
0x4: {  	_ = 	snop  }
0x5: {  	_ = 	snop  }
0x6: {  	_ = 	snop  }
0x7: {  	_ = 	snop  }
__scs_overlays_trampoline_lowered:
0x8: {  	[smem:$0x3F9A] =	sst s0  }
0x9: {  	[smem:$0x3F9B] =	sst s1  }
0xa: {  	[smem:$0x3F9C] =	sst s2  }
0xb: {  	[smem:$0x3F9D] =	sst s3  }
0xc: {  	[smem:$0x3F9E] =	sst s4  }
0xd: {  	[smem:$0x3F9F] =	sst s5  }
0xe: {  	[smem:$0x3FA0] =	sst s6  }
0xf: {  	[smem:$0x3FA1] =	sst s7  }
0x10: {  	[smem:$0x3FA2] =	sst s8  }
0x11: {  	[smem:$0x3FA3] =	sst s9;
	s0 =	simm.s32 @!p0 $0x0  }
0x12: {  	s1 =	sld [smem:$0x3F89];
	s0 =	simm.s32 @p0 $0x1  }
0x13: {  	[smem:$0x3FA4] =	sst s0;
	s0 =	simm.s32 @!p1 $0x0  }
0x14: {  	s2 =	sld [smem:$0x3F88];
	s0 =	simm.s32 @p1 $0x1  }
0x15: {  	[smem:$0x3FA5] =	sst s0;
	s0 =	simm.s32 @!p2 $0x0  }
0x16: {  	s3 =	sld [smem:$0x3FDB];
	s0 =	simm.s32 @p2 $0x1  }
0x17: {  	s4 =	simm.s32 $0x1BF5;
	[smem:$0x3FA7] =	sst s0  }
0x18: {  	s0 =	sld [smem:$0x3F8A];
	_ =	swait.ge [sflag:s4], $0x0  }
0x19: {  	s7 =	sld [smem:$0x3F8B]  }
0x1a: {  	s8 =	sadd.s32 $0xFFFFE003, lr  }
0x1b: {  	s9 =	sadd.s32 $0xFFFFFEF7, lr;
	s5 =	simm.s32 $0xFFFFFFFF;
	p2 =	slt.u32 s8, $0xFFFFF086  }
0x1c: {  	p1 =	slt.u32 s9, $0xF7A;
	s5 =	simm.s32 @!p2 $0x0  }
0x1d: {  	s5 =	simm.s32 @p1 $0x1;
	p0 =	seq.s32 s7, s2  }
0x1e: {  	s7 =	smul.u32 @!p0 $0xF7A, s2;
	p2 =	seq.s32 @!p0 s5, $0x0  }
0x1f: {  	s9 =	smul.u32 $0xF7A, s1;
	s8 =	simm.s32 @!p0 $0x1BF5;
	p2 =	por !p2, p0  }
0x20: {  	[sflag:s8] =	ssyncset.s32 @!p0 $0xFFFFF086;
	s6 =	sadd.s32 @!p0 s3, s7;
	s7 =	simm.s32 @!p0 $0x108  }
0x21: {  	s3 =	sadd.s32 s3, s9;
	s6 =	sadd.s32 @!p0 $0x88, s6;
	s7 =	simm.s32 @p2 $0x1082  }
0x22: {  	[simem:s7], [sflag:s8] =	dma.local @!p0 [hbm:s6], $0xF7A  }
0x23: {  	s9 =	sor.u32 $0xD0000000, s2;
	s6 =	simm.s32 $0x108;
	_ =	swait.ge @!p0 [sflag:s8], $0x0  }
0x24: {  	s3 =	sadd.s32 $0x88, s3;
	s6 =	simm.s32 @!p1 $0x1082;
	[sflag:s4] =	ssyncset.s32 $0xFFFFF086  }
0x25: {  	[simem:s6], [sflag:s4] =	dma.local [hbm:s3], $0xF7A  }
0x26: {  	[smem:$0x3F8B] =	sst s1;
	(tag) =	ssettag s2;
	_ =	strace s9  }
0x27: {  	s1 =	sld [smem:$0x3F9B]  }
0x28: {  	s2 =	sld [smem:$0x3F9C]  }
0x29: {  	s4 =	sld [smem:$0x3F9E]  }
0x2a: {  	p0 =	seq.s32 s5, $0x0;
	s5 =	sld [smem:$0x3F9F]  }
0x2b: {  	s6 =	sld [smem:$0x3FA0]  }
0x2c: {  	s7 =	sld [smem:$0x3FA1]  }
0x2d: {  	s3 =	simm.s32 $0x108;
	s8 =	sld [smem:$0x3FA2]  }
0x2e: {  	s3 =	simm.s32 @!p0 $0x1082;
	s9 =	sld [smem:$0x3FA3]  }
0x2f: {  	lr =	sadd.s32 s0, s3;
	s0 =	sld [smem:$0x3F9A]  }
0x30: {  	s3 =	sld [smem:$0x3F9D]  }
0x31: {  	[smem:$0x3FA6] =	sst s10  }
0x32: {  	s10 =	sld [smem:$0x3FA4];
	_ =	sdelay $0x3  }
0x33: {  	p0 =	seq.s32 s10, $0x1;
	s10 =	sld [smem:$0x3FA6];
	_ =	sdelay $0x3  }
0x34: {  	[smem:$0x3FA6] =	sst s10  }
0x35: {  	s10 =	sld [smem:$0x3FA5];
	_ =	sdelay $0x3  }
0x36: {  	p1 =	seq.s32 s10, $0x1;
	s10 =	sld [smem:$0x3FA6];
	_ =	sdelay $0x3  }
0x37: {  	[smem:$0x3FA6] =	sst s10  }
0x38: {  	s10 =	sld [smem:$0x3FA7]  }
0x39: {  	_ = 	snop;
	(pc) =	sbr.ind lr, $3  }
0x3a: {  	_ = 	snop  }
0x3b: {  	_ = 	snop  }
0x3c: {  	p2 =	seq.s32 s10, $0x1;
	s10 =	sld [smem:$0x3FA6]  }
0x3d: {  	_ =	shalt  }
0x3e: {  	_ =	shalt  }
0x3f: {  	_ =	shalt  }
0x40: {  	_ =	shalt  }
0x41: {  	_ =	shalt  }
0x42: {  	_ =	shalt  }
0x43: {  	_ =	shalt  }
0x44: {  	_ =	shalt  }
0x45: {  	_ =	shalt  }
0x46: {  	_ =	shalt  }
0x47: {  	_ =	shalt  }
0x48: {  	_ =	shalt  }
0x49: {  	_ =	shalt  }
0x4a: {  	_ =	shalt  }
0x4b: {  	_ =	shalt  }
0x4c: {  	_ =	shalt  }
0x4d: {  	_ =	shalt  }
0x4e: {  	_ =	shalt  }
0x4f: {  	_ =	shalt  }
0x50: {  	_ =	shalt  }
0x51: {  	_ =	shalt  }
0x52: {  	_ =	shalt  }
0x53: {  	_ =	shalt  }
0x54: {  	_ =	shalt  }
0x55: {  	_ =	shalt  }
0x56: {  	_ =	shalt  }
0x57: {  	_ =	shalt  }
0x58: {  	_ =	shalt  }
0x59: {  	_ =	shalt  }
0x5a: {  	_ =	shalt  }
0x5b: {  	_ =	shalt  }
0x5c: {  	_ =	shalt  }
0x5d: {  	_ =	shalt  }
0x5e: {  	_ =	shalt  }
0x5f: {  	_ =	shalt  }
0x60: {  	_ =	shalt  }
0x61: {  	_ =	shalt  }
0x62: {  	_ =	shalt  }
0x63: {  	_ =	shalt  }
0x64: {  	_ =	shalt  }
0x65: {  	_ =	shalt  }
0x66: {  	_ =	shalt  }
0x67: {  	_ =	shalt  }
0x68: {  	_ =	shalt  }
0x69: {  	_ =	shalt  }
0x6a: {  	_ =	shalt  }
0x6b: {  	_ =	shalt  }
0x6c: {  	_ =	shalt  }
0x6d: {  	_ =	shalt  }
0x6e: {  	_ =	shalt  }
0x6f: {  	_ =	shalt  }
0x70: {  	_ =	shalt  }
0x71: {  	_ =	shalt  }
0x72: {  	_ =	shalt  }
0x73: {  	_ =	shalt  }
0x74: {  	_ =	shalt  }
0x75: {  	_ =	shalt  }
0x76: {  	_ =	shalt  }
0x77: {  	_ =	shalt  }
0x78: {  	_ =	shalt  }
0x79: {  	_ =	shalt  }
0x7a: {  	_ =	shalt  }
0x7b: {  	_ =	shalt  }
0x7c: {  	_ =	shalt  }
0x7d: {  	_ =	shalt  }
0x7e: {  	_ =	shalt  }
0x7f: {  	_ =	shalt  }
0x80: {  	_ =	shalt  }
0x81: {  	_ =	shalt  }
0x82: {  	_ =	shalt  }
0x83: {  	_ =	shalt  }
0x84: {  	_ =	shalt  }
0x85: {  	_ =	shalt  }
0x86: {  	_ =	shalt  }
0x87: {  	_ =	shalt  }
.Lfunc_end0:
.L_simem_size_0:
called_computation.1_lowered:
.L_overlay_start_0:
0x88: {  	s0 =	sld [smem:$0x3FD9]  }
0x89: {  	s1 =	sld [smem:$0x3FFE];
	_ =	sdelay $0x3  }
0x8a: {  	s0 =	sadd.s32 s1, s0  }
0x8b: {  	[smem:$0x3FB2] =	sst s0  }
0x8c: {  	_ = 	snop  }
0x8d: {  	s0 =	sld [smem:$0x3FD0];
	_ =	sdelay $0x1  }
0x8e: {  	s13 =	sld [smem:$0x3FC6]  }
0x8f: {  	s3 =	simm.s32 $0xA;
	s4 =	simm.s32 $0x10;
	s2 =	sld [smem:$0x3FC4]  }
0x90: {  	[smem:s4], [sflag:s3] =	dma.local [hbm:s0], $0x1  }
0x91: {  	_ =	swait.eq [sflag:s3], $0x1  }
0x92: {  	[sflag:s3] =	ssyncset.done $0x0  }
0x93: {  	[sflag:s3] =	ssyncadd.s32 $0xFFFFFFFF  }
0x94: {  	s14 =	sld [smem:$0x10];
	(tm) =	ssettm $0x1  }
0x95: {  	s15 =	sld [smem:$0x3FFB];
	_ =	sdelay $0x3  }
0x96: {  	_ =	strace s15  }
0x97: {  	s3 =	sld [smem:$0x3FFC];
	_ =	sdelay $0x3  }
0x98: {  	_ =	strace s3  }
0x99: {  	s3 =	sld [smem:$0x3FFD];
	_ =	sdelay $0x3  }
0x9a: {  	_ =	strace s3  }
0x9b: {  	_ =	strace $0x8FFFFFFF  }
0x9c: {  	s16 =	sld [smem:$0x3FDB];
	_ =	sdelay $0x1  }
0x9d: {  	s17 =	simm.s32 $_scs_section_size  }
0x9e: {  	s5 =	simm.s32 $_size__tile_overlayer_lowered;
	s6 =	simm.s32 $_tile_overlayer_lowered  }
0x9f: {  	s20 =	simm.s32 $0x1BFF;
	s19 =	sshll.u32 s6, $0x1;
	s3 =	sadd.s32 s17, s16  }
0xa0: {  	s7 =	simm.s32 $0x0;
	s18 =	sshll.u32 s5, $0x1;
	s5 =	sadd.s32 s19, s3  }
0xa1: {  	[timem:s7], [sflag:s20] =	dma.local [hbm:s5], s18  }
0xa2: {  	_ =	swait.ge [sflag:s20], s18  }
0xa3: {  	s4 =	ssub.s32 $0x0, s18;
	[sflag:s20] =	ssyncset.done $0x0  }
0xa4: {  	[sflag:s20] =	ssyncadd.s32 s4;
	_ =	sdelay $0x1  }
0xa5: {  	s21 =	simm.s32 $0x1B8B  }
0xa6: {  	_ =	swait.ge [sflag:s21], $0x1  }
0xa7: {  	[sflag:s21] =	ssyncset.done $0x0  }
0xa8: {  	s23 =	simm.s32 $0x1B8E;
	s22 =	sld [smem:$0x3FFE];
	[sflag:s21] =	ssyncadd.s32 $0xFFFFFFFF  }
0xa9: {  	s24 =	simm.s32 $execute0_lowered;
	[smem:$0x3FD2] =	sst s23  }
0xaa: {  	s5 =	sshll.u32 s24, $0x1;
	_ =	strace $0x80000049;
	[dreg:$0x1] =	wrdreg $0xFFFFFFFF  }
0xab: {  	s25 =	simm.s32 $_size_execute0_lowered;
	s3 =	sadd.s32 s3, s5;
	[dreg:$0x0] =	wrdreg $0x0  }
0xac: {  	s5 =	sshll.u32 s25, $0x1;
	[dreg:$0x2] =	wrdreg s3  }
0xad: {  	[dreg:$0x3] =	wrdreg s5  }
0xae: {  	[dreg:$0x4] =	wrdreg $0xC0  }
0xaf: {  	_ =	task [dreg:s7], $0x5FFFF  }
0xb0: {  	[dreg:$0x1] =	wrdreg $0xFFFFFFFF  }
0xb1: {  	[dreg:$0x0] =	wrdreg $0x60  }
0xb2: {  	[dreg:$0x2] =	wrdreg s22  }
0xb3: {  	[dreg:$0x3] =	wrdreg s2  }
0xb4: {  	[dreg:$0x4] =	wrdreg s13  }
0xb5: {  	[dreg:$0x5] =	wrdreg s14  }
0xb6: {  	[dreg:$0x6] =	wrdreg $0x0  }
0xb7: {  	[dreg:$0x7] =	wrdreg $0x9  }
0xb8: {  	_ =	task.clear_ibuf [dreg:s7], $0x8FFFF;
	_ =	strace $0x90000049  }
0xb9: {  	s26 =	simm.s32 $0x9;
	_ =	strace $0x8000004B  }
0xba: {  	_ =	swait.ge [sflag:s26], $0x1  }
0xbb: {  	[sflag:s26] =	ssyncadd.s32 $0xFFFFFFFF  }
0xbc: {  	_ =	strace $0x9000004B  }
0xbd: {  	_ =	sfence  }
0xbe: {  	s28 =	sld [smem:$0x0];
	_ =	sdelay $0x1  }
0xbf: {  	s29 =	srdreg.scid  }
0xc0: {  	s30 =	sshll.u32 s29, $0xD;
	s31 =	sshrl.u32 s29, $0x2  }
0xc1: {  	s1 =	sand.u32 $0x1, s29;
	s2 =	sand.u32 $0x4000, s30;
	s0 =	sadd.s32 s31, s28  }
0xc2: {  	s1 =	sor.u32 s2, s1;
	s0 =	sshll.u32 s0, $0x11  }
0xc3: {  	s0 =	sor.u32 s0, s1  }
0xc4: {  	s0 =	sadd.s32 $0x8F2B, s0  }
0xc5: {  	[sflag:s0] =	ssyncadd.remote.s32 $0x1  }
0xc6: {  	_ =	sfence.sel $0xFFFF  }
0xc7: {  	[dreg:$0x0] =	wrdreg $0xFFFFFFFF;
	(pc) =	sbr.abs _section_cstart, $3  }
0xc8: {  	[dreg:$0x1] =	wrdreg $0xFFFFFFFF  }
0xc9: {  	_ =	task.clear_ibuf [dreg:s7], $0x2FFFF;
	_ =	strace $0x9FFFFFFF  }
0xca: {  	(tm) =	ssettm $0x7FFFFFFF  }
0xcb: {  	_ =	shalt  }
tec
execute0_lowered:
.L_overlay_start_1:
0x0: {  	(tag) =	ssettag $0x1  }
0x1: {  	s4 =	rddreg [dreg:$0x0]  }
0x2: {  	s8 =	rddreg [dreg:$0x1]  }
0x3: {  	s1 =	rddreg [dreg:$0x2]  }
0x4: {  	s2 =	rddreg [dreg:$0x3]  }
0x5: {  	s3 =	rddreg [dreg:$0x4]  }
0x6: {  	s0 =	rddreg [dreg:$0x5];
	s5 =	simm.s32 $0x0;
	s6 =	simm.s32 $0x0  }
0x7: {  	s9 =	simm.s32 $0x200;
	[smem:$0x7FF] =	sst s5;
	s7 =	sadd.s32 $0x3C00, s4  }
0x8: {  	v0 =	vimm.f32 $0.0e+00;
	s5 =	sadd.s32 $0x43C00, s4;
	s4 =	stileid.u32;
	_ =	strace $0x8000004A  }
.LBB2_1:
0x9: {  	p0 =	sne.s32 s9, $0x3E00;
	[tilespmem:s6+$0x1B9F0] =	vst v0  }
0xa: {  	[tilespmem:s6+$0x1B980] =	vst v0  }
0xb: {  	[tilespmem:s6+$0x1B990] =	vst v0  }
.Ltmp0:
0xc: {  	[tilespmem:s6+$0x1B9A0] =	vst v0;
	(pc) =	sbr.rel @p0 .LBB2_1-.Ltmp0, $4  }
0xd: {  	[tilespmem:s6+$0x1B9B0] =	vst v0  }
0xe: {  	[tilespmem:s6+$0x1B9C0] =	vst v0  }
0xf: {  	[tilespmem:s6+$0x1B9D0] =	vst v0  }
0x10: {  	[tilespmem:s6+$0x1B9E0] =	vst v0;
	s6 =	sshra.s32 s9, $0x2;
	s9 =	sadd.s32 $0x200, s9  }
0x11: {  	[tilespmem:s6+$0x1B9F0] =	vst v0  }
0x12: {  	[tilespmem:s6+$0x1B980] =	vst v0  }
0x13: {  	[tilespmem:s6+$0x1B990] =	vst v0;
	s9 =	sadd.s32 $0xFFFFFEC0, s4  }
0x14: {  	[tilespmem:s6+$0x1B9A0] =	vst v0;
	s10 =	sadd.s32 $0x140, s9  }
0x15: {  	[tilespmem:s6+$0x1B9B0] =	vst v0;
	p0 =	sgt.u32 s10, $0x137  }
0x16: {  	[tilespmem:s6+$0x1B9C0] =	vst v0;
	p1 =	sne.s32 @p0 s9, $0xFFFFFFF8;
	p0 =	por p0, p0  }
0x17: {  	[tilespmem:s6+$0x1B9D0] =	vst v0;
	p1 =	por p1, !p0  }
0x18: {  	[tilespmem:s6+$0x1B9E0] =	vst v0;
	s6 =	sadd.s32 $0x138000, s3;
	s9 =	simm.s32 @!p1 $0x1B980;
	s10 =	simm.s32 @!p1 $0x3  }
0x19: {  	[spmem:s6] =	stream.linear.scatter @!p1 [tilespmem:s9], [sflag:$0x3], $0x800, $0x38;
	[tilespmem:$0x1C980] =	vst v63  }
0x1a: {  	s30 =	sshll.u32 s4, $0xC;
	_ =	swait.ge @!p1 [sflag:s10], $0x800  }
0x1b: {  	s13 =	sadd.s32 $0xFFFFFED0, s4;
	s12 =	simm.s32 @!p0 $0x4;
	[sflag:s10] =	ssyncset.done @!p1 $0x0  }
0x1c: {  	s9 =	sadd.s32 s30, s3;
	[sflag:s10] =	ssyncadd.s32 @!p1 $0xFFFFF800;
	s10 =	simm.s32 @!p0 $0x1B980  }
0x1d: {  	[spmem:s9] =	stream.linear.scatter @!p0 [tilespmem:s10], [sflag:$0x4], $0x1000, $0x38;
	[tilespmem:$0x1C980] =	vst v63  }
0x1e: {  	s11 =	simm.s32 $0xFFFFFEE0;
	s31 =	sadd.s32 $0x140, s13;
	_ =	swait.ge @!p0 [sflag:s12], $0x1000  }
0x1f: {  	p2 =	sgt.u32 s31, $0x137;
	s10 =	sadd.s32 $0x10000, s9;
	[sflag:s12] =	ssyncset.done @!p0 $0x0  }
.LBB2_3:
0x20: {  	p3 =	sne.s32 @p2 s13, $0xFFFFFFF8;
	[sflag:s12] =	ssyncadd.s32 @!p0 $0xFFFFF000  }
0x21: {  	s13 =	smov.u32 s11;
	s11 =	sadd.s32 $0x10, s11;
	p0 =	por p2, p2  }
0x22: {  	p1 =	sne.s32 s11, $0x0;
	p2 =	por p3, !p0  }
0x23: {  	s12 =	simm.s32 @!p2 $0x1B980;
	s14 =	simm.s32 @!p2 $0x3  }
0x24: {  	[spmem:s6] =	stream.linear.scatter @!p2 [tilespmem:s12], [sflag:$0x3], $0x800, $0x38;
	[tilespmem:$0x1C980] =	vst v63  }
0x25: {  	_ =	swait.ge @!p2 [sflag:s14], $0x800  }
.Ltmp1:
0x26: {  	s12 =	simm.s32 @!p0 $0x4;
	[sflag:s14] =	ssyncset.done @!p2 $0x0;
	(pc) =	sbr.rel @p1 .LBB2_3-.Ltmp1, $4  }
0x27: {  	s13 =	sadd.s32 s13, s4;
	[sflag:s14] =	ssyncadd.s32 @!p2 $0xFFFFF800;
	s14 =	simm.s32 @!p0 $0x1B980  }
0x28: {  	[spmem:s10] =	stream.linear.scatter @!p0 [tilespmem:s14], [sflag:$0x4], $0x1000, $0x38;
	[tilespmem:$0x1C980] =	vst v63  }
0x29: {  	s14 =	sadd.s32 $0x140, s13;
	_ =	swait.ge @!p0 [sflag:s12], $0x1000  }
0x2a: {  	s10 =	sadd.s32 $0x10000, s10;
	p2 =	sgt.u32 s14, $0x137;
	[sflag:s12] =	ssyncset.done @!p0 $0x0  }
0x2b: {  	p1 =	sne.s32 @p2 s13, $0xFFFFFFF8;
	p2 =	por p2, p2  }
0x2c: {  	p1 =	por p1, !p2  }
0x2d: {  	[sflag:s12] =	ssyncadd.s32 @!p0 $0xFFFFF000;
	s11 =	simm.s32 @!p1 $0x1B980;
	s12 =	simm.s32 @!p1 $0x3  }
0x2e: {  	[spmem:s6] =	stream.linear.scatter @!p1 [tilespmem:s11], [sflag:$0x3], $0x800, $0x38;
	[tilespmem:$0x1C980] =	vst v63  }
0x2f: {  	_ =	swait.ge @!p1 [sflag:s12], $0x800  }
0x30: {  	[sflag:s12] =	ssyncset.done @!p1 $0x0  }
0x31: {  	s11 =	simm.s32 @!p2 $0x4;
	[sflag:s12] =	ssyncadd.s32 @!p1 $0xFFFFF800;
	s12 =	simm.s32 @!p2 $0x1B980  }
0x32: {  	[spmem:s10] =	stream.linear.scatter @!p2 [tilespmem:s12], [sflag:$0x4], $0x1000, $0x38;
	[tilespmem:$0x1C980] =	vst v63  }
0x33: {  	s14 =	sshll.u32 s4, $0xE;
	_ =	swait.ge @!p2 [sflag:s11], $0x1000  }
0x34: {  	s13 =	simm.s32 $0x13880;
	s10 =	sshll.u32 s4, $0x7;
	[sflag:s11] =	ssyncset.done @!p2 $0x0  }
0x35: {  	s12 =	simm.s32 $0x0;
	s16 =	sadd.s32 s10, s8;
	[sflag:s11] =	ssyncadd.s32 @!p2 $0xFFFFF000  }
0x36: {  	s17 =	sadd.s32 $0x0, s16;
	s11 =	simm.s32 $0x3;
	[bflag:$0x0] =	sbarrier.arrive $0xFFFF  }
0x37: {  	[tilespmem:s13], [sflag:$0x3] =	stream.linear.gather [hbm4b:s17+s12], $0x80, $0x38;
	[tilespmem:$0x1C980] =	vst v63  }
0x38: {  	s7 =	sadd.s32 s14, s7;
	_ =	swait.ge [sflag:s11], $0x80  }
0x39: {  	s20 =	sadd.s32 $0x800, s7;
	[sflag:s11] =	ssyncset.done $0x0  }
0x3a: {  	s15 =	simm.s32 $0x13980;
	s7 =	sadd.s32 $0xFFFFF800, s20;
	[sflag:s11] =	ssyncadd.s32 $0xFFFFFF80  }
0x3b: {  	[tilespmem:s15], [sflag:$0x3] =	stream.linear.gather [hbm4b:s7+s12], $0x4000, $0x38;
	[tilespmem:$0x1C980] =	vst v63  }
0x3c: {  	_ =	swait.ge [sflag:s11], $0x4000  }
0x3d: {  	[sflag:s11] =	ssyncset.done $0x0  }
0x3e: {  	s7 =	simm.s32 $0x80;
	[sflag:s11] =	ssyncadd.s32 $0xFFFFC000  }
0x3f: {  	[spmem:s3] =	stream.indirect.scatter.add.f32 [tilespmem:s15], [sflag:$0x1], $0x80, s13, s7, $0xb8;
	[tilespmem:$0x1C980] =	vst v63  }
0x40: {  	s14 =	simm.s32 $0x13900;
	s17 =	sadd.s32 $0x10, s17  }
0x41: {  	[tilespmem:s14], [sflag:$0x3] =	stream.linear.gather [hbm4b:s17+s12], $0x80, $0x38;
	[tilespmem:$0x1C980] =	vst v63  }
0x42: {  	_ =	swait.ge [sflag:s11], $0x80  }
0x43: {  	[sflag:s11] =	ssyncset.done $0x0  }
0x44: {  	s17 =	simm.s32 $0x17980;
	[sflag:s11] =	ssyncadd.s32 $0xFFFFFF80  }
0x45: {  	[tilespmem:s17], [sflag:$0x3] =	stream.linear.gather [hbm4b:s20+s12], $0x4000, $0x38;
	[tilespmem:$0x1C980] =	vst v63  }
0x46: {  	_ =	swait.ge [sflag:s11], $0x4000  }
0x47: {  	[sflag:s11] =	ssyncset.done $0x0  }
0x48: {  	s19 =	simm.s32 $0x1;
	[sflag:s11] =	ssyncadd.s32 $0xFFFFC000  }
0x49: {  	[spmem:s3] =	stream.indirect.scatter.add.f32 [tilespmem:s17], [sflag:$0x2], $0x80, s14, s7, $0xb8;
	[tilespmem:$0x1C980] =	vst v63  }
0x4a: {  	_ =	swait.ge [sflag:s19], $0x4000  }
0x4b: {  	[sflag:s19] =	ssyncset.done $0x0  }
0x4c: {  	s18 =	simm.s32 $0x2;
	[sflag:s19] =	ssyncadd.s32 $0xFFFFC000  }
0x4d: {  	s21 =	simm.s32 $0x20;
	_ =	swait.ge [sflag:s18], $0x4000  }
0x4e: {  	s22 =	simm.s32 $0x40;
	s20 =	sadd.s32 $0x1000, s20;
	[sflag:s18] =	ssyncset.done $0x0  }
.LBB2_5:
0x4f: {  	s23 =	sadd.s32 s21, s16  }
0x50: {  	[sflag:s18] =	ssyncadd.s32 $0xFFFFC000;
	s21 =	smov.u32 s22;
	s24 =	sadd.s32 $0x20, s22  }
0x51: {  	[tilespmem:s13], [sflag:$0x3] =	stream.linear.gather [hbm4b:s23+s12], $0x80, $0x38;
	[tilespmem:$0x1C980] =	vst v63  }
0x52: {  	p0 =	sne.s32 s22, $0x60;
	_ =	swait.ge [sflag:s11], $0x80  }
0x53: {  	[sflag:s11] =	ssyncset.done $0x0  }
0x54: {  	s22 =	sadd.s32 $0xFFFFF800, s20;
	[sflag:s11] =	ssyncadd.s32 $0xFFFFFF80  }
0x55: {  	[tilespmem:s15], [sflag:$0x3] =	stream.linear.gather [hbm4b:s22+s12], $0x4000, $0x38;
	[tilespmem:$0x1C980] =	vst v63  }
0x56: {  	_ =	swait.ge [sflag:s11], $0x4000  }
0x57: {  	[sflag:s11] =	ssyncset.done $0x0  }
0x58: {  	[sflag:s11] =	ssyncadd.s32 $0xFFFFC000  }
0x59: {  	[spmem:s3] =	stream.indirect.scatter.add.f32 [tilespmem:s15], [sflag:$0x1], $0x80, s13, s7, $0xb8;
	[tilespmem:$0x1C980] =	vst v63  }
0x5a: {  	s22 =	sadd.s32 $0x10, s23  }
0x5b: {  	[tilespmem:s14], [sflag:$0x3] =	stream.linear.gather [hbm4b:s22+s12], $0x80, $0x38;
	[tilespmem:$0x1C980] =	vst v63  }
0x5c: {  	_ =	swait.ge [sflag:s11], $0x80  }
0x5d: {  	[sflag:s11] =	ssyncset.done $0x0  }
0x5e: {  	[sflag:s11] =	ssyncadd.s32 $0xFFFFFF80  }
0x5f: {  	[tilespmem:s17], [sflag:$0x3] =	stream.linear.gather [hbm4b:s20+s12], $0x4000, $0x38;
	[tilespmem:$0x1C980] =	vst v63  }
0x60: {  	_ =	swait.ge [sflag:s11], $0x4000  }
0x61: {  	[sflag:s11] =	ssyncset.done $0x0  }
0x62: {  	[sflag:s11] =	ssyncadd.s32 $0xFFFFC000  }
0x63: {  	[spmem:s3] =	stream.indirect.scatter.add.f32 [tilespmem:s17], [sflag:$0x2], $0x80, s14, s7, $0xb8;
	[tilespmem:$0x1C980] =	vst v63  }
.Ltmp2:
0x64: {  	_ =	swait.ge [sflag:s19], $0x4000;
	(pc) =	sbr.rel @p0 .LBB2_5-.Ltmp2, $4  }
0x65: {  	[sflag:s19] =	ssyncset.done $0x0  }
0x66: {  	[sflag:s19] =	ssyncadd.s32 $0xFFFFC000  }
0x67: {  	_ =	swait.ge [sflag:s18], $0x4000  }
0x68: {  	s22 =	smov.u32 s24;
	s20 =	sadd.s32 $0x1000, s20;
	[sflag:s18] =	ssyncset.done $0x0  }
0x69: {  	s16 =	sadd.s32 s21, s16;
	[sflag:s18] =	ssyncadd.s32 $0xFFFFC000  }
0x6a: {  	[tilespmem:s13], [sflag:$0x3] =	stream.linear.gather [hbm4b:s16+s12], $0x80, $0x38;
	[tilespmem:$0x1C980] =	vst v63  }
0x6b: {  	_ =	swait.ge [sflag:s11], $0x80  }
0x6c: {  	[sflag:s11] =	ssyncset.done $0x0  }
0x6d: {  	s26 =	sadd.s32 $0xFFFFF800, s20;
	[sflag:s11] =	ssyncadd.s32 $0xFFFFFF80  }
0x6e: {  	[tilespmem:s15], [sflag:$0x3] =	stream.linear.gather [hbm4b:s26+s12], $0x4000, $0x38;
	[tilespmem:$0x1C980] =	vst v63  }
0x6f: {  	_ =	swait.ge [sflag:s11], $0x4000  }
0x70: {  	[sflag:s11] =	ssyncset.done $0x0  }
0x71: {  	[sflag:s11] =	ssyncadd.s32 $0xFFFFC000  }
0x72: {  	[spmem:s3] =	stream.indirect.scatter.add.f32 [tilespmem:s15], [sflag:$0x1], $0x80, s13, s7, $0xb8;
	[tilespmem:$0x1C980] =	vst v63  }
0x73: {  	s28 =	sadd.s32 $0x10, s16  }
0x74: {  	[tilespmem:s14], [sflag:$0x3] =	stream.linear.gather [hbm4b:s28+s12], $0x80, $0x38;
	[tilespmem:$0x1C980] =	vst v63  }
0x75: {  	_ =	swait.ge [sflag:s11], $0x80  }
0x76: {  	[sflag:s11] =	ssyncset.done $0x0  }
0x77: {  	[sflag:s11] =	ssyncadd.s32 $0xFFFFFF80  }
0x78: {  	[tilespmem:s17], [sflag:$0x3] =	stream.linear.gather [hbm4b:s20+s12], $0x4000, $0x38;
	[tilespmem:$0x1C980] =	vst v63  }
0x79: {  	_ =	swait.ge [sflag:s11], $0x4000  }
0x7a: {  	[sflag:s11] =	ssyncset.done $0x0  }
0x7b: {  	[sflag:s11] =	ssyncadd.s32 $0xFFFFC000  }
0x7c: {  	[spmem:s3] =	stream.indirect.scatter.add.f32 [tilespmem:s17], [sflag:$0x2], $0x80, s14, s7, $0xb8;
	[tilespmem:$0x1C980] =	vst v63  }
0x7d: {  	_ =	swait.ge [sflag:s19], $0x4000  }
0x7e: {  	s7 =	sadd.s32 $0xFFFFFEC0, s4;
	[sflag:s19] =	ssyncset.done $0x0  }
0x7f: {  	s29 =	sadd.s32 $0x140, s7;
	[sflag:s19] =	ssyncadd.s32 $0xFFFFC000  }
0x80: {  	p0 =	sgt.u32 s29, $0x137;
	_ =	swait.ge [sflag:s18], $0x4000  }
0x81: {  	p1 =	sne.s32 @p0 s7, $0xFFFFFFF8;
	[sflag:s18] =	ssyncset.done $0x0  }
0x82: {  	p1 =	por p1, !p0;
	[sflag:s18] =	ssyncadd.s32 $0xFFFFC000  }
0x83: {  	s11 =	simm.s32 @!p1 $0x13980;
	s12 =	simm.s32 @!p1 $0x4;
	[bflag:$0x0] =	sbarrier.arrive $0xFFFF  }
0x84: {  	[tilespmem:s11], [sflag:$0x4] =	stream.linear.gather @!p1 [spmem:s6], $0x800, $0x38;
	[tilespmem:$0x1C980] =	vst v63  }
0x85: {  	_ =	swait.ge @!p1 [sflag:s12], $0x800  }
0x86: {  	s7 =	sadd.s32 $0x27000, s5;
	[sflag:s12] =	ssyncset.done @!p1 $0x0  }
0x87: {  	s13 =	simm.s32 @!p1 $0x3;
	[sflag:s12] =	ssyncadd.s32 @!p1 $0xFFFFF800;
	s12 =	simm.s32 @!p1 $0x0  }
0x88: {  	[hbm4b:s7+s12] =	stream.linear.scatter @!p1 [tilespmem:s11], [sflag:$0x3], $0x800, $0x38;
	[tilespmem:$0x1C980] =	vst v63  }
0x89: {  	s30 =	sshll.u32 s4, $0x9;
	p0 =	por p0, p0;
	_ =	swait.ge @!p1 [sflag:s13], $0x800  }
0x8a: {  	s16 =	sadd.s32 $0xFFFFFED0, s4;
	s14 =	simm.s32 @!p0 $0x4;
	[sflag:s13] =	ssyncset.done @!p1 $0x0  }
0x8b: {  	s15 =	simm.s32 @!p0 $0x13980;
	s12 =	sadd.s32 s30, s5;
	[sflag:s13] =	ssyncadd.s32 @!p1 $0xFFFFF800  }
0x8c: {  	[tilespmem:s15], [sflag:$0x4] =	stream.linear.gather @!p0 [spmem:s9], $0x1000, $0x38;
	[tilespmem:$0x1C980] =	vst v63  }
0x8d: {  	s31 =	sadd.s32 $0x140, s16;
	s11 =	sadd.s32 $0x2000, s12;
	_ =	swait.ge @!p0 [sflag:s14], $0x1000  }
0x8e: {  	s13 =	simm.s32 $0xFFFFFEE0;
	p1 =	sgt.u32 s31, $0x137;
	[sflag:s14] =	ssyncset.done @!p0 $0x0  }
0x8f: {  	p3 =	sne.s32 @p1 s16, $0xFFFFFFF8;
	s16 =	simm.s32 @!p0 $0x0;
	[sflag:s14] =	ssyncadd.s32 @!p0 $0xFFFFF000  }
.LBB2_7:
0x90: {  	p3 =	por p3, !p1  }
0x91: {  	s9 =	sadd.s32 $0x10000, s9;
	s17 =	smov.u32 s13;
	s13 =	sadd.s32 $0x10, s13  }
0x92: {  	[hbm4b:s12+s16] =	stream.linear.scatter @!p0 [tilespmem:s15], [sflag:$0x4], $0x1000, $0x38;
	[tilespmem:$0x1C980] =	vst v63  }
0x93: {  	p2 =	sne.s32 s13, $0x0;
	s12 =	smov.u32 s11;
	_ =	swait.ge @!p0 [sflag:s14], $0x1000  }
0x94: {  	[sflag:s14] =	ssyncset.done @!p0 $0x0  }
0x95: {  	s15 =	simm.s32 @!p3 $0x13980;
	s16 =	simm.s32 @!p3 $0x4;
	[sflag:s14] =	ssyncadd.s32 @!p0 $0xFFFFF000  }
0x96: {  	[tilespmem:s15], [sflag:$0x4] =	stream.linear.gather @!p3 [spmem:s6], $0x800, $0x38;
	[tilespmem:$0x1C980] =	vst v63  }
0x97: {  	p0 =	por p1, p1;
	_ =	swait.ge @!p3 [sflag:s16], $0x800  }
0x98: {  	[sflag:s16] =	ssyncset.done @!p3 $0x0  }
0x99: {  	s14 =	simm.s32 @!p3 $0x0;
	[sflag:s16] =	ssyncadd.s32 @!p3 $0xFFFFF800;
	s16 =	simm.s32 @!p3 $0x3  }
0x9a: {  	[hbm4b:s7+s14] =	stream.linear.scatter @!p3 [tilespmem:s15], [sflag:$0x3], $0x800, $0x38;
	[tilespmem:$0x1C980] =	vst v63  }
0x9b: {  	_ =	swait.ge @!p3 [sflag:s16], $0x800  }
0x9c: {  	s17 =	sadd.s32 s17, s4;
	s14 =	simm.s32 @!p0 $0x4;
	[sflag:s16] =	ssyncset.done @!p3 $0x0  }
.Ltmp3:
0x9d: {  	s15 =	simm.s32 @!p0 $0x13980;
	[sflag:s16] =	ssyncadd.s32 @!p3 $0xFFFFF800;
	(pc) =	sbr.rel @p2 .LBB2_7-.Ltmp3, $4  }
0x9e: {  	[tilespmem:s15], [sflag:$0x4] =	stream.linear.gather @!p0 [spmem:s9], $0x1000, $0x38;
	[tilespmem:$0x1C980] =	vst v63  }
0x9f: {  	s16 =	sadd.s32 $0x140, s17;
	_ =	swait.ge @!p0 [sflag:s14], $0x1000  }
0xa0: {  	s11 =	sadd.s32 $0x2000, s11;
	p1 =	sgt.u32 s16, $0x137;
	[sflag:s14] =	ssyncset.done @!p0 $0x0  }
0xa1: {  	s16 =	simm.s32 @!p0 $0x0;
	p3 =	sne.s32 @p1 s17, $0xFFFFFFF8;
	[sflag:s14] =	ssyncadd.s32 @!p0 $0xFFFFF000  }
0xa2: {  	[hbm4b:s12+s16] =	stream.linear.scatter @!p0 [tilespmem:s15], [sflag:$0x4], $0x1000, $0x38;
	[tilespmem:$0x1C980] =	vst v63  }
0xa3: {  	_ =	swait.ge @!p0 [sflag:s14], $0x1000  }
0xa4: {  	p2 =	por p3, !p1;
	[sflag:s14] =	ssyncset.done @!p0 $0x0  }
0xa5: {  	s12 =	simm.s32 @!p2 $0x13980;
	s13 =	simm.s32 @!p2 $0x4;
	[sflag:s14] =	ssyncadd.s32 @!p0 $0xFFFFF000  }
0xa6: {  	[tilespmem:s12], [sflag:$0x4] =	stream.linear.gather @!p2 [spmem:s6], $0x800, $0x38;
	[tilespmem:$0x1C980] =	vst v63  }
0xa7: {  	_ =	swait.ge @!p2 [sflag:s13], $0x800  }
0xa8: {  	[sflag:s13] =	ssyncset.done @!p2 $0x0  }
0xa9: {  	s14 =	simm.s32 @!p2 $0x3;
	[sflag:s13] =	ssyncadd.s32 @!p2 $0xFFFFF800;
	s13 =	simm.s32 @!p2 $0x0  }
0xaa: {  	[hbm4b:s7+s13] =	stream.linear.scatter @!p2 [tilespmem:s12], [sflag:$0x3], $0x800, $0x38;
	[tilespmem:$0x1C980] =	vst v63  }
0xab: {  	_ =	swait.ge @!p2 [sflag:s14], $0x800  }
0xac: {  	s9 =	sadd.s32 $0x10000, s9;
	p0 =	por p1, p1;
	[sflag:s14] =	ssyncset.done @!p2 $0x0  }
0xad: {  	s12 =	simm.s32 @!p0 $0x4;
	s13 =	simm.s32 @!p0 $0x13980;
	[sflag:s14] =	ssyncadd.s32 @!p2 $0xFFFFF800  }
0xae: {  	[tilespmem:s13], [sflag:$0x4] =	stream.linear.gather @!p0 [spmem:s9], $0x1000, $0x38;
	[tilespmem:$0x1C980] =	vst v63  }
0xaf: {  	_ =	swait.ge @!p0 [sflag:s12], $0x1000  }
0xb0: {  	[sflag:s12] =	ssyncset.done @!p0 $0x0  }
0xb1: {  	s9 =	simm.s32 @!p0 $0x0;
	[sflag:s12] =	ssyncadd.s32 @!p0 $0xFFFFF000  }
0xb2: {  	[hbm4b:s11+s9] =	stream.linear.scatter @!p0 [tilespmem:s13], [sflag:$0x4], $0x1000, $0x38;
	[tilespmem:$0x1C980] =	vst v63  }
0xb3: {  	_ =	swait.ge @!p0 [sflag:s12], $0x1000  }
0xb4: {  	[sflag:s12] =	ssyncset.done @!p0 $0x0  }
0xb5: {  	[sflag:s12] =	ssyncadd.s32 @!p0 $0xFFFFF000  }
0xb6: {  	v0 =	vimm.f32 $1.000000000e+00;
	s9 =	simm.s32 $0x0;
	s11 =	simm.s32 $0x200;
	[bflag:$0x0] =	sbarrier.arrive $0xFFFF  }
.LBB2_9:
0xb7: {  	p0 =	seq.s32 s11, $0xFE00;
	[tilespmem:s9+$0x139F0] =	vst v0  }
0xb8: {  	[tilespmem:s9+$0x13980] =	vst v0  }
0xb9: {  	[tilespmem:s9+$0x13990] =	vst v0  }
.Ltmp4:
0xba: {  	[tilespmem:s9+$0x139A0] =	vst v0;
	(pc) =	sbr.rel @!p0 .LBB2_9-.Ltmp4, $4  }
0xbb: {  	[tilespmem:s9+$0x139B0] =	vst v0  }
0xbc: {  	[tilespmem:s9+$0x139C0] =	vst v0  }
0xbd: {  	[tilespmem:s9+$0x139D0] =	vst v0  }
0xbe: {  	[tilespmem:s9+$0x139E0] =	vst v0;
	s9 =	sshra.s32 s11, $0x2;
	s11 =	sadd.s32 $0x200, s11  }
0xbf: {  	[tilespmem:s9+$0x139F0] =	vst v0  }
0xc0: {  	[tilespmem:s9+$0x13980] =	vst v0  }
0xc1: {  	[tilespmem:s9+$0x13990] =	vst v0  }
0xc2: {  	[tilespmem:s9+$0x139A0] =	vst v0  }
0xc3: {  	[tilespmem:s9+$0x139B0] =	vst v0  }
0xc4: {  	[tilespmem:s9+$0x139C0] =	vst v0  }
0xc5: {  	[tilespmem:s9+$0x139D0] =	vst v0;
	s11 =	sadd.s32 s8, s10  }
0xc6: {  	[tilespmem:s9+$0x139E0] =	vst v0;
	s8 =	simm.s32 $0x0;
	s12 =	simm.s32 $0x13880;
	s9 =	simm.s32 $0x3  }
0xc7: {  	[tilespmem:s12], [sflag:$0x3] =	stream.linear.gather [hbm4b:s11+s8], $0x80, $0x38;
	[tilespmem:$0x1C980] =	vst v63  }
0xc8: {  	_ =	swait.ge [sflag:s9], $0x80  }
0xc9: {  	[sflag:s9] =	ssyncset.done $0x0  }
0xca: {  	s13 =	simm.s32 $0x80;
	s10 =	simm.s32 $0x13980;
	[sflag:s9] =	ssyncadd.s32 $0xFFFFFF80  }
0xcb: {  	[spmem:s3] =	stream.indirect.scatter.add.f32 [tilespmem:s10], [sflag:$0x1], $0x80, s12, s13, $0xb8;
	[tilespmem:$0x1C980] =	vst v63  }
0xcc: {  	s15 =	simm.s32 $0x13900;
	s14 =	sadd.s32 $0x10, s11  }
0xcd: {  	[tilespmem:s15], [sflag:$0x3] =	stream.linear.gather [hbm4b:s14+s8], $0x80, $0x38;
	[tilespmem:$0x1C980] =	vst v63  }
0xce: {  	_ =	swait.ge [sflag:s9], $0x80  }
0xcf: {  	[sflag:s9] =	ssyncset.done $0x0  }
0xd0: {  	s26 =	simm.s32 $0x1;
	[sflag:s9] =	ssyncadd.s32 $0xFFFFFF80  }
0xd1: {  	[spmem:s3] =	stream.indirect.scatter.add.f32 [tilespmem:s10], [sflag:$0x2], $0x80, s15, s13, $0xb8;
	[tilespmem:$0x1C980] =	vst v63  }
0xd2: {  	_ =	swait.ge [sflag:s26], $0x4000  }
0xd3: {  	[sflag:s26] =	ssyncset.done $0x0  }
0xd4: {  	s16 =	simm.s32 $0x2;
	[sflag:s26] =	ssyncadd.s32 $0xFFFFC000  }
0xd5: {  	_ =	swait.ge [sflag:s16], $0x4000  }
0xd6: {  	[sflag:s16] =	ssyncset.done $0x0  }
0xd7: {  	s17 =	sadd.s32 $0x20, s11;
	[sflag:s16] =	ssyncadd.s32 $0xFFFFC000  }
0xd8: {  	[tilespmem:s12], [sflag:$0x3] =	stream.linear.gather [hbm4b:s17+s8], $0x80, $0x38;
	[tilespmem:$0x1C980] =	vst v63  }
0xd9: {  	_ =	swait.ge [sflag:s9], $0x80  }
0xda: {  	[sflag:s9] =	ssyncset.done $0x0  }
0xdb: {  	[sflag:s9] =	ssyncadd.s32 $0xFFFFFF80  }
0xdc: {  	[spmem:s3] =	stream.indirect.scatter.add.f32 [tilespmem:s10], [sflag:$0x1], $0x80, s12, s13, $0xb8;
	[tilespmem:$0x1C980] =	vst v63  }
0xdd: {  	s28 =	sadd.s32 $0x30, s11  }
0xde: {  	[tilespmem:s15], [sflag:$0x3] =	stream.linear.gather [hbm4b:s28+s8], $0x80, $0x38;
	[tilespmem:$0x1C980] =	vst v63  }
0xdf: {  	_ =	swait.ge [sflag:s9], $0x80  }
0xe0: {  	[sflag:s9] =	ssyncset.done $0x0  }
0xe1: {  	[sflag:s9] =	ssyncadd.s32 $0xFFFFFF80  }
0xe2: {  	[spmem:s3] =	stream.indirect.scatter.add.f32 [tilespmem:s10], [sflag:$0x2], $0x80, s15, s13, $0xb8;
	[tilespmem:$0x1C980] =	vst v63  }
0xe3: {  	_ =	swait.ge [sflag:s26], $0x4000  }
0xe4: {  	[sflag:s26] =	ssyncset.done $0x0  }
0xe5: {  	[sflag:s26] =	ssyncadd.s32 $0xFFFFC000  }
0xe6: {  	_ =	swait.ge [sflag:s16], $0x4000  }
0xe7: {  	[sflag:s16] =	ssyncset.done $0x0  }
0xe8: {  	s29 =	sadd.s32 $0x40, s11;
	[sflag:s16] =	ssyncadd.s32 $0xFFFFC000  }
0xe9: {  	[tilespmem:s12], [sflag:$0x3] =	stream.linear.gather [hbm4b:s29+s8], $0x80, $0x38;
	[tilespmem:$0x1C980] =	vst v63  }
0xea: {  	_ =	swait.ge [sflag:s9], $0x80  }
0xeb: {  	[sflag:s9] =	ssyncset.done $0x0  }
0xec: {  	[sflag:s9] =	ssyncadd.s32 $0xFFFFFF80  }
0xed: {  	[spmem:s3] =	stream.indirect.scatter.add.f32 [tilespmem:s10], [sflag:$0x1], $0x80, s12, s13, $0xb8;
	[tilespmem:$0x1C980] =	vst v63  }
0xee: {  	s30 =	sadd.s32 $0x50, s11  }
0xef: {  	[tilespmem:s15], [sflag:$0x3] =	stream.linear.gather [hbm4b:s30+s8], $0x80, $0x38;
	[tilespmem:$0x1C980] =	vst v63  }
0xf0: {  	_ =	swait.ge [sflag:s9], $0x80  }
0xf1: {  	[sflag:s9] =	ssyncset.done $0x0  }
0xf2: {  	[sflag:s9] =	ssyncadd.s32 $0xFFFFFF80  }
0xf3: {  	[spmem:s3] =	stream.indirect.scatter.add.f32 [tilespmem:s10], [sflag:$0x2], $0x80, s15, s13, $0xb8;
	[tilespmem:$0x1C980] =	vst v63  }
0xf4: {  	_ =	swait.ge [sflag:s26], $0x4000  }
0xf5: {  	[sflag:s26] =	ssyncset.done $0x0  }
0xf6: {  	[sflag:s26] =	ssyncadd.s32 $0xFFFFC000  }
0xf7: {  	_ =	swait.ge [sflag:s16], $0x4000  }
0xf8: {  	[sflag:s16] =	ssyncset.done $0x0  }
0xf9: {  	s31 =	sadd.s32 $0x60, s11;
	[sflag:s16] =	ssyncadd.s32 $0xFFFFC000  }
0xfa: {  	[tilespmem:s12], [sflag:$0x3] =	stream.linear.gather [hbm4b:s31+s8], $0x80, $0x38;
	[tilespmem:$0x1C980] =	vst v63  }
0xfb: {  	_ =	swait.ge [sflag:s9], $0x80  }
0xfc: {  	[sflag:s9] =	ssyncset.done $0x0  }
0xfd: {  	[sflag:s9] =	ssyncadd.s32 $0xFFFFFF80  }
0xfe: {  	[spmem:s3] =	stream.indirect.scatter.add.f32 [tilespmem:s10], [sflag:$0x1], $0x80, s12, s13, $0xb8;
	[tilespmem:$0x1C980] =	vst v63  }
0xff: {  	s11 =	sadd.s32 $0x70, s11  }
0x100: {  	[tilespmem:s15], [sflag:$0x3] =	stream.linear.gather [hbm4b:s11+s8], $0x80, $0x38;
	[tilespmem:$0x1C980] =	vst v63  }
0x101: {  	_ =	swait.ge [sflag:s9], $0x80  }
0x102: {  	[sflag:s9] =	ssyncset.done $0x0  }
0x103: {  	[sflag:s9] =	ssyncadd.s32 $0xFFFFFF80  }
0x104: {  	[spmem:s3] =	stream.indirect.scatter.add.f32 [tilespmem:s10], [sflag:$0x2], $0x80, s15, s13, $0xb8;
	[tilespmem:$0x1C980] =	vst v63  }
0x105: {  	_ =	swait.ge [sflag:s26], $0x4000  }
0x106: {  	[sflag:s26] =	ssyncset.done $0x0  }
0x107: {  	[sflag:s26] =	ssyncadd.s32 $0xFFFFC000  }
.Ltmp5:
0x108: {  	_ =	swait.ge [sflag:s16], $0x4000;
	(pc) =	sbr.rel .LBB2_11-.Ltmp5, $4  }
0x109: {  	[sflag:s16] =	ssyncset.done $0x0  }
0x10a: {  	s14 =	simm.s32 $0x14980;
	[sflag:s16] =	ssyncadd.s32 $0xFFFFC000  }
0x10b: {  	s12 =	sadd.s32 $0x27000, s2;
	s11 =	sadd.s32 $0x27000, s1;
	[bflag:$0x0] =	sbarrier.arrive $0xFFFF  }
0x10c: {  	s13 =	simm.s32 $0x4;
	s15 =	simm.s32 $0x15980;
	s16 =	simm.s32 $0x0  }
.LBB2_18:
0x10d: {  	v13 =	vld [tilespmem:s18+$0x13980];
	_ =	sdelay $0x4  }
0x10e: {  	v7 =	vsub.f32 v7, v13;
	_ =	sdelay $0x1  }
0x10f: {  	v7 =	vadd.f32 $5.000000000e-01, v7  }
0x110: {  	[tilespmem:s17+$0x139F0] =	vst v10  }
0x111: {  	[tilespmem:s17+$0x139E0] =	vst v12;
	v1 =	vsel vm0, v8, v1;
	v48 =	vtrunc.f32 v7  }
0x112: {  	v6 =	vmul.f32 v3, v6;
	[tilespmem:s17+$0x139C0] =	vst v1;
	v1 =	vcvt.f32.s32 v48  }
0x113: {  	[tilespmem:s17+$0x139D0] =	vst v9;
	v2 =	vmul.f32 v3, v2;
	v47 =	vsel vm0, v11, v4  }
0x114: {  	[tilespmem:s17+$0x139B0] =	vst v47;
	v49 =	vsel vm0, v6, v5;
	v50 =	vcvt.s32.f32 v1  }
0x115: {  	v0 =	vsel vm0, v2, v0;
	[tilespmem:s17+$0x139A0] =	vst v49  }
0x116: {  	[tilespmem:s17+$0x13990] =	vst v0;
	v0 =	vmax.f32 v50, $1.000000000e+00  }
0x117: {  	v51 =	vld [tilespmem:s18+$0x14980];
	(erf) = vrcp.f32 v0  }
0x118: {  	v52 =	vld [tilespmem:s18+$0x149D0]  }
0x119: {  	v53 =	vld [tilespmem:s18+$0x149E0]  }
0x11a: {  	v54 =	vld [tilespmem:s18+$0x149F0]  }
0x11b: {  	v55 =	vld [tilespmem:s18+$0x13990]  }
0x11c: {  	v56 =	vld [tilespmem:s18+$0x139D0]  }
0x11d: {  	v9 =	vld [tilespmem:s18+$0x139F0]  }
0x11e: {  	v10 =	vld [tilespmem:s18+$0x139E0]  }
0x11f: {  	v57 =	vld [tilespmem:s18+$0x139C0]  }
0x120: {  	v12 =	vld [tilespmem:s18+$0x139B0];
	v14 =	vpop (erf)  }
0x121: {  	v15 =	vld [tilespmem:s18+$0x139A0];
	v13 =	vmul.f32 v14, v13  }
0x122: {  	v16 =	vld [tilespmem:s18+$0x149B0];
	vm15 =	vgt.s32 v1, $0x0;
	v9 =	vmul.f32 v9, v14  }
0x123: {  	v58 =	vld [tilespmem:s18+$0x149A0];
	v10 =	vmul.f32 v10, v14;
	v2 =	vsel vm15, v13, v51  }
0x124: {  	v4 =	vld [tilespmem:s18+$0x149C0];
	v8 =	vmul.f32 v56, v14;
	v6 =	vsel vm15, v9, v54;
	[tilespmem:s18+$0x13980] =	vst v2  }
0x125: {  	v3 =	vld [tilespmem:s18+$0x14990];
	v60 =	vmul.f32 v12, v14;
	v5 =	vsel vm15, v10, v53;
	[tilespmem:s18+$0x139F0] =	vst v6  }
0x126: {  	v61 =	vmul.f32 v14, v15;
	v0 =	vsel vm15, v8, v52;
	[tilespmem:s18+$0x139E0] =	vst v5  }
0x127: {  	v59 =	vmul.f32 v57, v14;
	v63 =	vsel vm15, v60, v16;
	[tilespmem:s18+$0x139D0] =	vst v0  }
0x128: {  	v62 =	vmul.f32 v14, v55;
	v1 =	vsel vm15, v61, v58;
	[tilespmem:s18+$0x139B0] =	vst v63  }
0x129: {  	v2 =	vsel vm15, v59, v4;
	[tilespmem:s18+$0x139A0] =	vst v1  }
0x12a: {  	v0 =	vsel vm15, v62, v3;
	[tilespmem:s18+$0x139C0] =	vst v2  }
0x12b: {  	[tilespmem:s18+$0x13990] =	vst v0  }
0x12c: {  	[hbm4b:s12+s8] =	stream.linear.scatter [tilespmem:s10], [sflag:$0x3], $0x800, $0x38;
	[tilespmem:$0x1C980] =	vst v63  }
0x12d: {  	_ =	swait.ge [sflag:s9], $0x800  }
0x12e: {  	[sflag:s9] =	ssyncset.done $0x0  }
0x12f: {  	[sflag:s9] =	ssyncadd.s32 $0xFFFFF800  }
.LBB2_19:
0x130: {  	s16 =	sadd.s32 $0x1, s16  }
0x131: {  	p0 =	sne.s32 s16, $0x14  }
.Ltmp6:
0x132: {  	_ = 	snop;
	(pc) =	sbr.rel @!p0 .LBB2_20-.Ltmp6, $1  }
0x133: {  	_ =	sdelay $0x3  }
.LBB2_11:
0x134: {  	s17 =	sshll.u32 s16, $0x4  }
0x135: {  	s18 =	sor.u32 s4, s17  }
0x136: {  	p0 =	sgt.u32 s18, $0x137  }
.Ltmp7:
0x137: {  	_ = 	snop;
	(pc) =	sbr.rel @p0 .LBB2_15-.Ltmp7, $1  }
0x138: {  	_ =	sdelay $0x3  }
0x139: {  	s17 =	sshll.u32 s18, $0x9  }
0x13a: {  	s20 =	simm.s32 $0x0;
	s19 =	sadd.s32 s5, s17  }
0x13b: {  	[tilespmem:s10], [sflag:$0x4] =	stream.linear.gather [hbm4b:s19+s20], $0x1000, $0x38;
	[tilespmem:$0x1C980] =	vst v63  }
0x13c: {  	_ =	swait.ge [sflag:s13], $0x1000  }
0x13d: {  	[sflag:s13] =	ssyncset.done $0x0  }
0x13e: {  	s30 =	sadd.s32 s1, s17;
	[sflag:s13] =	ssyncadd.s32 $0xFFFFF000  }
0x13f: {  	[tilespmem:s14], [sflag:$0x4] =	stream.linear.gather [hbm4b:s30+s20], $0x1000, $0x38;
	[tilespmem:$0x1C980] =	vst v63  }
0x140: {  	s31 =	sshll.u32 s18, $0xC;
	_ =	swait.ge [sflag:s13], $0x1000  }
0x141: {  	s18 =	sand.u32 $0x3FFFF000, s31;
	[sflag:s13] =	ssyncset.done $0x0  }
0x142: {  	s18 =	sadd.s32 s18, s3;
	[sflag:s13] =	ssyncadd.s32 $0xFFFFF000  }
0x143: {  	[tilespmem:s15], [sflag:$0x4] =	stream.linear.gather [spmem:s18], $0x1000, $0x38;
	[tilespmem:$0x1C980] =	vst v63  }
0x144: {  	_ =	swait.ge [sflag:s13], $0x1000  }
0x145: {  	[sflag:s13] =	ssyncset.done $0x0  }
0x146: {  	s18 =	simm.s32 $0x0;
	[sflag:s13] =	ssyncadd.s32 $0xFFFFF000  }
0x147: {  	v0 =	vld [tilespmem:s18+$0x15980]  }
0x148: {  	v4 =	vld [tilespmem:s18+$0x13980];
	_ =	sdelay $0x4  }
0x149: {  	v0 =	vsub.f32 v0, v4;
	_ =	sdelay $0x1  }
0x14a: {  	v0 =	vadd.f32 $5.000000000e-01, v0;
	_ =	sdelay $0x1  }
0x14b: {  	v0 =	vtrunc.f32 v0  }
0x14c: {  	v5 =	vcvt.f32.s32 v0;
	_ =	sdelay $0x1  }
0x14d: {  	v7 =	vld [tilespmem:s18+$0x14980];
	v1 =	vcvt.s32.f32 v5  }
0x14e: {  	v9 =	vld [tilespmem:s18+$0x149D0]  }
0x14f: {  	v12 =	vld [tilespmem:s18+$0x149E0];
	v2 =	vmax.f32 v1, $1.000000000e+00  }
0x150: {  	v10 =	vld [tilespmem:s18+$0x149F0];
	(erf) = vrcp.f32 v2  }
0x151: {  	v8 =	vld [tilespmem:s18+$0x139D0]  }
0x152: {  	v11 =	vld [tilespmem:s18+$0x139F0]  }
0x153: {  	v13 =	vld [tilespmem:s18+$0x139E0]  }
0x154: {  	v14 =	vld [tilespmem:s18+$0x139C0]  }
0x155: {  	v15 =	vld [tilespmem:s18+$0x139B0]  }
0x156: {  	v6 =	vld [tilespmem:s18+$0x139A0]  }
0x157: {  	v0 =	vld [tilespmem:s18+$0x14990]  }
0x158: {  	v1 =	vld [tilespmem:s18+$0x149C0]  }
0x159: {  	v2 =	vld [tilespmem:s18+$0x13990];
	v3 =	vpop (erf)  }
0x15a: {  	v16 =	vmul.f32 v3, v4;
	v4 =	vld [tilespmem:s18+$0x149B0];
	v11 =	vmul.f32 v11, v3  }
0x15b: {  	vm0 =	vgt.s32 v5, $0x0;
	v5 =	vld [tilespmem:s18+$0x149A0];
	v17 =	vmul.f32 v8, v3;
	v13 =	vmul.f32 v13, v3  }
0x15c: {  	s19 =	simm.s32 $0x80;
	v8 =	vmul.f32 v14, v3;
	v16 =	vsel vm0, v16, v7;
	v10 =	vsel vm0, v11, v10  }
0x15d: {  	s20 =	simm.s32 $0x400;
	v7 =	vld [tilespmem:s19+$0x15980];
	v11 =	vmul.f32 v15, v3;
	v9 =	vsel vm0, v17, v9;
	v12 =	vsel vm0, v13, v12;
	[tilespmem:s18+$0x13980] =	vst v16  }
.LBB2_13:
0x15e: {  	p0 =	sne.s32 s20, $0x3E00;
	v13 =	vld [tilespmem:s19+$0x13980];
	v2 =	vmul.f32 v3, v2;
	v3 =	vmul.f32 v3, v6;
	v1 =	vsel vm0, v8, v1;
	[tilespmem:s18+$0x139F0] =	vst v10  }
0x15f: {  	v4 =	vsel vm0, v11, v4;
	[tilespmem:s18+$0x139E0] =	vst v12  }
0x160: {  	v0 =	vsel vm0, v2, v0;
	v2 =	vsel vm0, v3, v5;
	[tilespmem:s18+$0x139D0] =	vst v9  }
0x161: {  	[tilespmem:s18+$0x139C0] =	vst v1  }
0x162: {  	[tilespmem:s18+$0x139B0] =	vst v4  }
0x163: {  	v1 =	vsub.f32 v7, v13;
	[tilespmem:s18+$0x139A0] =	vst v2  }
0x164: {  	[tilespmem:s18+$0x13990] =	vst v0;
	s18 =	smov.u32 s19  }
0x165: {  	v0 =	vadd.f32 $5.000000000e-01, v1;
	_ =	sdelay $0x1  }
0x166: {  	v0 =	vtrunc.f32 v0  }
0x167: {  	v5 =	vcvt.f32.s32 v0;
	_ =	sdelay $0x1  }
0x168: {  	v1 =	vcvt.s32.f32 v5;
	v7 =	vld [tilespmem:s18+$0x14980]  }
0x169: {  	v0 =	vld [tilespmem:s18+$0x14990]  }
0x16a: {  	v2 =	vmax.f32 v1, $1.000000000e+00;
	v1 =	vld [tilespmem:s18+$0x149C0]  }
0x16b: {  	v9 =	vld [tilespmem:s18+$0x149D0];
	(erf) = vrcp.f32 v2  }
0x16c: {  	v12 =	vld [tilespmem:s18+$0x149E0]  }
0x16d: {  	v10 =	vld [tilespmem:s18+$0x149F0]  }
0x16e: {  	v2 =	vld [tilespmem:s18+$0x13990]  }
0x16f: {  	v8 =	vld [tilespmem:s18+$0x139D0]  }
0x170: {  	v11 =	vld [tilespmem:s18+$0x139F0]  }
0x171: {  	v14 =	vld [tilespmem:s18+$0x139E0]  }
0x172: {  	v15 =	vld [tilespmem:s18+$0x139C0]  }
0x173: {  	v16 =	vld [tilespmem:s18+$0x139B0]  }
.Ltmp8:
0x174: {  	v6 =	vld [tilespmem:s18+$0x139A0];
	v3 =	vpop (erf);
	(pc) =	sbr.rel @p0 .LBB2_13-.Ltmp8, $4  }
0x175: {  	v13 =	vmul.f32 v3, v13;
	v4 =	vld [tilespmem:s18+$0x149B0];
	v11 =	vmul.f32 v11, v3  }
0x176: {  	vm0 =	vgt.s32 v5, $0x0;
	v17 =	vmul.f32 v8, v3;
	v5 =	vld [tilespmem:s18+$0x149A0];
	v14 =	vmul.f32 v14, v3  }
0x177: {  	s19 =	sshra.s32 s20, $0x2;
	v13 =	vsel vm0, v13, v7;
	v8 =	vmul.f32 v15, v3;
	v10 =	vsel vm0, v11, v10  }
0x178: {  	s20 =	sadd.s32 $0x200, s20;
	v9 =	vsel vm0, v17, v9;
	v7 =	vld [tilespmem:s19+$0x15980];
	[tilespmem:s18+$0x13980] =	vst v13;
	v11 =	vmul.f32 v16, v3;
	v12 =	vsel vm0, v14, v12  }
0x179: {  	v13 =	vld [tilespmem:s19+$0x13980];
	_ =	sdelay $0x4  }
0x17a: {  	v7 =	vsub.f32 v7, v13;
	_ =	sdelay $0x1  }
0x17b: {  	v7 =	vadd.f32 $5.000000000e-01, v7  }
0x17c: {  	[tilespmem:s18+$0x139F0] =	vst v10  }
0x17d: {  	[tilespmem:s18+$0x139E0] =	vst v12;
	v1 =	vsel vm0, v8, v1;
	v48 =	vtrunc.f32 v7  }
0x17e: {  	v6 =	vmul.f32 v3, v6;
	[tilespmem:s18+$0x139C0] =	vst v1;
	v1 =	vcvt.f32.s32 v48  }
0x17f: {  	[tilespmem:s18+$0x139D0] =	vst v9;
	v2 =	vmul.f32 v3, v2;
	v47 =	vsel vm0, v11, v4  }
0x180: {  	v49 =	vsel vm0, v6, v5;
	[tilespmem:s18+$0x139B0] =	vst v47;
	v50 =	vcvt.s32.f32 v1  }
0x181: {  	v0 =	vsel vm0, v2, v0;
	[tilespmem:s18+$0x139A0] =	vst v49  }
0x182: {  	[tilespmem:s18+$0x13990] =	vst v0;
	v0 =	vmax.f32 v50, $1.000000000e+00  }
0x183: {  	v51 =	vld [tilespmem:s19+$0x14980];
	(erf) = vrcp.f32 v0  }
0x184: {  	v52 =	vld [tilespmem:s19+$0x149D0]  }
0x185: {  	v53 =	vld [tilespmem:s19+$0x149E0]  }
0x186: {  	v54 =	vld [tilespmem:s19+$0x149F0]  }
0x187: {  	v55 =	vld [tilespmem:s19+$0x13990]  }
0x188: {  	v56 =	vld [tilespmem:s19+$0x139D0]  }
0x189: {  	v9 =	vld [tilespmem:s19+$0x139F0]  }
0x18a: {  	v10 =	vld [tilespmem:s19+$0x139E0]  }
0x18b: {  	v57 =	vld [tilespmem:s19+$0x139C0]  }
0x18c: {  	v12 =	vld [tilespmem:s19+$0x139B0];
	v14 =	vpop (erf)  }
0x18d: {  	v15 =	vld [tilespmem:s19+$0x139A0];
	v13 =	vmul.f32 v14, v13  }
0x18e: {  	v16 =	vld [tilespmem:s19+$0x149B0];
	vm15 =	vgt.s32 v1, $0x0;
	v9 =	vmul.f32 v9, v14  }
0x18f: {  	v58 =	vld [tilespmem:s19+$0x149A0];
	v10 =	vmul.f32 v10, v14;
	v2 =	vsel vm15, v13, v51  }
0x190: {  	v4 =	vld [tilespmem:s19+$0x149C0];
	v8 =	vmul.f32 v56, v14;
	v6 =	vsel vm15, v9, v54;
	[tilespmem:s19+$0x13980] =	vst v2  }
0x191: {  	v3 =	vld [tilespmem:s19+$0x14990];
	v60 =	vmul.f32 v12, v14;
	v5 =	vsel vm15, v10, v53;
	[tilespmem:s19+$0x139F0] =	vst v6  }
0x192: {  	v61 =	vmul.f32 v14, v15;
	v0 =	vsel vm15, v8, v52;
	[tilespmem:s19+$0x139E0] =	vst v5  }
0x193: {  	v59 =	vmul.f32 v57, v14;
	v63 =	vsel vm15, v60, v16;
	[tilespmem:s19+$0x139D0] =	vst v0  }
0x194: {  	v62 =	vmul.f32 v14, v55;
	v1 =	vsel vm15, v61, v58;
	[tilespmem:s19+$0x139B0] =	vst v63  }
0x195: {  	v2 =	vsel vm15, v59, v4;
	[tilespmem:s19+$0x139A0] =	vst v1  }
0x196: {  	v0 =	vsel vm15, v62, v3;
	[tilespmem:s19+$0x139C0] =	vst v2  }
.Ltmp9:
0x197: {  	s17 =	sadd.s32 s2, s17;
	[tilespmem:s19+$0x13990] =	vst v0;
	(pc) =	sbr.rel .LBB2_19-.Ltmp9, $4  }
0x198: {  	[hbm4b:s17+s8] =	stream.linear.scatter [tilespmem:s10], [sflag:$0x4], $0x1000, $0x38;
	[tilespmem:$0x1C980] =	vst v63  }
0x199: {  	_ =	swait.ge [sflag:s13], $0x1000  }
0x19a: {  	[sflag:s13] =	ssyncset.done $0x0  }
0x19b: {  	[sflag:s13] =	ssyncadd.s32 $0xFFFFF000  }
.LBB2_15:
0x19c: {  	p0 =	sne.s32 s18, $0x138  }
.Ltmp10:
0x19d: {  	_ = 	snop;
	(pc) =	sbr.rel @p0 .LBB2_19-.Ltmp10, $1  }
0x19e: {  	_ =	sdelay $0x3  }
0x19f: {  	s17 =	simm.s32 $0x0  }
0x1a0: {  	[tilespmem:s10], [sflag:$0x4] =	stream.linear.gather [hbm4b:s7+s17], $0x800, $0x38;
	[tilespmem:$0x1C980] =	vst v63  }
0x1a1: {  	_ =	swait.ge [sflag:s13], $0x800  }
0x1a2: {  	[sflag:s13] =	ssyncset.done $0x0  }
0x1a3: {  	[sflag:s13] =	ssyncadd.s32 $0xFFFFF800  }
0x1a4: {  	[tilespmem:s14], [sflag:$0x4] =	stream.linear.gather [hbm4b:s11+s17], $0x800, $0x38;
	[tilespmem:$0x1C980] =	vst v63  }
0x1a5: {  	_ =	swait.ge [sflag:s13], $0x800  }
0x1a6: {  	[sflag:s13] =	ssyncset.done $0x0  }
0x1a7: {  	[sflag:s13] =	ssyncadd.s32 $0xFFFFF800  }
0x1a8: {  	[tilespmem:s15], [sflag:$0x4] =	stream.linear.gather [spmem:s6], $0x800, $0x38;
	[tilespmem:$0x1C980] =	vst v63  }
0x1a9: {  	_ =	swait.ge [sflag:s13], $0x800  }
0x1aa: {  	[sflag:s13] =	ssyncset.done $0x0  }
0x1ab: {  	s17 =	simm.s32 $0x0;
	[sflag:s13] =	ssyncadd.s32 $0xFFFFF800  }
0x1ac: {  	v0 =	vld [tilespmem:s17+$0x15980]  }
0x1ad: {  	v4 =	vld [tilespmem:s17+$0x13980];
	_ =	sdelay $0x4  }
0x1ae: {  	v0 =	vsub.f32 v0, v4;
	_ =	sdelay $0x1  }
0x1af: {  	v0 =	vadd.f32 $5.000000000e-01, v0;
	_ =	sdelay $0x1  }
0x1b0: {  	v0 =	vtrunc.f32 v0  }
0x1b1: {  	v5 =	vcvt.f32.s32 v0;
	_ =	sdelay $0x1  }
0x1b2: {  	v7 =	vld [tilespmem:s17+$0x14980];
	v1 =	vcvt.s32.f32 v5  }
0x1b3: {  	v9 =	vld [tilespmem:s17+$0x149D0]  }
0x1b4: {  	v12 =	vld [tilespmem:s17+$0x149E0];
	v2 =	vmax.f32 v1, $1.000000000e+00  }
0x1b5: {  	v10 =	vld [tilespmem:s17+$0x149F0];
	(erf) = vrcp.f32 v2  }
0x1b6: {  	v8 =	vld [tilespmem:s17+$0x139D0]  }
0x1b7: {  	v11 =	vld [tilespmem:s17+$0x139F0]  }
0x1b8: {  	v13 =	vld [tilespmem:s17+$0x139E0]  }
0x1b9: {  	v14 =	vld [tilespmem:s17+$0x139C0]  }
0x1ba: {  	v15 =	vld [tilespmem:s17+$0x139B0]  }
0x1bb: {  	v6 =	vld [tilespmem:s17+$0x139A0]  }
0x1bc: {  	v0 =	vld [tilespmem:s17+$0x14990]  }
0x1bd: {  	v1 =	vld [tilespmem:s17+$0x149C0]  }
0x1be: {  	v2 =	vld [tilespmem:s17+$0x13990];
	v3 =	vpop (erf)  }
0x1bf: {  	v16 =	vmul.f32 v3, v4;
	v4 =	vld [tilespmem:s17+$0x149B0];
	v11 =	vmul.f32 v11, v3  }
0x1c0: {  	vm0 =	vgt.s32 v5, $0x0;
	v5 =	vld [tilespmem:s17+$0x149A0];
	v17 =	vmul.f32 v8, v3;
	v13 =	vmul.f32 v13, v3  }
0x1c1: {  	s18 =	simm.s32 $0x80;
	v8 =	vmul.f32 v14, v3;
	v16 =	vsel vm0, v16, v7;
	v10 =	vsel vm0, v11, v10  }
0x1c2: {  	s19 =	simm.s32 $0x400;
	v7 =	vld [tilespmem:s18+$0x15980];
	v11 =	vmul.f32 v15, v3;
	v9 =	vsel vm0, v17, v9;
	v12 =	vsel vm0, v13, v12;
	[tilespmem:s17+$0x13980] =	vst v16  }
.LBB2_17:
0x1c3: {  	p0 =	sne.s32 s19, $0x1E00;
	v13 =	vld [tilespmem:s18+$0x13980];
	v2 =	vmul.f32 v3, v2;
	v3 =	vmul.f32 v3, v6;
	v1 =	vsel vm0, v8, v1;
	[tilespmem:s17+$0x139F0] =	vst v10  }
0x1c4: {  	v4 =	vsel vm0, v11, v4;
	[tilespmem:s17+$0x139E0] =	vst v12  }
0x1c5: {  	v0 =	vsel vm0, v2, v0;
	v2 =	vsel vm0, v3, v5;
	[tilespmem:s17+$0x139D0] =	vst v9  }
0x1c6: {  	[tilespmem:s17+$0x139C0] =	vst v1  }
0x1c7: {  	[tilespmem:s17+$0x139B0] =	vst v4  }
0x1c8: {  	v1 =	vsub.f32 v7, v13;
	[tilespmem:s17+$0x139A0] =	vst v2  }
0x1c9: {  	[tilespmem:s17+$0x13990] =	vst v0;
	s17 =	smov.u32 s18  }
0x1ca: {  	v0 =	vadd.f32 $5.000000000e-01, v1;
	_ =	sdelay $0x1  }
0x1cb: {  	v0 =	vtrunc.f32 v0  }
0x1cc: {  	v5 =	vcvt.f32.s32 v0;
	_ =	sdelay $0x1  }
0x1cd: {  	v1 =	vcvt.s32.f32 v5;
	v7 =	vld [tilespmem:s17+$0x14980]  }
0x1ce: {  	v0 =	vld [tilespmem:s17+$0x14990]  }
0x1cf: {  	v2 =	vmax.f32 v1, $1.000000000e+00;
	v1 =	vld [tilespmem:s17+$0x149C0]  }
0x1d0: {  	v9 =	vld [tilespmem:s17+$0x149D0];
	(erf) = vrcp.f32 v2  }
0x1d1: {  	v12 =	vld [tilespmem:s17+$0x149E0]  }
0x1d2: {  	v10 =	vld [tilespmem:s17+$0x149F0]  }
0x1d3: {  	v2 =	vld [tilespmem:s17+$0x13990]  }
0x1d4: {  	v8 =	vld [tilespmem:s17+$0x139D0]  }
0x1d5: {  	v11 =	vld [tilespmem:s17+$0x139F0]  }
0x1d6: {  	v14 =	vld [tilespmem:s17+$0x139E0]  }
0x1d7: {  	v15 =	vld [tilespmem:s17+$0x139C0]  }
0x1d8: {  	v16 =	vld [tilespmem:s17+$0x139B0]  }
.Ltmp11:
0x1d9: {  	v6 =	vld [tilespmem:s17+$0x139A0];
	v3 =	vpop (erf);
	(pc) =	sbr.rel @p0 .LBB2_17-.Ltmp11, $4  }
0x1da: {  	v13 =	vmul.f32 v3, v13;
	v4 =	vld [tilespmem:s17+$0x149B0];
	v11 =	vmul.f32 v11, v3  }
0x1db: {  	vm0 =	vgt.s32 v5, $0x0;
	v17 =	vmul.f32 v8, v3;
	v5 =	vld [tilespmem:s17+$0x149A0];
	v14 =	vmul.f32 v14, v3  }
0x1dc: {  	s18 =	sshra.s32 s19, $0x2;
	v13 =	vsel vm0, v13, v7;
	v8 =	vmul.f32 v15, v3;
	v10 =	vsel vm0, v11, v10  }
0x1dd: {  	s19 =	sadd.s32 $0x200, s19;
	v9 =	vsel vm0, v17, v9;
	v7 =	vld [tilespmem:s18+$0x15980];
	[tilespmem:s17+$0x13980] =	vst v13;
	v11 =	vmul.f32 v16, v3;
	v12 =	vsel vm0, v14, v12  }
.Ltmp12:
0x1de: {  	_ = 	snop;
	(pc) =	sbr.rel .LBB2_18-.Ltmp12, $1  }
0x1df: {  	_ =	sdelay $0x3  }
.LBB2_20:
0x1e0: {  	_ =	sfence.sel $0x180000  }
0x1e1: {  	[bflag:$0x0] =	sbarrier.arrive $0xFFFF  }
0x1e2: {  	p0 =	sne.s32 s4, $0x0;
	_ =	strace $0x9000004A  }
0x1e3: {  	s0 =	sadd.s32 @!p0 $0x100000, s0;
	[bflag:$0x2] =	sbarrier.arrive $0xFFFF  }
0x1e4: {  	[sflag:s0] =	ssyncadd.tile.s32 @!p0 $0x1;
	_ =	shalt  }
.Lfunc_end2:
_tile_overlayer_lowered:
.L_overlay_start_2:
0x1e5: {  	(tag) =	ssettag $0x2  }
0x1e6: {  	s0 =	rddreg [dreg:$0x0];
	s2 =	stileid.u32  }
0x1e7: {  	s1 =	rddreg [dreg:$0x1];
	p0 =	sne.s32 s2, $0x0  }
0x1e8: {  	s3 =	rddreg [dreg:$0x2];
	[bflag:$0x3] =	sbarrier.arrive $0xFFFF;
	s2 =	simm.s32 @!p0 $0x1C03  }
0x1e9: {  	[timem:s3], [sflag:s2] =	dma.local @!p0 [hbm:s0], s1  }
0x1ea: {  	s0 =	simm.s32 @!p0 $0x3  }
0x1eb: {  	_ =	swait.ge @!p0 [sflag:s0], s1  }
0x1ec: {  	s1 =	ssub.s32 @!p0 $0x0, s1;
	[sflag:s0] =	ssyncset.done @!p0 $0x0  }
0x1ed: {  	[sflag:s0] =	ssyncadd.s32 @!p0 s1  }
0x1ee: {  	[bflag:$0x3] =	sbarrier.arrive $0xFFFF  }
0x1ef: {  	_ =	shalt  }

</sc_bundles>
